<compile_context>
chip_gen: v7x
topology: tpu7x:2x2x1
jax: 0.10.2.dev20260603
libtpu: 0.0.44.dev20260713+nightly
codegen_flags: <defaults>
</compile_context>

<pallas_src>
import functools

import jax
import jax.numpy as jnp
from jax import lax
from jax.experimental import pallas as pl
from jax.experimental.pallas import tpu as pltpu
from jax.experimental.pallas import tpu_sc as plsc

N = 10000
E = 320000
D = 128
H = 16
G = 64

NC = 2
NS = 16
NW = NC * NS
K = 128
NCHUNK = 80
EPAD = NW * NCHUNK * K
NBUF = 8
NPAD = 10240
NPS = NPAD // NS

P = 128 // H
NR = N // P
NRP = NPAD // P


_SC_MESH = plsc.VectorSubcoreMesh(core_axis_name="c", subcore_axis_name="s")


@functools.partial(
    pl.kernel,
    out_type=jax.ShapeDtypeStruct((NC, NPAD, H), jnp.float32),
    mesh=_SC_MESH,
    scratch_types=[
        pltpu.VMEM((NCHUNK, K), jnp.int32),
        pltpu.VMEM((NCHUNK, K), jnp.int32),
        [pltpu.VMEM((K, H), jnp.float32) for _ in range(NBUF)],
        pltpu.VMEM_SHARED((NPAD, H), jnp.float32),
        pltpu.VMEM_SHARED((N, H), jnp.float32),
        [pltpu.SemaphoreType.DMA for _ in range(NBUF)],
        [pltpu.SemaphoreType.DMA for _ in range(NBUF)],
    ],
    compiler_params=pltpu.CompilerParams(use_tc_tiling_on_sc=False),
)
def _edge_agg(src_hbm, dst_hbm, y_hbm, z_hbm, out_hbm,
              src_all, dst_all, rows, acc_sh, y_sh, gsems, ssems):
    c = lax.axis_index("c")
    s = lax.axis_index("s")
    wid = c * NS + s

    YPS = N // NS
    stages = [
        pltpu.async_copy(src_hbm.at[wid], src_all, gsems[0]),
        pltpu.async_copy(dst_hbm.at[wid], dst_all, gsems[1]),
        pltpu.async_copy(y_hbm.at[pl.ds(s * YPS, YPS)],
                         y_sh.at[pl.ds(s * YPS, YPS)], gsems[2]),
        pltpu.async_copy(z_hbm, acc_sh.at[pl.ds(s * NPS, NPS)], gsems[3]),
    ]
    for d in stages:
        d.wait()
    plsc.subcore_barrier()

    def _iter(i, carry):
        j0 = i * NBUF
        gds = []
        for b in range(NBUF):
            @pl.when(i > 0)
            def _(b=b, j0=j0):
                pltpu.make_async_copy(
                    rows[b], acc_sh.at[dst_all.at[j0 - NBUF + b]], ssems[b]
                ).wait()

            gds.append(
                pltpu.async_copy(y_sh.at[src_all.at[j0 + b]], rows[b], gsems[b]))
        for b in range(NBUF):
            gds[b].wait()
            pltpu.async_copy(rows[b], acc_sh.at[dst_all.at[j0 + b]], ssems[b],
                             add=True)
        return carry

    lax.fori_loop(0, NCHUNK // NBUF, _iter, 0)
    for b in range(NBUF):
        pltpu.make_async_copy(
            rows[b], acc_sh.at[dst_all.at[NCHUNK - NBUF + b]], ssems[b]).wait()

    plsc.subcore_barrier()
    pltpu.sync_copy(acc_sh.at[pl.ds(s * NPS, NPS)],
                    out_hbm.at[c, pl.ds(s * NPS, NPS)])


def _proj_body(x_ref, w_ref, o_ref):
    w = w_ref[...]
    x3 = x_ref[...].reshape(NR, P, D)
    parts = [
        jnp.dot(x3[:, a, :], w, preferred_element_type=jnp.float32,
                precision=lax.Precision.HIGHEST)
        for a in range(P)
    ]
    o_ref[...] = jnp.concatenate(parts, axis=1)


_proj = pl.pallas_call(
    _proj_body,
    grid=(1,),
    in_specs=[
        pl.BlockSpec((N, D), lambda i: (0, 0)),
        pl.BlockSpec((D, H), lambda i: (0, 0)),
    ],
    out_specs=pl.BlockSpec((NR, 128), lambda i: (0, 0)),
    out_shape=jax.ShapeDtypeStruct((NR, 128), jnp.float32),
)


def _mlp1_body(y_ref, p0_ref, p1_ref, b1_ref, w2_ref, b2_ref, o_ref):
    z = jnp.maximum(
        y_ref[...] + p0_ref[0, :NR, :] + p1_ref[0, :NR, :] + b1_ref[...], 0.0)
    t = jnp.dot(z, w2_ref[...], preferred_element_type=jnp.float32,
                precision=lax.Precision.HIGHEST) + b2_ref[...]
    o_ref[...] = jnp.maximum(t, 0.0)


_mlp1 = pl.pallas_call(
    _mlp1_body,
    grid=(1,),
    in_specs=[
        pl.BlockSpec((NR, 128), lambda i: (0, 0)),
        pl.BlockSpec((1, NRP, 128), lambda i: (0, 0, 0)),
        pl.BlockSpec((1, NRP, 128), lambda i: (1, 0, 0)),
        pl.BlockSpec((1, 128), lambda i: (0, 0)),
        pl.BlockSpec((128, 128), lambda i: (0, 0)),
        pl.BlockSpec((1, 128), lambda i: (0, 0)),
    ],
    out_specs=pl.BlockSpec((NR, 128), lambda i: (0, 0)),
    out_shape=jax.ShapeDtypeStruct((NR, 128), jnp.float32),
)


def _mlp2_body(h_ref, q0_ref, q1_ref, b_ref, w1_ref, b1_ref, w2_ref, b2_ref,
               wl_ref, bl_ref, o_ref):
    z = h_ref[...] + q0_ref[0, :NR, :] + q1_ref[0, :NR, :]
    t = jnp.maximum(
        jnp.dot(z, w1_ref[...], preferred_element_type=jnp.float32,
                precision=lax.Precision.HIGHEST)
        + b1_ref[...], 0.0)
    u = jnp.dot(t, w2_ref[...], preferred_element_type=jnp.float32,
                precision=lax.Precision.HIGHEST) + b2_ref[...]

    gid = lax.broadcasted_iota(jnp.int32, (G, NR), 0)
    sums = jnp.zeros((G, H), jnp.float32)
    cnt = jnp.zeros((G, 1), jnp.float32)
    ones = jnp.ones((NR, 1), jnp.float32)
    for a in range(P):
        onehot_t = (b_ref[a:a + 1, :] == gid).astype(jnp.float32)
        sums += jnp.dot(onehot_t, u[:, a * H:(a + 1) * H],
                        preferred_element_type=jnp.float32,
                        precision=lax.Precision.HIGHEST)
        cnt += jnp.dot(onehot_t, ones, preferred_element_type=jnp.float32,
                       precision=lax.Precision.HIGHEST)

    v = jnp.dot(sums, wl_ref[...], preferred_element_type=jnp.float32,
                precision=lax.Precision.HIGHEST)
    o_ref[...] = v / jnp.maximum(cnt, 1.0) + bl_ref[...]


_mlp2pool = pl.pallas_call(
    _mlp2_body,
    grid=(1,),
    in_specs=[
        pl.BlockSpec((NR, 128), lambda i: (0, 0)),
        pl.BlockSpec((1, NRP, 128), lambda i: (0, 0, 0)),
        pl.BlockSpec((1, NRP, 128), lambda i: (1, 0, 0)),
        pl.BlockSpec((P, NR), lambda i: (0, 0)),
        pl.BlockSpec((128, 128), lambda i: (0, 0)),
        pl.BlockSpec((1, 128), lambda i: (0, 0)),
        pl.BlockSpec((128, 128), lambda i: (0, 0)),
        pl.BlockSpec((1, 128), lambda i: (0, 0)),
        pl.BlockSpec((H, 1), lambda i: (0, 0)),
        pl.BlockSpec((1, 1), lambda i: (0, 0)),
    ],
    out_specs=pl.BlockSpec((G, 1), lambda i: (0, 0)),
    out_shape=jax.ShapeDtypeStruct((G, 1), jnp.float32),
)


def _blockdiag(w):
    return jnp.kron(jnp.eye(P, dtype=jnp.float32), w)


def kernel(x, edge_index, batch, W1a, b1a, W2a, b2a, W1b, b1b, W2b, b2b, Wl, bl):
    src = edge_index[0].astype(jnp.int32)
    dst = edge_index[1].astype(jnp.int32)
    src3 = jnp.concatenate(
        [src, jnp.zeros((EPAD - E,), jnp.int32)]).reshape(NW, NCHUNK, K)
    dst3 = jnp.concatenate(
        [dst, jnp.full((EPAD - E,), N, jnp.int32)]).reshape(NW, NCHUNK, K)
    batch_t = batch.astype(jnp.int32).reshape(NR, P).T

    w2a_bd = _blockdiag(W2a)
    w1b_bd = _blockdiag(W1b)
    w2b_bd = _blockdiag(W2b)
    b1a_t = jnp.tile(b1a, P).reshape(1, 128)
    b2a_t = jnp.tile(b2a, P).reshape(1, 128)
    b1b_t = jnp.tile(b1b, P).reshape(1, 128)
    b2b_t = jnp.tile(b2b, P).reshape(1, 128)
    bl2 = bl.reshape(1, 1)
    zfill = jnp.zeros((NPS, H), jnp.float32)

    y = _proj(x, W1a)
    p = _edge_agg(src3, dst3, y.reshape(N, H), zfill)
    p_pk = p.reshape(NC, NRP, 128)
    h = _mlp1(y, p_pk, p_pk, b1a_t, w2a_bd, b2a_t)
    q = _edge_agg(src3, dst3, h.reshape(N, H), zfill)
    q_pk = q.reshape(NC, NRP, 128)
    out = _mlp2pool(h, q_pk, q_pk, batch_t,
                    w1b_bd, b1b_t, w2b_bd, b2b_t, Wl, bl2)
    return out

# --- scband reference (transcript-rebuilt; emitter-appended) ---
"""Pipeline reference for scband-ginmodel-67697274519788 (READ-ONLY COPY).

The authoritative reference and input builder live on the scoring server;
editing this copy changes nothing except your own understanding.
"""

import jax, jax.numpy as jnp
import numpy as np

N = 10000
E = 320000
D = 128
H = 16
G = 64

def setup_inputs(seed: int = 0) -> dict:
    key = jax.random.key(seed)
    ks = jax.random.split(key, 16)
    x = jax.random.normal(ks[0], (N, D), dtype=jnp.float32)
    edge_index = jax.random.randint(ks[1], (2, E), 0, N, dtype=jnp.int64)
    batch = jnp.sort(jax.random.randint(ks[2], (N,), 0, G, dtype=jnp.int64))
    s1 = 1.0 / np.sqrt(D)
    s2 = 1.0 / np.sqrt(H)
    W1a = jax.random.uniform(ks[3], (D, H), jnp.float32, -s1, s1)
    b1a = jax.random.uniform(ks[4], (H,), jnp.float32, -s1, s1)
    W2a = jax.random.uniform(ks[5], (H, H), jnp.float32, -s2, s2)
    b2a = jax.random.uniform(ks[6], (H,), jnp.float32, -s2, s2)
    W1b = jax.random.uniform(ks[7], (H, H), jnp.float32, -s2, s2)
    b1b = jax.random.uniform(ks[8], (H,), jnp.float32, -s2, s2)
    W2b = jax.random.uniform(ks[9], (H, H), jnp.float32, -s2, s2)
    b2b = jax.random.uniform(ks[10], (H,), jnp.float32, -s2, s2)
    Wl = jax.random.uniform(ks[11], (H, 1), jnp.float32, -s2, s2)
    bl = jax.random.uniform(ks[12], (1,), jnp.float32, -s2, s2)
    return {"x": x, "edge_index": edge_index, "batch": batch,
            "W1a": W1a, "b1a": b1a, "W2a": W2a, "b2a": b2a,
            "W1b": W1b, "b1b": b1b, "W2b": W2b, "b2b": b2b,
            "Wl": Wl, "bl": bl}

def _gin_conv(h, src, dst, W1, b1, W2, b2):
    # sum aggregation of neighbor messages (scatter-add), eps=0 (train_eps=False)
    agg = jnp.zeros_like(h).at[dst].add(h[src])
    z = h + agg  # (1 + eps) * h + agg with eps = 0
    z = jax.nn.relu(z @ W1 + b1)
    z = z @ W2 + b2
    return z

def reference(x, edge_index, batch, W1a, b1a, W2a, b2a, W1b, b1b, W2b, b2b, Wl, bl):
    src = edge_index[0]
    dst = edge_index[1]
    h = _gin_conv(x, src, dst, W1a, b1a, W2a, b2a)
    h = jax.nn.relu(h)  # inter-layer activation
    h = _gin_conv(h, src, dst, W1b, b1b, W2b, b2b)
    # global_mean_pool over graph ids
    sums = jax.ops.segment_sum(h, batch, num_segments=G)
    counts = jax.ops.segment_sum(jnp.ones((h.shape[0],), dtype=h.dtype), batch, num_segments=G)
    pooled = sums / jnp.maximum(counts, 1.0)[:, None]
    # dropout is identity in eval mode
    out = pooled @ Wl + bl
    return out

if __name__ == "__main__":
    import jax
    _d = setup_inputs()
    print(jax.jit(kernel)(*tuple(_d.values())))

</pallas_src>

<mosaic_0001>
#map = affine_map<(d0, d1) -> (0, 0, 0)>
#map1 = affine_map<(d0, d1) -> (0, 0)>
module attributes {stable_mosaic.version = 14 : i64} {
  func.func @_edge_agg(%arg0: i32, %arg1: i32, %arg2: memref<32x80x128xi32, #tpu.memory_space<hbm>>, %arg3: memref<32x80x128xi32, #tpu.memory_space<hbm>>, %arg4: memref<10000x16xf32, #tpu.memory_space<hbm>>, %arg5: memref<640x16xf32, #tpu.memory_space<hbm>>, %arg6: memref<2x10240x16xf32, #tpu.memory_space<hbm>>, %arg7: memref<80x128xi32, #tpu.memory_space<vmem>>, %arg8: memref<80x128xi32, #tpu.memory_space<vmem>>, %arg9: memref<128x16xf32, #tpu.memory_space<vmem>>, %arg10: memref<128x16xf32, #tpu.memory_space<vmem>>, %arg11: memref<128x16xf32, #tpu.memory_space<vmem>>, %arg12: memref<128x16xf32, #tpu.memory_space<vmem>>, %arg13: memref<128x16xf32, #tpu.memory_space<vmem>>, %arg14: memref<128x16xf32, #tpu.memory_space<vmem>>, %arg15: memref<128x16xf32, #tpu.memory_space<vmem>>, %arg16: memref<128x16xf32, #tpu.memory_space<vmem>>, %arg17: memref<10240x16xf32, #tpu.memory_space<vmem_shared>>, %arg18: memref<10000x16xf32, #tpu.memory_space<vmem_shared>>, %arg19: memref<!tpu.dma_semaphore, #tpu.memory_space<semaphore_mem>>, %arg20: memref<!tpu.dma_semaphore, #tpu.memory_space<semaphore_mem>>, %arg21: memref<!tpu.dma_semaphore, #tpu.memory_space<semaphore_mem>>, %arg22: memref<!tpu.dma_semaphore, #tpu.memory_space<semaphore_mem>>, %arg23: memref<!tpu.dma_semaphore, #tpu.memory_space<semaphore_mem>>, %arg24: memref<!tpu.dma_semaphore, #tpu.memory_space<semaphore_mem>>, %arg25: memref<!tpu.dma_semaphore, #tpu.memory_space<semaphore_mem>>, %arg26: memref<!tpu.dma_semaphore, #tpu.memory_space<semaphore_mem>>, %arg27: memref<!tpu.dma_semaphore, #tpu.memory_space<semaphore_mem>>, %arg28: memref<!tpu.dma_semaphore, #tpu.memory_space<semaphore_mem>>, %arg29: memref<!tpu.dma_semaphore, #tpu.memory_space<semaphore_mem>>, %arg30: memref<!tpu.dma_semaphore, #tpu.memory_space<semaphore_mem>>, %arg31: memref<!tpu.dma_semaphore, #tpu.memory_space<semaphore_mem>>, %arg32: memref<!tpu.dma_semaphore, #tpu.memory_space<semaphore_mem>>, %arg33: memref<!tpu.dma_semaphore, #tpu.memory_space<semaphore_mem>>, %arg34: memref<!tpu.dma_semaphore, #tpu.memory_space<semaphore_mem>>) attributes {dimension_semantics = [#tpu.dimension_semantics<core_parallel>, #tpu.dimension_semantics<subcore_parallel>], iteration_bounds = array<i64: 2, 16>, scalar_prefetch = 0 : i64, scratch_operands = 28 : i64, tpu.core_type = #tpu.core_type<sc_vector_subcore>, window_params = [{transform_indices = #map}, {transform_indices = #map}, {transform_indices = #map1}, {transform_indices = #map1}, {transform_indices = #map}]} {
    %mul3A = arith.constant 16 : i32
    %mul3A_0 = arith.muli %arg0, %mul3A : i32
    %add3A = arith.addi %mul3A_0, %arg1 : i32
    %dma_start3A = arith.constant 0 : i32
    %dma_start3A_1 = arith.constant 0 : i32
    %dma_start3A_2 = tpu.memref_slice %arg2[%add3A, %dma_start3A, %dma_start3A_1] : memref<32x80x128xi32, #tpu.memory_space<hbm>> -> memref<1x80x128xi32, #tpu.memory_space<hbm>>
    %dma_start3A_3 = tpu.memref_squeeze %dma_start3A_2 : memref<1x80x128xi32, #tpu.memory_space<hbm>> -> memref<80x128xi32, #tpu.memory_space<hbm>>
    %dma_start3A_4 = arith.constant 0 : i32
    %dma_start3A_5 = arith.constant 0 : i32
    %dma_start3A_6 = tpu.memref_slice %arg2[%add3A, %dma_start3A_4, %dma_start3A_5] : memref<32x80x128xi32, #tpu.memory_space<hbm>> -> memref<1x80x128xi32, #tpu.memory_space<hbm>>
    %dma_start3A_7 = tpu.memref_squeeze %dma_start3A_6 : memref<1x80x128xi32, #tpu.memory_space<hbm>> -> memref<80x128xi32, #tpu.memory_space<hbm>>
    tpu.enqueue_dma source(%dma_start3A_7 : memref<80x128xi32, #tpu.memory_space<hbm>>) target(%arg7 : memref<80x128xi32, #tpu.memory_space<vmem>>) target_semaphore(%arg19 : memref<!tpu.dma_semaphore, #tpu.memory_space<semaphore_mem>>)
    %dma_start3A_8 = arith.constant 0 : i32
    %dma_start3A_9 = arith.constant 0 : i32
    %dma_start3A_10 = tpu.memref_slice %arg3[%add3A, %dma_start3A_8, %dma_start3A_9] : memref<32x80x128xi32, #tpu.memory_space<hbm>> -> memref<1x80x128xi32, #tpu.memory_space<hbm>>
    %dma_start3A_11 = tpu.memref_squeeze %dma_start3A_10 : memref<1x80x128xi32, #tpu.memory_space<hbm>> -> memref<80x128xi32, #tpu.memory_space<hbm>>
    %dma_start3A_12 = arith.constant 0 : i32
    %dma_start3A_13 = arith.constant 0 : i32
    %dma_start3A_14 = tpu.memref_slice %arg3[%add3A, %dma_start3A_12, %dma_start3A_13] : memref<32x80x128xi32, #tpu.memory_space<hbm>> -> memref<1x80x128xi32, #tpu.memory_space<hbm>>
    %dma_start3A_15 = tpu.memref_squeeze %dma_start3A_14 : memref<1x80x128xi32, #tpu.memory_space<hbm>> -> memref<80x128xi32, #tpu.memory_space<hbm>>
    tpu.enqueue_dma source(%dma_start3A_15 : memref<80x128xi32, #tpu.memory_space<hbm>>) target(%arg8 : memref<80x128xi32, #tpu.memory_space<vmem>>) target_semaphore(%arg20 : memref<!tpu.dma_semaphore, #tpu.memory_space<semaphore_mem>>)
    %mul3A_16 = arith.constant 625 : i32
    %mul3A_17 = arith.muli %arg1, %mul3A_16 : i32
    %mul3A_18 = arith.constant 625 : i32
    %mul3A_19 = arith.muli %arg1, %mul3A_18 : i32
    %dma_start3A_20 = arith.constant 0 : i32
    %dma_start3A_21 = tpu.memref_slice %arg18[%mul3A_19, %dma_start3A_20] : memref<10000x16xf32, #tpu.memory_space<vmem_shared>> -> memref<625x16xf32, #tpu.memory_space<vmem_shared>>
    %dma_start3A_22 = arith.constant 0 : i32
    %dma_start3A_23 = tpu.memref_slice %arg4[%mul3A_17, %dma_start3A_22] : memref<10000x16xf32, #tpu.memory_space<hbm>> -> memref<625x16xf32, #tpu.memory_space<hbm>>
    tpu.enqueue_dma source(%dma_start3A_23 : memref<625x16xf32, #tpu.memory_space<hbm>>) target(%dma_start3A_21 : memref<625x16xf32, #tpu.memory_space<vmem_shared>>) target_semaphore(%arg21 : memref<!tpu.dma_semaphore, #tpu.memory_space<semaphore_mem>>)
    %mul3A_24 = arith.constant 640 : i32
    %mul3A_25 = arith.muli %arg1, %mul3A_24 : i32
    %dma_start3A_26 = arith.constant 0 : i32
    %dma_start3A_27 = tpu.memref_slice %arg17[%mul3A_25, %dma_start3A_26] : memref<10240x16xf32, #tpu.memory_space<vmem_shared>> -> memref<640x16xf32, #tpu.memory_space<vmem_shared>>
    tpu.enqueue_dma source(%arg5 : memref<640x16xf32, #tpu.memory_space<hbm>>) target(%dma_start3A_27 : memref<640x16xf32, #tpu.memory_space<vmem_shared>>) target_semaphore(%arg22 : memref<!tpu.dma_semaphore, #tpu.memory_space<semaphore_mem>>)
    %dma_wait3A = arith.constant 0 : i32
    %dma_wait3A_28 = arith.constant 0 : i32
    %dma_wait3A_29 = tpu.memref_slice %arg2[%add3A, %dma_wait3A, %dma_wait3A_28] : memref<32x80x128xi32, #tpu.memory_space<hbm>> -> memref<1x80x128xi32, #tpu.memory_space<hbm>>
    %dma_wait3A_30 = tpu.memref_squeeze %dma_wait3A_29 : memref<1x80x128xi32, #tpu.memory_space<hbm>> -> memref<80x128xi32, #tpu.memory_space<hbm>>
    %dma_wait3A_31 = arith.constant 0 : i32
    %dma_wait3A_32 = arith.constant 0 : i32
    %dma_wait3A_33 = tpu.memref_slice %arg2[%add3A, %dma_wait3A_31, %dma_wait3A_32] : memref<32x80x128xi32, #tpu.memory_space<hbm>> -> memref<1x80x128xi32, #tpu.memory_space<hbm>>
    %dma_wait3A_34 = tpu.memref_squeeze %dma_wait3A_33 : memref<1x80x128xi32, #tpu.memory_space<hbm>> -> memref<80x128xi32, #tpu.memory_space<hbm>>
    tpu.wait_dma2 semaphore(%arg19 : memref<!tpu.dma_semaphore, #tpu.memory_space<semaphore_mem>>) src(%dma_wait3A_34 : memref<80x128xi32, #tpu.memory_space<hbm>>) dst(%arg7 : memref<80x128xi32, #tpu.memory_space<vmem>>)
    %dma_wait3A_35 = arith.constant 0 : i32
    %dma_wait3A_36 = arith.constant 0 : i32
    %dma_wait3A_37 = tpu.memref_slice %arg3[%add3A, %dma_wait3A_35, %dma_wait3A_36] : memref<32x80x128xi32, #tpu.memory_space<hbm>> -> memref<1x80x128xi32, #tpu.memory_space<hbm>>
    %dma_wait3A_38 = tpu.memref_squeeze %dma_wait3A_37 : memref<1x80x128xi32, #tpu.memory_space<hbm>> -> memref<80x128xi32, #tpu.memory_space<hbm>>
    %dma_wait3A_39 = arith.constant 0 : i32
    %dma_wait3A_40 = arith.constant 0 : i32
    %dma_wait3A_41 = tpu.memref_slice %arg3[%add3A, %dma_wait3A_39, %dma_wait3A_40] : memref<32x80x128xi32, #tpu.memory_space<hbm>> -> memref<1x80x128xi32, #tpu.memory_space<hbm>>
    %dma_wait3A_42 = tpu.memref_squeeze %dma_wait3A_41 : memref<1x80x128xi32, #tpu.memory_space<hbm>> -> memref<80x128xi32, #tpu.memory_space<hbm>>
    tpu.wait_dma2 semaphore(%arg20 : memref<!tpu.dma_semaphore, #tpu.memory_space<semaphore_mem>>) src(%dma_wait3A_42 : memref<80x128xi32, #tpu.memory_space<hbm>>) dst(%arg8 : memref<80x128xi32, #tpu.memory_space<vmem>>)
    %dma_wait3A_43 = arith.constant 0 : i32
    %dma_wait3A_44 = tpu.memref_slice %arg18[%mul3A_19, %dma_wait3A_43] : memref<10000x16xf32, #tpu.memory_space<vmem_shared>> -> memref<625x16xf32, #tpu.memory_space<vmem_shared>>
    %dma_wait3A_45 = arith.constant 0 : i32
    %dma_wait3A_46 = tpu.memref_slice %arg4[%mul3A_17, %dma_wait3A_45] : memref<10000x16xf32, #tpu.memory_space<hbm>> -> memref<625x16xf32, #tpu.memory_space<hbm>>
    tpu.wait_dma2 semaphore(%arg21 : memref<!tpu.dma_semaphore, #tpu.memory_space<semaphore_mem>>) src(%dma_wait3A_46 : memref<625x16xf32, #tpu.memory_space<hbm>>) dst(%dma_wait3A_44 : memref<625x16xf32, #tpu.memory_space<vmem_shared>>)
    %dma_wait3A_47 = arith.constant 0 : i32
    %dma_wait3A_48 = tpu.memref_slice %arg17[%mul3A_25, %dma_wait3A_47] : memref<10240x16xf32, #tpu.memory_space<vmem_shared>> -> memref<640x16xf32, #tpu.memory_space<vmem_shared>>
    tpu.wait_dma2 semaphore(%arg22 : memref<!tpu.dma_semaphore, #tpu.memory_space<semaphore_mem>>) src(%arg5 : memref<640x16xf32, #tpu.memory_space<hbm>>) dst(%dma_wait3A_48 : memref<640x16xf32, #tpu.memory_space<vmem_shared>>)
    %barrier3A = arith.constant 0 : index
    tpu.barrier barrier_id(%barrier3A)
    %scan3A = arith.constant 0 : i32
    %scan3A_49 = arith.constant 0 : i32
    %scan3A_50 = arith.constant 10 : i32
    %scan3A_51 = arith.addi %scan3A_49, %scan3A_50 : i32
    %scan3A_52 = arith.constant 1 : i32
    scf.for %scan3A_115 = %scan3A_49 to %scan3A_51 step %scan3A_52  : i32 {
      %mul3A_116 = arith.constant 8 : i32
      %mul3A_117 = arith.muli %scan3A_115, %mul3A_116 : i32
      %gt3A = arith.constant 0 : i32
      %gt3A_118 = arith.cmpi sgt, %scan3A_115, %gt3A : i32
      %convert_element_type3A = arith.extui %gt3A_118 : i1 to i32
      %cond3A = arith.constant 0 : i32
      %cond3A_119 = arith.cmpi ne, %convert_element_type3A, %cond3A : i32
      scf.if %cond3A_119 {
        %sub3A = arith.constant 8 : i32
        %sub3A_331 = arith.subi %mul3A_117, %sub3A : i32
        %add3A_332 = arith.constant 0 : i32
        %add3A_333 = arith.addi %sub3A_331, %add3A_332 : i32
        %dma_wait3A_334 = arith.constant 0 : i32
        %dma_wait3A_335 = tpu.memref_slice %arg8[%add3A_333, %dma_wait3A_334] : memref<80x128xi32, #tpu.memory_space<vmem>> -> memref<1x128xi32, #tpu.memory_space<vmem>>
        %dma_wait3A_336 = tpu.memref_squeeze %dma_wait3A_335 : memref<1x128xi32, #tpu.memory_space<vmem>> -> memref<128xi32, #tpu.memory_space<vmem>>
        %dma_wait3A_337 = arith.constant 0 : i32
        %dma_wait3A_338 = arith.constant 0 : i32
        %dma_wait3A_339 = tpu.memref_slice %arg17[%dma_wait3A_337, %dma_wait3A_338] : memref<10240x16xf32, #tpu.memory_space<vmem_shared>> -> memref<10240x16xf32, #tpu.memory_space<vmem_shared>>
        tpu.wait_indirect_dma semaphore(%arg27 : memref<!tpu.dma_semaphore, #tpu.memory_space<semaphore_mem>>) src(%arg9 : memref<128x16xf32, #tpu.memory_space<vmem>>) dst(%dma_wait3A_339 : memref<10240x16xf32, #tpu.memory_space<vmem_shared>>)
      } else {
      }
      %add3A_120 = arith.constant 0 : i32
      %add3A_121 = arith.addi %mul3A_117, %add3A_120 : i32
      %dma_start3A_122 = arith.constant 0 : i32
      %dma_start3A_123 = tpu.memref_slice %arg7[%add3A_121, %dma_start3A_122] : memref<80x128xi32, #tpu.memory_space<vmem>> -> memref<1x128xi32, #tpu.memory_space<vmem>>
      %dma_start3A_124 = tpu.memref_squeeze %dma_start3A_123 : memref<1x128xi32, #tpu.memory_space<vmem>> -> memref<128xi32, #tpu.memory_space<vmem>>
      %dma_start3A_125 = arith.constant 0 : i32
      %dma_start3A_126 = arith.constant 0 : i32
      %dma_start3A_127 = tpu.memref_slice %arg18[%dma_start3A_125, %dma_start3A_126] : memref<10000x16xf32, #tpu.memory_space<vmem_shared>> -> memref<10000x16xf32, #tpu.memory_space<vmem_shared>>
      tpu.enqueue_indirect_dma source(%dma_start3A_127 : memref<10000x16xf32, #tpu.memory_space<vmem_shared>>) target(%arg9 : memref<128x16xf32, #tpu.memory_space<vmem>>) offsets(%dma_start3A_124 : memref<128xi32, #tpu.memory_space<vmem>>) semaphore(%arg19 : memref<!tpu.dma_semaphore, #tpu.memory_space<semaphore_mem>>)
      %gt3A_128 = arith.constant 0 : i32
      %gt3A_129 = arith.cmpi sgt, %scan3A_115, %gt3A_128 : i32
      %convert_element_type3A_130 = arith.extui %gt3A_129 : i1 to i32
      %cond3A_131 = arith.constant 0 : i32
      %cond3A_132 = arith.cmpi ne, %convert_element_type3A_130, %cond3A_131 : i32
      scf.if %cond3A_132 {
        %sub3A = arith.constant 8 : i32
        %sub3A_331 = arith.subi %mul3A_117, %sub3A : i32
        %add3A_332 = arith.constant 1 : i32
        %add3A_333 = arith.addi %sub3A_331, %add3A_332 : i32
        %dma_wait3A_334 = arith.constant 0 : i32
        %dma_wait3A_335 = tpu.memref_slice %arg8[%add3A_333, %dma_wait3A_334] : memref<80x128xi32, #tpu.memory_space<vmem>> -> memref<1x128xi32, #tpu.memory_space<vmem>>
        %dma_wait3A_336 = tpu.memref_squeeze %dma_wait3A_335 : memref<1x128xi32, #tpu.memory_space<vmem>> -> memref<128xi32, #tpu.memory_space<vmem>>
        %dma_wait3A_337 = arith.constant 0 : i32
        %dma_wait3A_338 = arith.constant 0 : i32
        %dma_wait3A_339 = tpu.memref_slice %arg17[%dma_wait3A_337, %dma_wait3A_338] : memref<10240x16xf32, #tpu.memory_space<vmem_shared>> -> memref<10240x16xf32, #tpu.memory_space<vmem_shared>>
        tpu.wait_indirect_dma semaphore(%arg28 : memref<!tpu.dma_semaphore, #tpu.memory_space<semaphore_mem>>) src(%arg10 : memref<128x16xf32, #tpu.memory_space<vmem>>) dst(%dma_wait3A_339 : memref<10240x16xf32, #tpu.memory_space<vmem_shared>>)
      } else {
      }
      %add3A_133 = arith.constant 1 : i32
      %add3A_134 = arith.addi %mul3A_117, %add3A_133 : i32
      %dma_start3A_135 = arith.constant 0 : i32
      %dma_start3A_136 = tpu.memref_slice %arg7[%add3A_134, %dma_start3A_135] : memref<80x128xi32, #tpu.memory_space<vmem>> -> memref<1x128xi32, #tpu.memory_space<vmem>>
      %dma_start3A_137 = tpu.memref_squeeze %dma_start3A_136 : memref<1x128xi32, #tpu.memory_space<vmem>> -> memref<128xi32, #tpu.memory_space<vmem>>
      %dma_start3A_138 = arith.constant 0 : i32
      %dma_start3A_139 = arith.constant 0 : i32
      %dma_start3A_140 = tpu.memref_slice %arg18[%dma_start3A_138, %dma_start3A_139] : memref<10000x16xf32, #tpu.memory_space<vmem_shared>> -> memref<10000x16xf32, #tpu.memory_space<vmem_shared>>
      tpu.enqueue_indirect_dma source(%dma_start3A_140 : memref<10000x16xf32, #tpu.memory_space<vmem_shared>>) target(%arg10 : memref<128x16xf32, #tpu.memory_space<vmem>>) offsets(%dma_start3A_137 : memref<128xi32, #tpu.memory_space<vmem>>) semaphore(%arg20 : memref<!tpu.dma_semaphore, #tpu.memory_space<semaphore_mem>>)
      %gt3A_141 = arith.constant 0 : i32
      %gt3A_142 = arith.cmpi sgt, %scan3A_115, %gt3A_141 : i32
      %convert_element_type3A_143 = arith.extui %gt3A_142 : i1 to i32
      %cond3A_144 = arith.constant 0 : i32
      %cond3A_145 = arith.cmpi ne, %convert_element_type3A_143, %cond3A_144 : i32
      scf.if %cond3A_145 {
        %sub3A = arith.constant 8 : i32
        %sub3A_331 = arith.subi %mul3A_117, %sub3A : i32
        %add3A_332 = arith.constant 2 : i32
        %add3A_333 = arith.addi %sub3A_331, %add3A_332 : i32
        %dma_wait3A_334 = arith.constant 0 : i32
        %dma_wait3A_335 = tpu.memref_slice %arg8[%add3A_333, %dma_wait3A_334] : memref<80x128xi32, #tpu.memory_space<vmem>> -> memref<1x128xi32, #tpu.memory_space<vmem>>
        %dma_wait3A_336 = tpu.memref_squeeze %dma_wait3A_335 : memref<1x128xi32, #tpu.memory_space<vmem>> -> memref<128xi32, #tpu.memory_space<vmem>>
        %dma_wait3A_337 = arith.constant 0 : i32
        %dma_wait3A_338 = arith.constant 0 : i32
        %dma_wait3A_339 = tpu.memref_slice %arg17[%dma_wait3A_337, %dma_wait3A_338] : memref<10240x16xf32, #tpu.memory_space<vmem_shared>> -> memref<10240x16xf32, #tpu.memory_space<vmem_shared>>
        tpu.wait_indirect_dma semaphore(%arg29 : memref<!tpu.dma_semaphore, #tpu.memory_space<semaphore_mem>>) src(%arg11 : memref<128x16xf32, #tpu.memory_space<vmem>>) dst(%dma_wait3A_339 : memref<10240x16xf32, #tpu.memory_space<vmem_shared>>)
      } else {
      }
      %add3A_146 = arith.constant 2 : i32
      %add3A_147 = arith.addi %mul3A_117, %add3A_146 : i32
      %dma_start3A_148 = arith.constant 0 : i32
      %dma_start3A_149 = tpu.memref_slice %arg7[%add3A_147, %dma_start3A_148] : memref<80x128xi32, #tpu.memory_space<vmem>> -> memref<1x128xi32, #tpu.memory_space<vmem>>
      %dma_start3A_150 = tpu.memref_squeeze %dma_start3A_149 : memref<1x128xi32, #tpu.memory_space<vmem>> -> memref<128xi32, #tpu.memory_space<vmem>>
      %dma_start3A_151 = arith.constant 0 : i32
      %dma_start3A_152 = arith.constant 0 : i32
      %dma_start3A_153 = tpu.memref_slice %arg18[%dma_start3A_151, %dma_start3A_152] : memref<10000x16xf32, #tpu.memory_space<vmem_shared>> -> memref<10000x16xf32, #tpu.memory_space<vmem_shared>>
      tpu.enqueue_indirect_dma source(%dma_start3A_153 : memref<10000x16xf32, #tpu.memory_space<vmem_shared>>) target(%arg11 : memref<128x16xf32, #tpu.memory_space<vmem>>) offsets(%dma_start3A_150 : memref<128xi32, #tpu.memory_space<vmem>>) semaphore(%arg21 : memref<!tpu.dma_semaphore, #tpu.memory_space<semaphore_mem>>)
      %gt3A_154 = arith.constant 0 : i32
      %gt3A_155 = arith.cmpi sgt, %scan3A_115, %gt3A_154 : i32
      %convert_element_type3A_156 = arith.extui %gt3A_155 : i1 to i32
      %cond3A_157 = arith.constant 0 : i32
      %cond3A_158 = arith.cmpi ne, %convert_element_type3A_156, %cond3A_157 : i32
      scf.if %cond3A_158 {
        %sub3A = arith.constant 8 : i32
        %sub3A_331 = arith.subi %mul3A_117, %sub3A : i32
        %add3A_332 = arith.constant 3 : i32
        %add3A_333 = arith.addi %sub3A_331, %add3A_332 : i32
        %dma_wait3A_334 = arith.constant 0 : i32
        %dma_wait3A_335 = tpu.memref_slice %arg8[%add3A_333, %dma_wait3A_334] : memref<80x128xi32, #tpu.memory_space<vmem>> -> memref<1x128xi32, #tpu.memory_space<vmem>>
        %dma_wait3A_336 = tpu.memref_squeeze %dma_wait3A_335 : memref<1x128xi32, #tpu.memory_space<vmem>> -> memref<128xi32, #tpu.memory_space<vmem>>
        %dma_wait3A_337 = arith.constant 0 : i32
        %dma_wait3A_338 = arith.constant 0 : i32
        %dma_wait3A_339 = tpu.memref_slice %arg17[%dma_wait3A_337, %dma_wait3A_338] : memref<10240x16xf32, #tpu.memory_space<vmem_shared>> -> memref<10240x16xf32, #tpu.memory_space<vmem_shared>>
        tpu.wait_indirect_dma semaphore(%arg30 : memref<!tpu.dma_semaphore, #tpu.memory_space<semaphore_mem>>) src(%arg12 : memref<128x16xf32, #tpu.memory_space<vmem>>) dst(%dma_wait3A_339 : memref<10240x16xf32, #tpu.memory_space<vmem_shared>>)
      } else {
      }
      %add3A_159 = arith.constant 3 : i32
      %add3A_160 = arith.addi %mul3A_117, %add3A_159 : i32
      %dma_start3A_161 = arith.constant 0 : i32
      %dma_start3A_162 = tpu.memref_slice %arg7[%add3A_160, %dma_start3A_161] : memref<80x128xi32, #tpu.memory_space<vmem>> -> memref<1x128xi32, #tpu.memory_space<vmem>>
      %dma_start3A_163 = tpu.memref_squeeze %dma_start3A_162 : memref<1x128xi32, #tpu.memory_space<vmem>> -> memref<128xi32, #tpu.memory_space<vmem>>
      %dma_start3A_164 = arith.constant 0 : i32
      %dma_start3A_165 = arith.constant 0 : i32
      %dma_start3A_166 = tpu.memref_slice %arg18[%dma_start3A_164, %dma_start3A_165] : memref<10000x16xf32, #tpu.memory_space<vmem_shared>> -> memref<10000x16xf32, #tpu.memory_space<vmem_shared>>
      tpu.enqueue_indirect_dma source(%dma_start3A_166 : memref<10000x16xf32, #tpu.memory_space<vmem_shared>>) target(%arg12 : memref<128x16xf32, #tpu.memory_space<vmem>>) offsets(%dma_start3A_163 : memref<128xi32, #tpu.memory_space<vmem>>) semaphore(%arg22 : memref<!tpu.dma_semaphore, #tpu.memory_space<semaphore_mem>>)
      %gt3A_167 = arith.constant 0 : i32
      %gt3A_168 = arith.cmpi sgt, %scan3A_115, %gt3A_167 : i32
      %convert_element_type3A_169 = arith.extui %gt3A_168 : i1 to i32
      %cond3A_170 = arith.constant 0 : i32
      %cond3A_171 = arith.cmpi ne, %convert_element_type3A_169, %cond3A_170 : i32
      scf.if %cond3A_171 {
        %sub3A = arith.constant 8 : i32
        %sub3A_331 = arith.subi %mul3A_117, %sub3A : i32
        %add3A_332 = arith.constant 4 : i32
        %add3A_333 = arith.addi %sub3A_331, %add3A_332 : i32
        %dma_wait3A_334 = arith.constant 0 : i32
        %dma_wait3A_335 = tpu.memref_slice %arg8[%add3A_333, %dma_wait3A_334] : memref<80x128xi32, #tpu.memory_space<vmem>> -> memref<1x128xi32, #tpu.memory_space<vmem>>
        %dma_wait3A_336 = tpu.memref_squeeze %dma_wait3A_335 : memref<1x128xi32, #tpu.memory_space<vmem>> -> memref<128xi32, #tpu.memory_space<vmem>>
        %dma_wait3A_337 = arith.constant 0 : i32
        %dma_wait3A_338 = arith.constant 0 : i32
        %dma_wait3A_339 = tpu.memref_slice %arg17[%dma_wait3A_337, %dma_wait3A_338] : memref<10240x16xf32, #tpu.memory_space<vmem_shared>> -> memref<10240x16xf32, #tpu.memory_space<vmem_shared>>
        tpu.wait_indirect_dma semaphore(%arg31 : memref<!tpu.dma_semaphore, #tpu.memory_space<semaphore_mem>>) src(%arg13 : memref<128x16xf32, #tpu.memory_space<vmem>>) dst(%dma_wait3A_339 : memref<10240x16xf32, #tpu.memory_space<vmem_shared>>)
      } else {
      }
      %add3A_172 = arith.constant 4 : i32
      %add3A_173 = arith.addi %mul3A_117, %add3A_172 : i32
      %dma_start3A_174 = arith.constant 0 : i32
      %dma_start3A_175 = tpu.memref_slice %arg7[%add3A_173, %dma_start3A_174] : memref<80x128xi32, #tpu.memory_space<vmem>> -> memref<1x128xi32, #tpu.memory_space<vmem>>
      %dma_start3A_176 = tpu.memref_squeeze %dma_start3A_175 : memref<1x128xi32, #tpu.memory_space<vmem>> -> memref<128xi32, #tpu.memory_space<vmem>>
      %dma_start3A_177 = arith.constant 0 : i32
      %dma_start3A_178 = arith.constant 0 : i32
      %dma_start3A_179 = tpu.memref_slice %arg18[%dma_start3A_177, %dma_start3A_178] : memref<10000x16xf32, #tpu.memory_space<vmem_shared>> -> memref<10000x16xf32, #tpu.memory_space<vmem_shared>>
      tpu.enqueue_indirect_dma source(%dma_start3A_179 : memref<10000x16xf32, #tpu.memory_space<vmem_shared>>) target(%arg13 : memref<128x16xf32, #tpu.memory_space<vmem>>) offsets(%dma_start3A_176 : memref<128xi32, #tpu.memory_space<vmem>>) semaphore(%arg23 : memref<!tpu.dma_semaphore, #tpu.memory_space<semaphore_mem>>)
      %gt3A_180 = arith.constant 0 : i32
      %gt3A_181 = arith.cmpi sgt, %scan3A_115, %gt3A_180 : i32
      %convert_element_type3A_182 = arith.extui %gt3A_181 : i1 to i32
      %cond3A_183 = arith.constant 0 : i32
      %cond3A_184 = arith.cmpi ne, %convert_element_type3A_182, %cond3A_183 : i32
      scf.if %cond3A_184 {
        %sub3A = arith.constant 8 : i32
        %sub3A_331 = arith.subi %mul3A_117, %sub3A : i32
        %add3A_332 = arith.constant 5 : i32
        %add3A_333 = arith.addi %sub3A_331, %add3A_332 : i32
        %dma_wait3A_334 = arith.constant 0 : i32
        %dma_wait3A_335 = tpu.memref_slice %arg8[%add3A_333, %dma_wait3A_334] : memref<80x128xi32, #tpu.memory_space<vmem>> -> memref<1x128xi32, #tpu.memory_space<vmem>>
        %dma_wait3A_336 = tpu.memref_squeeze %dma_wait3A_335 : memref<1x128xi32, #tpu.memory_space<vmem>> -> memref<128xi32, #tpu.memory_space<vmem>>
        %dma_wait3A_337 = arith.constant 0 : i32
        %dma_wait3A_338 = arith.constant 0 : i32
        %dma_wait3A_339 = tpu.memref_slice %arg17[%dma_wait3A_337, %dma_wait3A_338] : memref<10240x16xf32, #tpu.memory_space<vmem_shared>> -> memref<10240x16xf32, #tpu.memory_space<vmem_shared>>
        tpu.wait_indirect_dma semaphore(%arg32 : memref<!tpu.dma_semaphore, #tpu.memory_space<semaphore_mem>>) src(%arg14 : memref<128x16xf32, #tpu.memory_space<vmem>>) dst(%dma_wait3A_339 : memref<10240x16xf32, #tpu.memory_space<vmem_shared>>)
      } else {
      }
      %add3A_185 = arith.constant 5 : i32
      %add3A_186 = arith.addi %mul3A_117, %add3A_185 : i32
      %dma_start3A_187 = arith.constant 0 : i32
      %dma_start3A_188 = tpu.memref_slice %arg7[%add3A_186, %dma_start3A_187] : memref<80x128xi32, #tpu.memory_space<vmem>> -> memref<1x128xi32, #tpu.memory_space<vmem>>
      %dma_start3A_189 = tpu.memref_squeeze %dma_start3A_188 : memref<1x128xi32, #tpu.memory_space<vmem>> -> memref<128xi32, #tpu.memory_space<vmem>>
      %dma_start3A_190 = arith.constant 0 : i32
      %dma_start3A_191 = arith.constant 0 : i32
      %dma_start3A_192 = tpu.memref_slice %arg18[%dma_start3A_190, %dma_start3A_191] : memref<10000x16xf32, #tpu.memory_space<vmem_shared>> -> memref<10000x16xf32, #tpu.memory_space<vmem_shared>>
      tpu.enqueue_indirect_dma source(%dma_start3A_192 : memref<10000x16xf32, #tpu.memory_space<vmem_shared>>) target(%arg14 : memref<128x16xf32, #tpu.memory_space<vmem>>) offsets(%dma_start3A_189 : memref<128xi32, #tpu.memory_space<vmem>>) semaphore(%arg24 : memref<!tpu.dma_semaphore, #tpu.memory_space<semaphore_mem>>)
      %gt3A_193 = arith.constant 0 : i32
      %gt3A_194 = arith.cmpi sgt, %scan3A_115, %gt3A_193 : i32
      %convert_element_type3A_195 = arith.extui %gt3A_194 : i1 to i32
      %cond3A_196 = arith.constant 0 : i32
      %cond3A_197 = arith.cmpi ne, %convert_element_type3A_195, %cond3A_196 : i32
      scf.if %cond3A_197 {
        %sub3A = arith.constant 8 : i32
        %sub3A_331 = arith.subi %mul3A_117, %sub3A : i32
        %add3A_332 = arith.constant 6 : i32
        %add3A_333 = arith.addi %sub3A_331, %add3A_332 : i32
        %dma_wait3A_334 = arith.constant 0 : i32
        %dma_wait3A_335 = tpu.memref_slice %arg8[%add3A_333, %dma_wait3A_334] : memref<80x128xi32, #tpu.memory_space<vmem>> -> memref<1x128xi32, #tpu.memory_space<vmem>>
        %dma_wait3A_336 = tpu.memref_squeeze %dma_wait3A_335 : memref<1x128xi32, #tpu.memory_space<vmem>> -> memref<128xi32, #tpu.memory_space<vmem>>
        %dma_wait3A_337 = arith.constant 0 : i32
        %dma_wait3A_338 = arith.constant 0 : i32
        %dma_wait3A_339 = tpu.memref_slice %arg17[%dma_wait3A_337, %dma_wait3A_338] : memref<10240x16xf32, #tpu.memory_space<vmem_shared>> -> memref<10240x16xf32, #tpu.memory_space<vmem_shared>>
        tpu.wait_indirect_dma semaphore(%arg33 : memref<!tpu.dma_semaphore, #tpu.memory_space<semaphore_mem>>) src(%arg15 : memref<128x16xf32, #tpu.memory_space<vmem>>) dst(%dma_wait3A_339 : memref<10240x16xf32, #tpu.memory_space<vmem_shared>>)
      } else {
      }
      %add3A_198 = arith.constant 6 : i32
      %add3A_199 = arith.addi %mul3A_117, %add3A_198 : i32
      %dma_start3A_200 = arith.constant 0 : i32
      %dma_start3A_201 = tpu.memref_slice %arg7[%add3A_199, %dma_start3A_200] : memref<80x128xi32, #tpu.memory_space<vmem>> -> memref<1x128xi32, #tpu.memory_space<vmem>>
      %dma_start3A_202 = tpu.memref_squeeze %dma_start3A_201 : memref<1x128xi32, #tpu.memory_space<vmem>> -> memref<128xi32, #tpu.memory_space<vmem>>
      %dma_start3A_203 = arith.constant 0 : i32
      %dma_start3A_204 = arith.constant 0 : i32
      %dma_start3A_205 = tpu.memref_slice %arg18[%dma_start3A_203, %dma_start3A_204] : memref<10000x16xf32, #tpu.memory_space<vmem_shared>> -> memref<10000x16xf32, #tpu.memory_space<vmem_shared>>
      tpu.enqueue_indirect_dma source(%dma_start3A_205 : memref<10000x16xf32, #tpu.memory_space<vmem_shared>>) target(%arg15 : memref<128x16xf32, #tpu.memory_space<vmem>>) offsets(%dma_start3A_202 : memref<128xi32, #tpu.memory_space<vmem>>) semaphore(%arg25 : memref<!tpu.dma_semaphore, #tpu.memory_space<semaphore_mem>>)
      %gt3A_206 = arith.constant 0 : i32
      %gt3A_207 = arith.cmpi sgt, %scan3A_115, %gt3A_206 : i32
      %convert_element_type3A_208 = arith.extui %gt3A_207 : i1 to i32
      %cond3A_209 = arith.constant 0 : i32
      %cond3A_210 = arith.cmpi ne, %convert_element_type3A_208, %cond3A_209 : i32
      scf.if %cond3A_210 {
        %sub3A = arith.constant 8 : i32
        %sub3A_331 = arith.subi %mul3A_117, %sub3A : i32
        %add3A_332 = arith.constant 7 : i32
        %add3A_333 = arith.addi %sub3A_331, %add3A_332 : i32
        %dma_wait3A_334 = arith.constant 0 : i32
        %dma_wait3A_335 = tpu.memref_slice %arg8[%add3A_333, %dma_wait3A_334] : memref<80x128xi32, #tpu.memory_space<vmem>> -> memref<1x128xi32, #tpu.memory_space<vmem>>
        %dma_wait3A_336 = tpu.memref_squeeze %dma_wait3A_335 : memref<1x128xi32, #tpu.memory_space<vmem>> -> memref<128xi32, #tpu.memory_space<vmem>>
        %dma_wait3A_337 = arith.constant 0 : i32
        %dma_wait3A_338 = arith.constant 0 : i32
        %dma_wait3A_339 = tpu.memref_slice %arg17[%dma_wait3A_337, %dma_wait3A_338] : memref<10240x16xf32, #tpu.memory_space<vmem_shared>> -> memref<10240x16xf32, #tpu.memory_space<vmem_shared>>
        tpu.wait_indirect_dma semaphore(%arg34 : memref<!tpu.dma_semaphore, #tpu.memory_space<semaphore_mem>>) src(%arg16 : memref<128x16xf32, #tpu.memory_space<vmem>>) dst(%dma_wait3A_339 : memref<10240x16xf32, #tpu.memory_space<vmem_shared>>)
      } else {
      }
      %add3A_211 = arith.constant 7 : i32
      %add3A_212 = arith.addi %mul3A_117, %add3A_211 : i32
      %dma_start3A_213 = arith.constant 0 : i32
      %dma_start3A_214 = tpu.memref_slice %arg7[%add3A_212, %dma_start3A_213] : memref<80x128xi32, #tpu.memory_space<vmem>> -> memref<1x128xi32, #tpu.memory_space<vmem>>
      %dma_start3A_215 = tpu.memref_squeeze %dma_start3A_214 : memref<1x128xi32, #tpu.memory_space<vmem>> -> memref<128xi32, #tpu.memory_space<vmem>>
      %dma_start3A_216 = arith.constant 0 : i32
      %dma_start3A_217 = arith.constant 0 : i32
      %dma_start3A_218 = tpu.memref_slice %arg18[%dma_start3A_216, %dma_start3A_217] : memref<10000x16xf32, #tpu.memory_space<vmem_shared>> -> memref<10000x16xf32, #tpu.memory_space<vmem_shared>>
      tpu.enqueue_indirect_dma source(%dma_start3A_218 : memref<10000x16xf32, #tpu.memory_space<vmem_shared>>) target(%arg16 : memref<128x16xf32, #tpu.memory_space<vmem>>) offsets(%dma_start3A_215 : memref<128xi32, #tpu.memory_space<vmem>>) semaphore(%arg26 : memref<!tpu.dma_semaphore, #tpu.memory_space<semaphore_mem>>)
      %dma_wait3A_219 = arith.constant 0 : i32
      %dma_wait3A_220 = tpu.memref_slice %arg7[%add3A_121, %dma_wait3A_219] : memref<80x128xi32, #tpu.memory_space<vmem>> -> memref<1x128xi32, #tpu.memory_space<vmem>>
      %dma_wait3A_221 = tpu.memref_squeeze %dma_wait3A_220 : memref<1x128xi32, #tpu.memory_space<vmem>> -> memref<128xi32, #tpu.memory_space<vmem>>
      %dma_wait3A_222 = arith.constant 0 : i32
      %dma_wait3A_223 = arith.constant 0 : i32
      %dma_wait3A_224 = tpu.memref_slice %arg18[%dma_wait3A_222, %dma_wait3A_223] : memref<10000x16xf32, #tpu.memory_space<vmem_shared>> -> memref<10000x16xf32, #tpu.memory_space<vmem_shared>>
      tpu.wait_indirect_dma semaphore(%arg19 : memref<!tpu.dma_semaphore, #tpu.memory_space<semaphore_mem>>) src(%dma_wait3A_224 : memref<10000x16xf32, #tpu.memory_space<vmem_shared>>) dst(%arg9 : memref<128x16xf32, #tpu.memory_space<vmem>>)
      %add3A_225 = arith.constant 0 : i32
      %add3A_226 = arith.addi %mul3A_117, %add3A_225 : i32
      %dma_start3A_227 = arith.constant 0 : i32
      %dma_start3A_228 = tpu.memref_slice %arg8[%add3A_226, %dma_start3A_227] : memref<80x128xi32, #tpu.memory_space<vmem>> -> memref<1x128xi32, #tpu.memory_space<vmem>>
      %dma_start3A_229 = tpu.memref_squeeze %dma_start3A_228 : memref<1x128xi32, #tpu.memory_space<vmem>> -> memref<128xi32, #tpu.memory_space<vmem>>
      %dma_start3A_230 = arith.constant 0 : i32
      %dma_start3A_231 = arith.constant 0 : i32
      %dma_start3A_232 = tpu.memref_slice %arg17[%dma_start3A_230, %dma_start3A_231] : memref<10240x16xf32, #tpu.memory_space<vmem_shared>> -> memref<10240x16xf32, #tpu.memory_space<vmem_shared>>
      tpu.enqueue_indirect_dma source(%arg9 : memref<128x16xf32, #tpu.memory_space<vmem>>) target(%dma_start3A_232 : memref<10240x16xf32, #tpu.memory_space<vmem_shared>>) offsets(%dma_start3A_229 : memref<128xi32, #tpu.memory_space<vmem>>) semaphore(%arg27 : memref<!tpu.dma_semaphore, #tpu.memory_space<semaphore_mem>>) {add = true}
      %dma_wait3A_233 = arith.constant 0 : i32
      %dma_wait3A_234 = tpu.memref_slice %arg7[%add3A_134, %dma_wait3A_233] : memref<80x128xi32, #tpu.memory_space<vmem>> -> memref<1x128xi32, #tpu.memory_space<vmem>>
      %dma_wait3A_235 = tpu.memref_squeeze %dma_wait3A_234 : memref<1x128xi32, #tpu.memory_space<vmem>> -> memref<128xi32, #tpu.memory_space<vmem>>
      %dma_wait3A_236 = arith.constant 0 : i32
      %dma_wait3A_237 = arith.constant 0 : i32
      %dma_wait3A_238 = tpu.memref_slice %arg18[%dma_wait3A_236, %dma_wait3A_237] : memref<10000x16xf32, #tpu.memory_space<vmem_shared>> -> memref<10000x16xf32, #tpu.memory_space<vmem_shared>>
      tpu.wait_indirect_dma semaphore(%arg20 : memref<!tpu.dma_semaphore, #tpu.memory_space<semaphore_mem>>) src(%dma_wait3A_238 : memref<10000x16xf32, #tpu.memory_space<vmem_shared>>) dst(%arg10 : memref<128x16xf32, #tpu.memory_space<vmem>>)
      %add3A_239 = arith.constant 1 : i32
      %add3A_240 = arith.addi %mul3A_117, %add3A_239 : i32
      %dma_start3A_241 = arith.constant 0 : i32
      %dma_start3A_242 = tpu.memref_slice %arg8[%add3A_240, %dma_start3A_241] : memref<80x128xi32, #tpu.memory_space<vmem>> -> memref<1x128xi32, #tpu.memory_space<vmem>>
      %dma_start3A_243 = tpu.memref_squeeze %dma_start3A_242 : memref<1x128xi32, #tpu.memory_space<vmem>> -> memref<128xi32, #tpu.memory_space<vmem>>
      %dma_start3A_244 = arith.constant 0 : i32
      %dma_start3A_245 = arith.constant 0 : i32
      %dma_start3A_246 = tpu.memref_slice %arg17[%dma_start3A_244, %dma_start3A_245] : memref<10240x16xf32, #tpu.memory_space<vmem_shared>> -> memref<10240x16xf32, #tpu.memory_space<vmem_shared>>
      tpu.enqueue_indirect_dma source(%arg10 : memref<128x16xf32, #tpu.memory_space<vmem>>) target(%dma_start3A_246 : memref<10240x16xf32, #tpu.memory_space<vmem_shared>>) offsets(%dma_start3A_243 : memref<128xi32, #tpu.memory_space<vmem>>) semaphore(%arg28 : memref<!tpu.dma_semaphore, #tpu.memory_space<semaphore_mem>>) {add = true}
      %dma_wait3A_247 = arith.constant 0 : i32
      %dma_wait3A_248 = tpu.memref_slice %arg7[%add3A_147, %dma_wait3A_247] : memref<80x128xi32, #tpu.memory_space<vmem>> -> memref<1x128xi32, #tpu.memory_space<vmem>>
      %dma_wait3A_249 = tpu.memref_squeeze %dma_wait3A_248 : memref<1x128xi32, #tpu.memory_space<vmem>> -> memref<128xi32, #tpu.memory_space<vmem>>
      %dma_wait3A_250 = arith.constant 0 : i32
      %dma_wait3A_251 = arith.constant 0 : i32
      %dma_wait3A_252 = tpu.memref_slice %arg18[%dma_wait3A_250, %dma_wait3A_251] : memref<10000x16xf32, #tpu.memory_space<vmem_shared>> -> memref<10000x16xf32, #tpu.memory_space<vmem_shared>>
      tpu.wait_indirect_dma semaphore(%arg21 : memref<!tpu.dma_semaphore, #tpu.memory_space<semaphore_mem>>) src(%dma_wait3A_252 : memref<10000x16xf32, #tpu.memory_space<vmem_shared>>) dst(%arg11 : memref<128x16xf32, #tpu.memory_space<vmem>>)
      %add3A_253 = arith.constant 2 : i32
      %add3A_254 = arith.addi %mul3A_117, %add3A_253 : i32
      %dma_start3A_255 = arith.constant 0 : i32
      %dma_start3A_256 = tpu.memref_slice %arg8[%add3A_254, %dma_start3A_255] : memref<80x128xi32, #tpu.memory_space<vmem>> -> memref<1x128xi32, #tpu.memory_space<vmem>>
      %dma_start3A_257 = tpu.memref_squeeze %dma_start3A_256 : memref<1x128xi32, #tpu.memory_space<vmem>> -> memref<128xi32, #tpu.memory_space<vmem>>
      %dma_start3A_258 = arith.constant 0 : i32
      %dma_start3A_259 = arith.constant 0 : i32
      %dma_start3A_260 = tpu.memref_slice %arg17[%dma_start3A_258, %dma_start3A_259] : memref<10240x16xf32, #tpu.memory_space<vmem_shared>> -> memref<10240x16xf32, #tpu.memory_space<vmem_shared>>
      tpu.enqueue_indirect_dma source(%arg11 : memref<128x16xf32, #tpu.memory_space<vmem>>) target(%dma_start3A_260 : memref<10240x16xf32, #tpu.memory_space<vmem_shared>>) offsets(%dma_start3A_257 : memref<128xi32, #tpu.memory_space<vmem>>) semaphore(%arg29 : memref<!tpu.dma_semaphore, #tpu.memory_space<semaphore_mem>>) {add = true}
      %dma_wait3A_261 = arith.constant 0 : i32
      %dma_wait3A_262 = tpu.memref_slice %arg7[%add3A_160, %dma_wait3A_261] : memref<80x128xi32, #tpu.memory_space<vmem>> -> memref<1x128xi32, #tpu.memory_space<vmem>>
      %dma_wait3A_263 = tpu.memref_squeeze %dma_wait3A_262 : memref<1x128xi32, #tpu.memory_space<vmem>> -> memref<128xi32, #tpu.memory_space<vmem>>
      %dma_wait3A_264 = arith.constant 0 : i32
      %dma_wait3A_265 = arith.constant 0 : i32
      %dma_wait3A_266 = tpu.memref_slice %arg18[%dma_wait3A_264, %dma_wait3A_265] : memref<10000x16xf32, #tpu.memory_space<vmem_shared>> -> memref<10000x16xf32, #tpu.memory_space<vmem_shared>>
      tpu.wait_indirect_dma semaphore(%arg22 : memref<!tpu.dma_semaphore, #tpu.memory_space<semaphore_mem>>) src(%dma_wait3A_266 : memref<10000x16xf32, #tpu.memory_space<vmem_shared>>) dst(%arg12 : memref<128x16xf32, #tpu.memory_space<vmem>>)
      %add3A_267 = arith.constant 3 : i32
      %add3A_268 = arith.addi %mul3A_117, %add3A_267 : i32
      %dma_start3A_269 = arith.constant 0 : i32
      %dma_start3A_270 = tpu.memref_slice %arg8[%add3A_268, %dma_start3A_269] : memref<80x128xi32, #tpu.memory_space<vmem>> -> memref<1x128xi32, #tpu.memory_space<vmem>>
      %dma_start3A_271 = tpu.memref_squeeze %dma_start3A_270 : memref<1x128xi32, #tpu.memory_space<vmem>> -> memref<128xi32, #tpu.memory_space<vmem>>
      %dma_start3A_272 = arith.constant 0 : i32
      %dma_start3A_273 = arith.constant 0 : i32
      %dma_start3A_274 = tpu.memref_slice %arg17[%dma_start3A_272, %dma_start3A_273] : memref<10240x16xf32, #tpu.memory_space<vmem_shared>> -> memref<10240x16xf32, #tpu.memory_space<vmem_shared>>
      tpu.enqueue_indirect_dma source(%arg12 : memref<128x16xf32, #tpu.memory_space<vmem>>) target(%dma_start3A_274 : memref<10240x16xf32, #tpu.memory_space<vmem_shared>>) offsets(%dma_start3A_271 : memref<128xi32, #tpu.memory_space<vmem>>) semaphore(%arg30 : memref<!tpu.dma_semaphore, #tpu.memory_space<semaphore_mem>>) {add = true}
      %dma_wait3A_275 = arith.constant 0 : i32
      %dma_wait3A_276 = tpu.memref_slice %arg7[%add3A_173, %dma_wait3A_275] : memref<80x128xi32, #tpu.memory_space<vmem>> -> memref<1x128xi32, #tpu.memory_space<vmem>>
      %dma_wait3A_277 = tpu.memref_squeeze %dma_wait3A_276 : memref<1x128xi32, #tpu.memory_space<vmem>> -> memref<128xi32, #tpu.memory_space<vmem>>
      %dma_wait3A_278 = arith.constant 0 : i32
      %dma_wait3A_279 = arith.constant 0 : i32
      %dma_wait3A_280 = tpu.memref_slice %arg18[%dma_wait3A_278, %dma_wait3A_279] : memref<10000x16xf32, #tpu.memory_space<vmem_shared>> -> memref<10000x16xf32, #tpu.memory_space<vmem_shared>>
      tpu.wait_indirect_dma semaphore(%arg23 : memref<!tpu.dma_semaphore, #tpu.memory_space<semaphore_mem>>) src(%dma_wait3A_280 : memref<10000x16xf32, #tpu.memory_space<vmem_shared>>) dst(%arg13 : memref<128x16xf32, #tpu.memory_space<vmem>>)
      %add3A_281 = arith.constant 4 : i32
      %add3A_282 = arith.addi %mul3A_117, %add3A_281 : i32
      %dma_start3A_283 = arith.constant 0 : i32
      %dma_start3A_284 = tpu.memref_slice %arg8[%add3A_282, %dma_start3A_283] : memref<80x128xi32, #tpu.memory_space<vmem>> -> memref<1x128xi32, #tpu.memory_space<vmem>>
      %dma_start3A_285 = tpu.memref_squeeze %dma_start3A_284 : memref<1x128xi32, #tpu.memory_space<vmem>> -> memref<128xi32, #tpu.memory_space<vmem>>
      %dma_start3A_286 = arith.constant 0 : i32
      %dma_start3A_287 = arith.constant 0 : i32
      %dma_start3A_288 = tpu.memref_slice %arg17[%dma_start3A_286, %dma_start3A_287] : memref<10240x16xf32, #tpu.memory_space<vmem_shared>> -> memref<10240x16xf32, #tpu.memory_space<vmem_shared>>
      tpu.enqueue_indirect_dma source(%arg13 : memref<128x16xf32, #tpu.memory_space<vmem>>) target(%dma_start3A_288 : memref<10240x16xf32, #tpu.memory_space<vmem_shared>>) offsets(%dma_start3A_285 : memref<128xi32, #tpu.memory_space<vmem>>) semaphore(%arg31 : memref<!tpu.dma_semaphore, #tpu.memory_space<semaphore_mem>>) {add = true}
      %dma_wait3A_289 = arith.constant 0 : i32
      %dma_wait3A_290 = tpu.memref_slice %arg7[%add3A_186, %dma_wait3A_289] : memref<80x128xi32, #tpu.memory_space<vmem>> -> memref<1x128xi32, #tpu.memory_space<vmem>>
      %dma_wait3A_291 = tpu.memref_squeeze %dma_wait3A_290 : memref<1x128xi32, #tpu.memory_space<vmem>> -> memref<128xi32, #tpu.memory_space<vmem>>
      %dma_wait3A_292 = arith.constant 0 : i32
      %dma_wait3A_293 = arith.constant 0 : i32
      %dma_wait3A_294 = tpu.memref_slice %arg18[%dma_wait3A_292, %dma_wait3A_293] : memref<10000x16xf32, #tpu.memory_space<vmem_shared>> -> memref<10000x16xf32, #tpu.memory_space<vmem_shared>>
      tpu.wait_indirect_dma semaphore(%arg24 : memref<!tpu.dma_semaphore, #tpu.memory_space<semaphore_mem>>) src(%dma_wait3A_294 : memref<10000x16xf32, #tpu.memory_space<vmem_shared>>) dst(%arg14 : memref<128x16xf32, #tpu.memory_space<vmem>>)
      %add3A_295 = arith.constant 5 : i32
      %add3A_296 = arith.addi %mul3A_117, %add3A_295 : i32
      %dma_start3A_297 = arith.constant 0 : i32
      %dma_start3A_298 = tpu.memref_slice %arg8[%add3A_296, %dma_start3A_297] : memref<80x128xi32, #tpu.memory_space<vmem>> -> memref<1x128xi32, #tpu.memory_space<vmem>>
      %dma_start3A_299 = tpu.memref_squeeze %dma_start3A_298 : memref<1x128xi32, #tpu.memory_space<vmem>> -> memref<128xi32, #tpu.memory_space<vmem>>
      %dma_start3A_300 = arith.constant 0 : i32
      %dma_start3A_301 = arith.constant 0 : i32
      %dma_start3A_302 = tpu.memref_slice %arg17[%dma_start3A_300, %dma_start3A_301] : memref<10240x16xf32, #tpu.memory_space<vmem_shared>> -> memref<10240x16xf32, #tpu.memory_space<vmem_shared>>
      tpu.enqueue_indirect_dma source(%arg14 : memref<128x16xf32, #tpu.memory_space<vmem>>) target(%dma_start3A_302 : memref<10240x16xf32, #tpu.memory_space<vmem_shared>>) offsets(%dma_start3A_299 : memref<128xi32, #tpu.memory_space<vmem>>) semaphore(%arg32 : memref<!tpu.dma_semaphore, #tpu.memory_space<semaphore_mem>>) {add = true}
      %dma_wait3A_303 = arith.constant 0 : i32
      %dma_wait3A_304 = tpu.memref_slice %arg7[%add3A_199, %dma_wait3A_303] : memref<80x128xi32, #tpu.memory_space<vmem>> -> memref<1x128xi32, #tpu.memory_space<vmem>>
      %dma_wait3A_305 = tpu.memref_squeeze %dma_wait3A_304 : memref<1x128xi32, #tpu.memory_space<vmem>> -> memref<128xi32, #tpu.memory_space<vmem>>
      %dma_wait3A_306 = arith.constant 0 : i32
      %dma_wait3A_307 = arith.constant 0 : i32
      %dma_wait3A_308 = tpu.memref_slice %arg18[%dma_wait3A_306, %dma_wait3A_307] : memref<10000x16xf32, #tpu.memory_space<vmem_shared>> -> memref<10000x16xf32, #tpu.memory_space<vmem_shared>>
      tpu.wait_indirect_dma semaphore(%arg25 : memref<!tpu.dma_semaphore, #tpu.memory_space<semaphore_mem>>) src(%dma_wait3A_308 : memref<10000x16xf32, #tpu.memory_space<vmem_shared>>) dst(%arg15 : memref<128x16xf32, #tpu.memory_space<vmem>>)
      %add3A_309 = arith.constant 6 : i32
      %add3A_310 = arith.addi %mul3A_117, %add3A_309 : i32
      %dma_start3A_311 = arith.constant 0 : i32
      %dma_start3A_312 = tpu.memref_slice %arg8[%add3A_310, %dma_start3A_311] : memref<80x128xi32, #tpu.memory_space<vmem>> -> memref<1x128xi32, #tpu.memory_space<vmem>>
      %dma_start3A_313 = tpu.memref_squeeze %dma_start3A_312 : memref<1x128xi32, #tpu.memory_space<vmem>> -> memref<128xi32, #tpu.memory_space<vmem>>
      %dma_start3A_314 = arith.constant 0 : i32
      %dma_start3A_315 = arith.constant 0 : i32
      %dma_start3A_316 = tpu.memref_slice %arg17[%dma_start3A_314, %dma_start3A_315] : memref<10240x16xf32, #tpu.memory_space<vmem_shared>> -> memref<10240x16xf32, #tpu.memory_space<vmem_shared>>
      tpu.enqueue_indirect_dma source(%arg15 : memref<128x16xf32, #tpu.memory_space<vmem>>) target(%dma_start3A_316 : memref<10240x16xf32, #tpu.memory_space<vmem_shared>>) offsets(%dma_start3A_313 : memref<128xi32, #tpu.memory_space<vmem>>) semaphore(%arg33 : memref<!tpu.dma_semaphore, #tpu.memory_space<semaphore_mem>>) {add = true}
      %dma_wait3A_317 = arith.constant 0 : i32
      %dma_wait3A_318 = tpu.memref_slice %arg7[%add3A_212, %dma_wait3A_317] : memref<80x128xi32, #tpu.memory_space<vmem>> -> memref<1x128xi32, #tpu.memory_space<vmem>>
      %dma_wait3A_319 = tpu.memref_squeeze %dma_wait3A_318 : memref<1x128xi32, #tpu.memory_space<vmem>> -> memref<128xi32, #tpu.memory_space<vmem>>
      %dma_wait3A_320 = arith.constant 0 : i32
      %dma_wait3A_321 = arith.constant 0 : i32
      %dma_wait3A_322 = tpu.memref_slice %arg18[%dma_wait3A_320, %dma_wait3A_321] : memref<10000x16xf32, #tpu.memory_space<vmem_shared>> -> memref<10000x16xf32, #tpu.memory_space<vmem_shared>>
      tpu.wait_indirect_dma semaphore(%arg26 : memref<!tpu.dma_semaphore, #tpu.memory_space<semaphore_mem>>) src(%dma_wait3A_322 : memref<10000x16xf32, #tpu.memory_space<vmem_shared>>) dst(%arg16 : memref<128x16xf32, #tpu.memory_space<vmem>>)
      %add3A_323 = arith.constant 7 : i32
      %add3A_324 = arith.addi %mul3A_117, %add3A_323 : i32
      %dma_start3A_325 = arith.constant 0 : i32
      %dma_start3A_326 = tpu.memref_slice %arg8[%add3A_324, %dma_start3A_325] : memref<80x128xi32, #tpu.memory_space<vmem>> -> memref<1x128xi32, #tpu.memory_space<vmem>>
      %dma_start3A_327 = tpu.memref_squeeze %dma_start3A_326 : memref<1x128xi32, #tpu.memory_space<vmem>> -> memref<128xi32, #tpu.memory_space<vmem>>
      %dma_start3A_328 = arith.constant 0 : i32
      %dma_start3A_329 = arith.constant 0 : i32
      %dma_start3A_330 = tpu.memref_slice %arg17[%dma_start3A_328, %dma_start3A_329] : memref<10240x16xf32, #tpu.memory_space<vmem_shared>> -> memref<10240x16xf32, #tpu.memory_space<vmem_shared>>
      tpu.enqueue_indirect_dma source(%arg16 : memref<128x16xf32, #tpu.memory_space<vmem>>) target(%dma_start3A_330 : memref<10240x16xf32, #tpu.memory_space<vmem_shared>>) offsets(%dma_start3A_327 : memref<128xi32, #tpu.memory_space<vmem>>) semaphore(%arg34 : memref<!tpu.dma_semaphore, #tpu.memory_space<semaphore_mem>>) {add = true}
    }
    %scan3A_53 = arith.constant 10 : i32
    %dma_wait3A_54 = arith.constant 72 : i32
    %dma_wait3A_55 = arith.constant 0 : i32
    %dma_wait3A_56 = tpu.memref_slice %arg8[%dma_wait3A_54, %dma_wait3A_55] : memref<80x128xi32, #tpu.memory_space<vmem>> -> memref<1x128xi32, #tpu.memory_space<vmem>>
    %dma_wait3A_57 = tpu.memref_squeeze %dma_wait3A_56 : memref<1x128xi32, #tpu.memory_space<vmem>> -> memref<128xi32, #tpu.memory_space<vmem>>
    %dma_wait3A_58 = arith.constant 0 : i32
    %dma_wait3A_59 = arith.constant 0 : i32
    %dma_wait3A_60 = tpu.memref_slice %arg17[%dma_wait3A_58, %dma_wait3A_59] : memref<10240x16xf32, #tpu.memory_space<vmem_shared>> -> memref<10240x16xf32, #tpu.memory_space<vmem_shared>>
    tpu.wait_indirect_dma semaphore(%arg27 : memref<!tpu.dma_semaphore, #tpu.memory_space<semaphore_mem>>) src(%arg9 : memref<128x16xf32, #tpu.memory_space<vmem>>) dst(%dma_wait3A_60 : memref<10240x16xf32, #tpu.memory_space<vmem_shared>>)
    %dma_wait3A_61 = arith.constant 73 : i32
    %dma_wait3A_62 = arith.constant 0 : i32
    %dma_wait3A_63 = tpu.memref_slice %arg8[%dma_wait3A_61, %dma_wait3A_62] : memref<80x128xi32, #tpu.memory_space<vmem>> -> memref<1x128xi32, #tpu.memory_space<vmem>>
    %dma_wait3A_64 = tpu.memref_squeeze %dma_wait3A_63 : memref<1x128xi32, #tpu.memory_space<vmem>> -> memref<128xi32, #tpu.memory_space<vmem>>
    %dma_wait3A_65 = arith.constant 0 : i32
    %dma_wait3A_66 = arith.constant 0 : i32
    %dma_wait3A_67 = tpu.memref_slice %arg17[%dma_wait3A_65, %dma_wait3A_66] : memref<10240x16xf32, #tpu.memory_space<vmem_shared>> -> memref<10240x16xf32, #tpu.memory_space<vmem_shared>>
    tpu.wait_indirect_dma semaphore(%arg28 : memref<!tpu.dma_semaphore, #tpu.memory_space<semaphore_mem>>) src(%arg10 : memref<128x16xf32, #tpu.memory_space<vmem>>) dst(%dma_wait3A_67 : memref<10240x16xf32, #tpu.memory_space<vmem_shared>>)
    %dma_wait3A_68 = arith.constant 74 : i32
    %dma_wait3A_69 = arith.constant 0 : i32
    %dma_wait3A_70 = tpu.memref_slice %arg8[%dma_wait3A_68, %dma_wait3A_69] : memref<80x128xi32, #tpu.memory_space<vmem>> -> memref<1x128xi32, #tpu.memory_space<vmem>>
    %dma_wait3A_71 = tpu.memref_squeeze %dma_wait3A_70 : memref<1x128xi32, #tpu.memory_space<vmem>> -> memref<128xi32, #tpu.memory_space<vmem>>
    %dma_wait3A_72 = arith.constant 0 : i32
    %dma_wait3A_73 = arith.constant 0 : i32
    %dma_wait3A_74 = tpu.memref_slice %arg17[%dma_wait3A_72, %dma_wait3A_73] : memref<10240x16xf32, #tpu.memory_space<vmem_shared>> -> memref<10240x16xf32, #tpu.memory_space<vmem_shared>>
    tpu.wait_indirect_dma semaphore(%arg29 : memref<!tpu.dma_semaphore, #tpu.memory_space<semaphore_mem>>) src(%arg11 : memref<128x16xf32, #tpu.memory_space<vmem>>) dst(%dma_wait3A_74 : memref<10240x16xf32, #tpu.memory_space<vmem_shared>>)
    %dma_wait3A_75 = arith.constant 75 : i32
    %dma_wait3A_76 = arith.constant 0 : i32
    %dma_wait3A_77 = tpu.memref_slice %arg8[%dma_wait3A_75, %dma_wait3A_76] : memref<80x128xi32, #tpu.memory_space<vmem>> -> memref<1x128xi32, #tpu.memory_space<vmem>>
    %dma_wait3A_78 = tpu.memref_squeeze %dma_wait3A_77 : memref<1x128xi32, #tpu.memory_space<vmem>> -> memref<128xi32, #tpu.memory_space<vmem>>
    %dma_wait3A_79 = arith.constant 0 : i32
    %dma_wait3A_80 = arith.constant 0 : i32
    %dma_wait3A_81 = tpu.memref_slice %arg17[%dma_wait3A_79, %dma_wait3A_80] : memref<10240x16xf32, #tpu.memory_space<vmem_shared>> -> memref<10240x16xf32, #tpu.memory_space<vmem_shared>>
    tpu.wait_indirect_dma semaphore(%arg30 : memref<!tpu.dma_semaphore, #tpu.memory_space<semaphore_mem>>) src(%arg12 : memref<128x16xf32, #tpu.memory_space<vmem>>) dst(%dma_wait3A_81 : memref<10240x16xf32, #tpu.memory_space<vmem_shared>>)
    %dma_wait3A_82 = arith.constant 76 : i32
    %dma_wait3A_83 = arith.constant 0 : i32
    %dma_wait3A_84 = tpu.memref_slice %arg8[%dma_wait3A_82, %dma_wait3A_83] : memref<80x128xi32, #tpu.memory_space<vmem>> -> memref<1x128xi32, #tpu.memory_space<vmem>>
    %dma_wait3A_85 = tpu.memref_squeeze %dma_wait3A_84 : memref<1x128xi32, #tpu.memory_space<vmem>> -> memref<128xi32, #tpu.memory_space<vmem>>
    %dma_wait3A_86 = arith.constant 0 : i32
    %dma_wait3A_87 = arith.constant 0 : i32
    %dma_wait3A_88 = tpu.memref_slice %arg17[%dma_wait3A_86, %dma_wait3A_87] : memref<10240x16xf32, #tpu.memory_space<vmem_shared>> -> memref<10240x16xf32, #tpu.memory_space<vmem_shared>>
    tpu.wait_indirect_dma semaphore(%arg31 : memref<!tpu.dma_semaphore, #tpu.memory_space<semaphore_mem>>) src(%arg13 : memref<128x16xf32, #tpu.memory_space<vmem>>) dst(%dma_wait3A_88 : memref<10240x16xf32, #tpu.memory_space<vmem_shared>>)
    %dma_wait3A_89 = arith.constant 77 : i32
    %dma_wait3A_90 = arith.constant 0 : i32
    %dma_wait3A_91 = tpu.memref_slice %arg8[%dma_wait3A_89, %dma_wait3A_90] : memref<80x128xi32, #tpu.memory_space<vmem>> -> memref<1x128xi32, #tpu.memory_space<vmem>>
    %dma_wait3A_92 = tpu.memref_squeeze %dma_wait3A_91 : memref<1x128xi32, #tpu.memory_space<vmem>> -> memref<128xi32, #tpu.memory_space<vmem>>
    %dma_wait3A_93 = arith.constant 0 : i32
    %dma_wait3A_94 = arith.constant 0 : i32
    %dma_wait3A_95 = tpu.memref_slice %arg17[%dma_wait3A_93, %dma_wait3A_94] : memref<10240x16xf32, #tpu.memory_space<vmem_shared>> -> memref<10240x16xf32, #tpu.memory_space<vmem_shared>>
    tpu.wait_indirect_dma semaphore(%arg32 : memref<!tpu.dma_semaphore, #tpu.memory_space<semaphore_mem>>) src(%arg14 : memref<128x16xf32, #tpu.memory_space<vmem>>) dst(%dma_wait3A_95 : memref<10240x16xf32, #tpu.memory_space<vmem_shared>>)
    %dma_wait3A_96 = arith.constant 78 : i32
    %dma_wait3A_97 = arith.constant 0 : i32
    %dma_wait3A_98 = tpu.memref_slice %arg8[%dma_wait3A_96, %dma_wait3A_97] : memref<80x128xi32, #tpu.memory_space<vmem>> -> memref<1x128xi32, #tpu.memory_space<vmem>>
    %dma_wait3A_99 = tpu.memref_squeeze %dma_wait3A_98 : memref<1x128xi32, #tpu.memory_space<vmem>> -> memref<128xi32, #tpu.memory_space<vmem>>
    %dma_wait3A_100 = arith.constant 0 : i32
    %dma_wait3A_101 = arith.constant 0 : i32
    %dma_wait3A_102 = tpu.memref_slice %arg17[%dma_wait3A_100, %dma_wait3A_101] : memref<10240x16xf32, #tpu.memory_space<vmem_shared>> -> memref<10240x16xf32, #tpu.memory_space<vmem_shared>>
    tpu.wait_indirect_dma semaphore(%arg33 : memref<!tpu.dma_semaphore, #tpu.memory_space<semaphore_mem>>) src(%arg15 : memref<128x16xf32, #tpu.memory_space<vmem>>) dst(%dma_wait3A_102 : memref<10240x16xf32, #tpu.memory_space<vmem_shared>>)
    %dma_wait3A_103 = arith.constant 79 : i32
    %dma_wait3A_104 = arith.constant 0 : i32
    %dma_wait3A_105 = tpu.memref_slice %arg8[%dma_wait3A_103, %dma_wait3A_104] : memref<80x128xi32, #tpu.memory_space<vmem>> -> memref<1x128xi32, #tpu.memory_space<vmem>>
    %dma_wait3A_106 = tpu.memref_squeeze %dma_wait3A_105 : memref<1x128xi32, #tpu.memory_space<vmem>> -> memref<128xi32, #tpu.memory_space<vmem>>
    %dma_wait3A_107 = arith.constant 0 : i32
    %dma_wait3A_108 = arith.constant 0 : i32
    %dma_wait3A_109 = tpu.memref_slice %arg17[%dma_wait3A_107, %dma_wait3A_108] : memref<10240x16xf32, #tpu.memory_space<vmem_shared>> -> memref<10240x16xf32, #tpu.memory_space<vmem_shared>>
    tpu.wait_indirect_dma semaphore(%arg34 : memref<!tpu.dma_semaphore, #tpu.memory_space<semaphore_mem>>) src(%arg16 : memref<128x16xf32, #tpu.memory_space<vmem>>) dst(%dma_wait3A_109 : memref<10240x16xf32, #tpu.memory_space<vmem_shared>>)
    %barrier3A_110 = arith.constant 0 : index
    tpu.barrier barrier_id(%barrier3A_110)
    %mul3A_111 = arith.constant 640 : i32
    %mul3A_112 = arith.muli %arg1, %mul3A_111 : i32
    %mul3A_113 = arith.constant 640 : i32
    %mul3A_114 = arith.muli %arg1, %mul3A_113 : i32
    "tpu.region"() ({
      %run_scoped3A = tpu.sem_alloc : memref<!tpu.dma_semaphore, #tpu.memory_space<semaphore_mem>>
      %dma_start3A_115 = arith.constant 0 : i32
      %dma_start3A_116 = tpu.memref_slice %arg6[%arg0, %mul3A_114, %dma_start3A_115] : memref<2x10240x16xf32, #tpu.memory_space<hbm>> -> memref<1x640x16xf32, #tpu.memory_space<hbm>>
      %dma_start3A_117 = tpu.memref_squeeze %dma_start3A_116 : memref<1x640x16xf32, #tpu.memory_space<hbm>> -> memref<640x16xf32, #tpu.memory_space<hbm>>
      %dma_start3A_118 = arith.constant 0 : i32
      %dma_start3A_119 = tpu.memref_slice %arg17[%mul3A_112, %dma_start3A_118] : memref<10240x16xf32, #tpu.memory_space<vmem_shared>> -> memref<640x16xf32, #tpu.memory_space<vmem_shared>>
      tpu.enqueue_dma source(%dma_start3A_119 : memref<640x16xf32, #tpu.memory_space<vmem_shared>>) target(%dma_start3A_117 : memref<640x16xf32, #tpu.memory_space<hbm>>) target_semaphore(%run_scoped3A : memref<!tpu.dma_semaphore, #tpu.memory_space<semaphore_mem>>)
      %dma_wait3A_120 = arith.constant 0 : i32
      %dma_wait3A_121 = tpu.memref_slice %arg6[%arg0, %mul3A_114, %dma_wait3A_120] : memref<2x10240x16xf32, #tpu.memory_space<hbm>> -> memref<1x640x16xf32, #tpu.memory_space<hbm>>
      %dma_wait3A_122 = tpu.memref_squeeze %dma_wait3A_121 : memref<1x640x16xf32, #tpu.memory_space<hbm>> -> memref<640x16xf32, #tpu.memory_space<hbm>>
      %dma_wait3A_123 = arith.constant 0 : i32
      %dma_wait3A_124 = tpu.memref_slice %arg17[%mul3A_112, %dma_wait3A_123] : memref<10240x16xf32, #tpu.memory_space<vmem_shared>> -> memref<640x16xf32, #tpu.memory_space<vmem_shared>>
      tpu.wait_dma2 semaphore(%run_scoped3A : memref<!tpu.dma_semaphore, #tpu.memory_space<semaphore_mem>>) src(%dma_wait3A_124 : memref<640x16xf32, #tpu.memory_space<vmem_shared>>) dst(%dma_wait3A_122 : memref<640x16xf32, #tpu.memory_space<hbm>>)
      tpu.yield
    }) : () -> ()
    return
  }
}

#map = affine_map<(d0, d1) -> (0, 0, 0)>
#map1 = affine_map<(d0, d1) -> (0, 0)>
module attributes {stable_mosaic.version = 14 : i64} {
  func.func @_edge_agg(%arg0: i32, %arg1: i32, %arg2: memref<32x80x128xi32, #tpu.memory_space<hbm>>, %arg3: memref<32x80x128xi32, #tpu.memory_space<hbm>>, %arg4: memref<10000x16xf32, #tpu.memory_space<hbm>>, %arg5: memref<640x16xf32, #tpu.memory_space<hbm>>, %arg6: memref<2x10240x16xf32, #tpu.memory_space<hbm>>, %arg7: memref<80x128xi32, #tpu.memory_space<vmem>>, %arg8: memref<80x128xi32, #tpu.memory_space<vmem>>, %arg9: memref<128x16xf32, #tpu.memory_space<vmem>>, %arg10: memref<128x16xf32, #tpu.memory_space<vmem>>, %arg11: memref<128x16xf32, #tpu.memory_space<vmem>>, %arg12: memref<128x16xf32, #tpu.memory_space<vmem>>, %arg13: memref<128x16xf32, #tpu.memory_space<vmem>>, %arg14: memref<128x16xf32, #tpu.memory_space<vmem>>, %arg15: memref<128x16xf32, #tpu.memory_space<vmem>>, %arg16: memref<128x16xf32, #tpu.memory_space<vmem>>, %arg17: memref<10240x16xf32, #tpu.memory_space<vmem_shared>>, %arg18: memref<10000x16xf32, #tpu.memory_space<vmem_shared>>, %arg19: memref<!tpu.dma_semaphore, #tpu.memory_space<semaphore_mem>>, %arg20: memref<!tpu.dma_semaphore, #tpu.memory_space<semaphore_mem>>, %arg21: memref<!tpu.dma_semaphore, #tpu.memory_space<semaphore_mem>>, %arg22: memref<!tpu.dma_semaphore, #tpu.memory_space<semaphore_mem>>, %arg23: memref<!tpu.dma_semaphore, #tpu.memory_space<semaphore_mem>>, %arg24: memref<!tpu.dma_semaphore, #tpu.memory_space<semaphore_mem>>, %arg25: memref<!tpu.dma_semaphore, #tpu.memory_space<semaphore_mem>>, %arg26: memref<!tpu.dma_semaphore, #tpu.memory_space<semaphore_mem>>, %arg27: memref<!tpu.dma_semaphore, #tpu.memory_space<semaphore_mem>>, %arg28: memref<!tpu.dma_semaphore, #tpu.memory_space<semaphore_mem>>, %arg29: memref<!tpu.dma_semaphore, #tpu.memory_space<semaphore_mem>>, %arg30: memref<!tpu.dma_semaphore, #tpu.memory_space<semaphore_mem>>, %arg31: memref<!tpu.dma_semaphore, #tpu.memory_space<semaphore_mem>>, %arg32: memref<!tpu.dma_semaphore, #tpu.memory_space<semaphore_mem>>, %arg33: memref<!tpu.dma_semaphore, #tpu.memory_space<semaphore_mem>>, %arg34: memref<!tpu.dma_semaphore, #tpu.memory_space<semaphore_mem>>) attributes {dimension_semantics = [#tpu.dimension_semantics<core_parallel>, #tpu.dimension_semantics<subcore_parallel>], iteration_bounds = array<i64: 2, 16>, scalar_prefetch = 0 : i64, scratch_operands = 28 : i64, tpu.core_type = #tpu.core_type<sc_vector_subcore>, window_params = [{transform_indices = #map}, {transform_indices = #map}, {transform_indices = #map1}, {transform_indices = #map1}, {transform_indices = #map}]} {
    %mul3A = arith.constant 16 : i32
    %mul3A_0 = arith.muli %arg0, %mul3A : i32
    %add3A = arith.addi %mul3A_0, %arg1 : i32
    %dma_start3A = arith.constant 0 : i32
    %dma_start3A_1 = arith.constant 0 : i32
    %dma_start3A_2 = tpu.memref_slice %arg2[%add3A, %dma_start3A, %dma_start3A_1] : memref<32x80x128xi32, #tpu.memory_space<hbm>> -> memref<1x80x128xi32, #tpu.memory_space<hbm>>
    %dma_start3A_3 = tpu.memref_squeeze %dma_start3A_2 : memref<1x80x128xi32, #tpu.memory_space<hbm>> -> memref<80x128xi32, #tpu.memory_space<hbm>>
    %dma_start3A_4 = arith.constant 0 : i32
    %dma_start3A_5 = arith.constant 0 : i32
    %dma_start3A_6 = tpu.memref_slice %arg2[%add3A, %dma_start3A_4, %dma_start3A_5] : memref<32x80x128xi32, #tpu.memory_space<hbm>> -> memref<1x80x128xi32, #tpu.memory_space<hbm>>
    %dma_start3A_7 = tpu.memref_squeeze %dma_start3A_6 : memref<1x80x128xi32, #tpu.memory_space<hbm>> -> memref<80x128xi32, #tpu.memory_space<hbm>>
    tpu.enqueue_dma source(%dma_start3A_7 : memref<80x128xi32, #tpu.memory_space<hbm>>) target(%arg7 : memref<80x128xi32, #tpu.memory_space<vmem>>) target_semaphore(%arg19 : memref<!tpu.dma_semaphore, #tpu.memory_space<semaphore_mem>>)
    %dma_start3A_8 = arith.constant 0 : i32
    %dma_start3A_9 = arith.constant 0 : i32
    %dma_start3A_10 = tpu.memref_slice %arg3[%add3A, %dma_start3A_8, %dma_start3A_9] : memref<32x80x128xi32, #tpu.memory_space<hbm>> -> memref<1x80x128xi32, #tpu.memory_space<hbm>>
    %dma_start3A_11 = tpu.memref_squeeze %dma_start3A_10 : memref<1x80x128xi32, #tpu.memory_space<hbm>> -> memref<80x128xi32, #tpu.memory_space<hbm>>
    %dma_start3A_12 = arith.constant 0 : i32
    %dma_start3A_13 = arith.constant 0 : i32
    %dma_start3A_14 = tpu.memref_slice %arg3[%add3A, %dma_start3A_12, %dma_start3A_13] : memref<32x80x128xi32, #tpu.memory_space<hbm>> -> memref<1x80x128xi32, #tpu.memory_space<hbm>>
    %dma_start3A_15 = tpu.memref_squeeze %dma_start3A_14 : memref<1x80x128xi32, #tpu.memory_space<hbm>> -> memref<80x128xi32, #tpu.memory_space<hbm>>
    tpu.enqueue_dma source(%dma_start3A_15 : memref<80x128xi32, #tpu.memory_space<hbm>>) target(%arg8 : memref<80x128xi32, #tpu.memory_space<vmem>>) target_semaphore(%arg20 : memref<!tpu.dma_semaphore, #tpu.memory_space<semaphore_mem>>)
    %mul3A_16 = arith.constant 625 : i32
    %mul3A_17 = arith.muli %arg1, %mul3A_16 : i32
    %mul3A_18 = arith.constant 625 : i32
    %mul3A_19 = arith.muli %arg1, %mul3A_18 : i32
    %dma_start3A_20 = arith.constant 0 : i32
    %dma_start3A_21 = tpu.memref_slice %arg18[%mul3A_19, %dma_start3A_20] : memref<10000x16xf32, #tpu.memory_space<vmem_shared>> -> memref<625x16xf32, #tpu.memory_space<vmem_shared>>
    %dma_start3A_22 = arith.constant 0 : i32
    %dma_start3A_23 = tpu.memref_slice %arg4[%mul3A_17, %dma_start3A_22] : memref<10000x16xf32, #tpu.memory_space<hbm>> -> memref<625x16xf32, #tpu.memory_space<hbm>>
    tpu.enqueue_dma source(%dma_start3A_23 : memref<625x16xf32, #tpu.memory_space<hbm>>) target(%dma_start3A_21 : memref<625x16xf32, #tpu.memory_space<vmem_shared>>) target_semaphore(%arg21 : memref<!tpu.dma_semaphore, #tpu.memory_space<semaphore_mem>>)
    %mul3A_24 = arith.constant 640 : i32
    %mul3A_25 = arith.muli %arg1, %mul3A_24 : i32
    %dma_start3A_26 = arith.constant 0 : i32
    %dma_start3A_27 = tpu.memref_slice %arg17[%mul3A_25, %dma_start3A_26] : memref<10240x16xf32, #tpu.memory_space<vmem_shared>> -> memref<640x16xf32, #tpu.memory_space<vmem_shared>>
    tpu.enqueue_dma source(%arg5 : memref<640x16xf32, #tpu.memory_space<hbm>>) target(%dma_start3A_27 : memref<640x16xf32, #tpu.memory_space<vmem_shared>>) target_semaphore(%arg22 : memref<!tpu.dma_semaphore, #tpu.memory_space<semaphore_mem>>)
    %dma_wait3A = arith.constant 0 : i32
    %dma_wait3A_28 = arith.constant 0 : i32
    %dma_wait3A_29 = tpu.memref_slice %arg2[%add3A, %dma_wait3A, %dma_wait3A_28] : memref<32x80x128xi32, #tpu.memory_space<hbm>> -> memref<1x80x128xi32, #tpu.memory_space<hbm>>
    %dma_wait3A_30 = tpu.memref_squeeze %dma_wait3A_29 : memref<1x80x128xi32, #tpu.memory_space<hbm>> -> memref<80x128xi32, #tpu.memory_space<hbm>>
    %dma_wait3A_31 = arith.constant 0 : i32
    %dma_wait3A_32 = arith.constant 0 : i32
    %dma_wait3A_33 = tpu.memref_slice %arg2[%add3A, %dma_wait3A_31, %dma_wait3A_32] : memref<32x80x128xi32, #tpu.memory_space<hbm>> -> memref<1x80x128xi32, #tpu.memory_space<hbm>>
    %dma_wait3A_34 = tpu.memref_squeeze %dma_wait3A_33 : memref<1x80x128xi32, #tpu.memory_space<hbm>> -> memref<80x128xi32, #tpu.memory_space<hbm>>
    tpu.wait_dma2 semaphore(%arg19 : memref<!tpu.dma_semaphore, #tpu.memory_space<semaphore_mem>>) src(%dma_wait3A_34 : memref<80x128xi32, #tpu.memory_space<hbm>>) dst(%arg7 : memref<80x128xi32, #tpu.memory_space<vmem>>)
    %dma_wait3A_35 = arith.constant 0 : i32
    %dma_wait3A_36 = arith.constant 0 : i32
    %dma_wait3A_37 = tpu.memref_slice %arg3[%add3A, %dma_wait3A_35, %dma_wait3A_36] : memref<32x80x128xi32, #tpu.memory_space<hbm>> -> memref<1x80x128xi32, #tpu.memory_space<hbm>>
    %dma_wait3A_38 = tpu.memref_squeeze %dma_wait3A_37 : memref<1x80x128xi32, #tpu.memory_space<hbm>> -> memref<80x128xi32, #tpu.memory_space<hbm>>
    %dma_wait3A_39 = arith.constant 0 : i32
    %dma_wait3A_40 = arith.constant 0 : i32
    %dma_wait3A_41 = tpu.memref_slice %arg3[%add3A, %dma_wait3A_39, %dma_wait3A_40] : memref<32x80x128xi32, #tpu.memory_space<hbm>> -> memref<1x80x128xi32, #tpu.memory_space<hbm>>
    %dma_wait3A_42 = tpu.memref_squeeze %dma_wait3A_41 : memref<1x80x128xi32, #tpu.memory_space<hbm>> -> memref<80x128xi32, #tpu.memory_space<hbm>>
    tpu.wait_dma2 semaphore(%arg20 : memref<!tpu.dma_semaphore, #tpu.memory_space<semaphore_mem>>) src(%dma_wait3A_42 : memref<80x128xi32, #tpu.memory_space<hbm>>) dst(%arg8 : memref<80x128xi32, #tpu.memory_space<vmem>>)
    %dma_wait3A_43 = arith.constant 0 : i32
    %dma_wait3A_44 = tpu.memref_slice %arg18[%mul3A_19, %dma_wait3A_43] : memref<10000x16xf32, #tpu.memory_space<vmem_shared>> -> memref<625x16xf32, #tpu.memory_space<vmem_shared>>
    %dma_wait3A_45 = arith.constant 0 : i32
    %dma_wait3A_46 = tpu.memref_slice %arg4[%mul3A_17, %dma_wait3A_45] : memref<10000x16xf32, #tpu.memory_space<hbm>> -> memref<625x16xf32, #tpu.memory_space<hbm>>
    tpu.wait_dma2 semaphore(%arg21 : memref<!tpu.dma_semaphore, #tpu.memory_space<semaphore_mem>>) src(%dma_wait3A_46 : memref<625x16xf32, #tpu.memory_space<hbm>>) dst(%dma_wait3A_44 : memref<625x16xf32, #tpu.memory_space<vmem_shared>>)
    %dma_wait3A_47 = arith.constant 0 : i32
    %dma_wait3A_48 = tpu.memref_slice %arg17[%mul3A_25, %dma_wait3A_47] : memref<10240x16xf32, #tpu.memory_space<vmem_shared>> -> memref<640x16xf32, #tpu.memory_space<vmem_shared>>
    tpu.wait_dma2 semaphore(%arg22 : memref<!tpu.dma_semaphore, #tpu.memory_space<semaphore_mem>>) src(%arg5 : memref<640x16xf32, #tpu.memory_space<hbm>>) dst(%dma_wait3A_48 : memref<640x16xf32, #tpu.memory_space<vmem_shared>>)
    %barrier3A = arith.constant 0 : index
    tpu.barrier barrier_id(%barrier3A)
    %scan3A = arith.constant 0 : i32
    %scan3A_49 = arith.constant 0 : i32
    %scan3A_50 = arith.constant 10 : i32
    %scan3A_51 = arith.addi %scan3A_49, %scan3A_50 : i32
    %scan3A_52 = arith.constant 1 : i32
    scf.for %scan3A_115 = %scan3A_49 to %scan3A_51 step %scan3A_52  : i32 {
      %mul3A_116 = arith.constant 8 : i32
      %mul3A_117 = arith.muli %scan3A_115, %mul3A_116 : i32
      %gt3A = arith.constant 0 : i32
      %gt3A_118 = arith.cmpi sgt, %scan3A_115, %gt3A : i32
      %convert_element_type3A = arith.extui %gt3A_118 : i1 to i32
      %cond3A = arith.constant 0 : i32
      %cond3A_119 = arith.cmpi ne, %convert_element_type3A, %cond3A : i32
      scf.if %cond3A_119 {
        %sub3A = arith.constant 8 : i32
        %sub3A_331 = arith.subi %mul3A_117, %sub3A : i32
        %add3A_332 = arith.constant 0 : i32
        %add3A_333 = arith.addi %sub3A_331, %add3A_332 : i32
        %dma_wait3A_334 = arith.constant 0 : i32
        %dma_wait3A_335 = tpu.memref_slice %arg8[%add3A_333, %dma_wait3A_334] : memref<80x128xi32, #tpu.memory_space<vmem>> -> memref<1x128xi32, #tpu.memory_space<vmem>>
        %dma_wait3A_336 = tpu.memref_squeeze %dma_wait3A_335 : memref<1x128xi32, #tpu.memory_space<vmem>> -> memref<128xi32, #tpu.memory_space<vmem>>
        %dma_wait3A_337 = arith.constant 0 : i32
        %dma_wait3A_338 = arith.constant 0 : i32
        %dma_wait3A_339 = tpu.memref_slice %arg17[%dma_wait3A_337, %dma_wait3A_338] : memref<10240x16xf32, #tpu.memory_space<vmem_shared>> -> memref<10240x16xf32, #tpu.memory_space<vmem_shared>>
        tpu.wait_indirect_dma semaphore(%arg27 : memref<!tpu.dma_semaphore, #tpu.memory_space<semaphore_mem>>) src(%arg9 : memref<128x16xf32, #tpu.memory_space<vmem>>) dst(%dma_wait3A_339 : memref<10240x16xf32, #tpu.memory_space<vmem_shared>>)
      } else {
      }
      %add3A_120 = arith.constant 0 : i32
      %add3A_121 = arith.addi %mul3A_117, %add3A_120 : i32
      %dma_start3A_122 = arith.constant 0 : i32
      %dma_start3A_123 = tpu.memref_slice %arg7[%add3A_121, %dma_start3A_122] : memref<80x128xi32, #tpu.memory_space<vmem>> -> memref<1x128xi32, #tpu.memory_space<vmem>>
      %dma_start3A_124 = tpu.memref_squeeze %dma_start3A_123 : memref<1x128xi32, #tpu.memory_space<vmem>> -> memref<128xi32, #tpu.memory_space<vmem>>
      %dma_start3A_125 = arith.constant 0 : i32
      %dma_start3A_126 = arith.constant 0 : i32
      %dma_start3A_127 = tpu.memref_slice %arg18[%dma_start3A_125, %dma_start3A_126] : memref<10000x16xf32, #tpu.memory_space<vmem_shared>> -> memref<10000x16xf32, #tpu.memory_space<vmem_shared>>
      tpu.enqueue_indirect_dma source(%dma_start3A_127 : memref<10000x16xf32, #tpu.memory_space<vmem_shared>>) target(%arg9 : memref<128x16xf32, #tpu.memory_space<vmem>>) offsets(%dma_start3A_124 : memref<128xi32, #tpu.memory_space<vmem>>) semaphore(%arg19 : memref<!tpu.dma_semaphore, #tpu.memory_space<semaphore_mem>>)
      %gt3A_128 = arith.constant 0 : i32
      %gt3A_129 = arith.cmpi sgt, %scan3A_115, %gt3A_128 : i32
      %convert_element_type3A_130 = arith.extui %gt3A_129 : i1 to i32
      %cond3A_131 = arith.constant 0 : i32
      %cond3A_132 = arith.cmpi ne, %convert_element_type3A_130, %cond3A_131 : i32
      scf.if %cond3A_132 {
        %sub3A = arith.constant 8 : i32
        %sub3A_331 = arith.subi %mul3A_117, %sub3A : i32
        %add3A_332 = arith.constant 1 : i32
        %add3A_333 = arith.addi %sub3A_331, %add3A_332 : i32
        %dma_wait3A_334 = arith.constant 0 : i32
        %dma_wait3A_335 = tpu.memref_slice %arg8[%add3A_333, %dma_wait3A_334] : memref<80x128xi32, #tpu.memory_space<vmem>> -> memref<1x128xi32, #tpu.memory_space<vmem>>
        %dma_wait3A_336 = tpu.memref_squeeze %dma_wait3A_335 : memref<1x128xi32, #tpu.memory_space<vmem>> -> memref<128xi32, #tpu.memory_space<vmem>>
        %dma_wait3A_337 = arith.constant 0 : i32
        %dma_wait3A_338 = arith.constant 0 : i32
        %dma_wait3A_339 = tpu.memref_slice %arg17[%dma_wait3A_337, %dma_wait3A_338] : memref<10240x16xf32, #tpu.memory_space<vmem_shared>> -> memref<10240x16xf32, #tpu.memory_space<vmem_shared>>
        tpu.wait_indirect_dma semaphore(%arg28 : memref<!tpu.dma_semaphore, #tpu.memory_space<semaphore_mem>>) src(%arg10 : memref<128x16xf32, #tpu.memory_space<vmem>>) dst(%dma_wait3A_339 : memref<10240x16xf32, #tpu.memory_space<vmem_shared>>)
      } else {
      }
      %add3A_133 = arith.constant 1 : i32
      %add3A_134 = arith.addi %mul3A_117, %add3A_133 : i32
      %dma_start3A_135 = arith.constant 0 : i32
      %dma_start3A_136 = tpu.memref_slice %arg7[%add3A_134, %dma_start3A_135] : memref<80x128xi32, #tpu.memory_space<vmem>> -> memref<1x128xi32, #tpu.memory_space<vmem>>
      %dma_start3A_137 = tpu.memref_squeeze %dma_start3A_136 : memref<1x128xi32, #tpu.memory_space<vmem>> -> memref<128xi32, #tpu.memory_space<vmem>>
      %dma_start3A_138 = arith.constant 0 : i32
      %dma_start3A_139 = arith.constant 0 : i32
      %dma_start3A_140 = tpu.memref_slice %arg18[%dma_start3A_138, %dma_start3A_139] : memref<10000x16xf32, #tpu.memory_space<vmem_shared>> -> memref<10000x16xf32, #tpu.memory_space<vmem_shared>>
      tpu.enqueue_indirect_dma source(%dma_start3A_140 : memref<10000x16xf32, #tpu.memory_space<vmem_shared>>) target(%arg10 : memref<128x16xf32, #tpu.memory_space<vmem>>) offsets(%dma_start3A_137 : memref<128xi32, #tpu.memory_space<vmem>>) semaphore(%arg20 : memref<!tpu.dma_semaphore, #tpu.memory_space<semaphore_mem>>)
      %gt3A_141 = arith.constant 0 : i32
      %gt3A_142 = arith.cmpi sgt, %scan3A_115, %gt3A_141 : i32
      %convert_element_type3A_143 = arith.extui %gt3A_142 : i1 to i32
      %cond3A_144 = arith.constant 0 : i32
      %cond3A_145 = arith.cmpi ne, %convert_element_type3A_143, %cond3A_144 : i32
      scf.if %cond3A_145 {
        %sub3A = arith.constant 8 : i32
        %sub3A_331 = arith.subi %mul3A_117, %sub3A : i32
        %add3A_332 = arith.constant 2 : i32
        %add3A_333 = arith.addi %sub3A_331, %add3A_332 : i32
        %dma_wait3A_334 = arith.constant 0 : i32
        %dma_wait3A_335 = tpu.memref_slice %arg8[%add3A_333, %dma_wait3A_334] : memref<80x128xi32, #tpu.memory_space<vmem>> -> memref<1x128xi32, #tpu.memory_space<vmem>>
        %dma_wait3A_336 = tpu.memref_squeeze %dma_wait3A_335 : memref<1x128xi32, #tpu.memory_space<vmem>> -> memref<128xi32, #tpu.memory_space<vmem>>
        %dma_wait3A_337 = arith.constant 0 : i32
        %dma_wait3A_338 = arith.constant 0 : i32
        %dma_wait3A_339 = tpu.memref_slice %arg17[%dma_wait3A_337, %dma_wait3A_338] : memref<10240x16xf32, #tpu.memory_space<vmem_shared>> -> memref<10240x16xf32, #tpu.memory_space<vmem_shared>>
        tpu.wait_indirect_dma semaphore(%arg29 : memref<!tpu.dma_semaphore, #tpu.memory_space<semaphore_mem>>) src(%arg11 : memref<128x16xf32, #tpu.memory_space<vmem>>) dst(%dma_wait3A_339 : memref<10240x16xf32, #tpu.memory_space<vmem_shared>>)
      } else {
      }
      %add3A_146 = arith.constant 2 : i32
      %add3A_147 = arith.addi %mul3A_117, %add3A_146 : i32
      %dma_start3A_148 = arith.constant 0 : i32
      %dma_start3A_149 = tpu.memref_slice %arg7[%add3A_147, %dma_start3A_148] : memref<80x128xi32, #tpu.memory_space<vmem>> -> memref<1x128xi32, #tpu.memory_space<vmem>>
      %dma_start3A_150 = tpu.memref_squeeze %dma_start3A_149 : memref<1x128xi32, #tpu.memory_space<vmem>> -> memref<128xi32, #tpu.memory_space<vmem>>
      %dma_start3A_151 = arith.constant 0 : i32
      %dma_start3A_152 = arith.constant 0 : i32
      %dma_start3A_153 = tpu.memref_slice %arg18[%dma_start3A_151, %dma_start3A_152] : memref<10000x16xf32, #tpu.memory_space<vmem_shared>> -> memref<10000x16xf32, #tpu.memory_space<vmem_shared>>
      tpu.enqueue_indirect_dma source(%dma_start3A_153 : memref<10000x16xf32, #tpu.memory_space<vmem_shared>>) target(%arg11 : memref<128x16xf32, #tpu.memory_space<vmem>>) offsets(%dma_start3A_150 : memref<128xi32, #tpu.memory_space<vmem>>) semaphore(%arg21 : memref<!tpu.dma_semaphore, #tpu.memory_space<semaphore_mem>>)
      %gt3A_154 = arith.constant 0 : i32
      %gt3A_155 = arith.cmpi sgt, %scan3A_115, %gt3A_154 : i32
      %convert_element_type3A_156 = arith.extui %gt3A_155 : i1 to i32
      %cond3A_157 = arith.constant 0 : i32
      %cond3A_158 = arith.cmpi ne, %convert_element_type3A_156, %cond3A_157 : i32
      scf.if %cond3A_158 {
        %sub3A = arith.constant 8 : i32
        %sub3A_331 = arith.subi %mul3A_117, %sub3A : i32
        %add3A_332 = arith.constant 3 : i32
        %add3A_333 = arith.addi %sub3A_331, %add3A_332 : i32
        %dma_wait3A_334 = arith.constant 0 : i32
        %dma_wait3A_335 = tpu.memref_slice %arg8[%add3A_333, %dma_wait3A_334] : memref<80x128xi32, #tpu.memory_space<vmem>> -> memref<1x128xi32, #tpu.memory_space<vmem>>
        %dma_wait3A_336 = tpu.memref_squeeze %dma_wait3A_335 : memref<1x128xi32, #tpu.memory_space<vmem>> -> memref<128xi32, #tpu.memory_space<vmem>>
        %dma_wait3A_337 = arith.constant 0 : i32
        %dma_wait3A_338 = arith.constant 0 : i32
        %dma_wait3A_339 = tpu.memref_slice %arg17[%dma_wait3A_337, %dma_wait3A_338] : memref<10240x16xf32, #tpu.memory_space<vmem_shared>> -> memref<10240x16xf32, #tpu.memory_space<vmem_shared>>
        tpu.wait_indirect_dma semaphore(%arg30 : memref<!tpu.dma_semaphore, #tpu.memory_space<semaphore_mem>>) src(%arg12 : memref<128x16xf32, #tpu.memory_space<vmem>>) dst(%dma_wait3A_339 : memref<10240x16xf32, #tpu.memory_space<vmem_shared>>)
      } else {
      }
      %add3A_159 = arith.constant 3 : i32
      %add3A_160 = arith.addi %mul3A_117, %add3A_159 : i32
      %dma_start3A_161 = arith.constant 0 : i32
      %dma_start3A_162 = tpu.memref_slice %arg7[%add3A_160, %dma_start3A_161] : memref<80x128xi32, #tpu.memory_space<vmem>> -> memref<1x128xi32, #tpu.memory_space<vmem>>
      %dma_start3A_163 = tpu.memref_squeeze %dma_start3A_162 : memref<1x128xi32, #tpu.memory_space<vmem>> -> memref<128xi32, #tpu.memory_space<vmem>>
      %dma_start3A_164 = arith.constant 0 : i32
      %dma_start3A_165 = arith.constant 0 : i32
      %dma_start3A_166 = tpu.memref_slice %arg18[%dma_start3A_164, %dma_start3A_165] : memref<10000x16xf32, #tpu.memory_space<vmem_shared>> -> memref<10000x16xf32, #tpu.memory_space<vmem_shared>>
      tpu.enqueue_indirect_dma source(%dma_start3A_166 : memref<10000x16xf32, #tpu.memory_space<vmem_shared>>) target(%arg12 : memref<128x16xf32, #tpu.memory_space<vmem>>) offsets(%dma_start3A_163 : memref<128xi32, #tpu.memory_space<vmem>>) semaphore(%arg22 : memref<!tpu.dma_semaphore, #tpu.memory_space<semaphore_mem>>)
      %gt3A_167 = arith.constant 0 : i32
      %gt3A_168 = arith.cmpi sgt, %scan3A_115, %gt3A_167 : i32
      %convert_element_type3A_169 = arith.extui %gt3A_168 : i1 to i32
      %cond3A_170 = arith.constant 0 : i32
      %cond3A_171 = arith.cmpi ne, %convert_element_type3A_169, %cond3A_170 : i32
      scf.if %cond3A_171 {
        %sub3A = arith.constant 8 : i32
        %sub3A_331 = arith.subi %mul3A_117, %sub3A : i32
        %add3A_332 = arith.constant 4 : i32
        %add3A_333 = arith.addi %sub3A_331, %add3A_332 : i32
        %dma_wait3A_334 = arith.constant 0 : i32
        %dma_wait3A_335 = tpu.memref_slice %arg8[%add3A_333, %dma_wait3A_334] : memref<80x128xi32, #tpu.memory_space<vmem>> -> memref<1x128xi32, #tpu.memory_space<vmem>>
        %dma_wait3A_336 = tpu.memref_squeeze %dma_wait3A_335 : memref<1x128xi32, #tpu.memory_space<vmem>> -> memref<128xi32, #tpu.memory_space<vmem>>
        %dma_wait3A_337 = arith.constant 0 : i32
        %dma_wait3A_338 = arith.constant 0 : i32
        %dma_wait3A_339 = tpu.memref_slice %arg17[%dma_wait3A_337, %dma_wait3A_338] : memref<10240x16xf32, #tpu.memory_space<vmem_shared>> -> memref<10240x16xf32, #tpu.memory_space<vmem_shared>>
        tpu.wait_indirect_dma semaphore(%arg31 : memref<!tpu.dma_semaphore, #tpu.memory_space<semaphore_mem>>) src(%arg13 : memref<128x16xf32, #tpu.memory_space<vmem>>) dst(%dma_wait3A_339 : memref<10240x16xf32, #tpu.memory_space<vmem_shared>>)
      } else {
      }
      %add3A_172 = arith.constant 4 : i32
      %add3A_173 = arith.addi %mul3A_117, %add3A_172 : i32
      %dma_start3A_174 = arith.constant 0 : i32
      %dma_start3A_175 = tpu.memref_slice %arg7[%add3A_173, %dma_start3A_174] : memref<80x128xi32, #tpu.memory_space<vmem>> -> memref<1x128xi32, #tpu.memory_space<vmem>>
      %dma_start3A_176 = tpu.memref_squeeze %dma_start3A_175 : memref<1x128xi32, #tpu.memory_space<vmem>> -> memref<128xi32, #tpu.memory_space<vmem>>
      %dma_start3A_177 = arith.constant 0 : i32
      %dma_start3A_178 = arith.constant 0 : i32
      %dma_start3A_179 = tpu.memref_slice %arg18[%dma_start3A_177, %dma_start3A_178] : memref<10000x16xf32, #tpu.memory_space<vmem_shared>> -> memref<10000x16xf32, #tpu.memory_space<vmem_shared>>
      tpu.enqueue_indirect_dma source(%dma_start3A_179 : memref<10000x16xf32, #tpu.memory_space<vmem_shared>>) target(%arg13 : memref<128x16xf32, #tpu.memory_space<vmem>>) offsets(%dma_start3A_176 : memref<128xi32, #tpu.memory_space<vmem>>) semaphore(%arg23 : memref<!tpu.dma_semaphore, #tpu.memory_space<semaphore_mem>>)
      %gt3A_180 = arith.constant 0 : i32
      %gt3A_181 = arith.cmpi sgt, %scan3A_115, %gt3A_180 : i32
      %convert_element_type3A_182 = arith.extui %gt3A_181 : i1 to i32
      %cond3A_183 = arith.constant 0 : i32
      %cond3A_184 = arith.cmpi ne, %convert_element_type3A_182, %cond3A_183 : i32
      scf.if %cond3A_184 {
        %sub3A = arith.constant 8 : i32
        %sub3A_331 = arith.subi %mul3A_117, %sub3A : i32
        %add3A_332 = arith.constant 5 : i32
        %add3A_333 = arith.addi %sub3A_331, %add3A_332 : i32
        %dma_wait3A_334 = arith.constant 0 : i32
        %dma_wait3A_335 = tpu.memref_slice %arg8[%add3A_333, %dma_wait3A_334] : memref<80x128xi32, #tpu.memory_space<vmem>> -> memref<1x128xi32, #tpu.memory_space<vmem>>
        %dma_wait3A_336 = tpu.memref_squeeze %dma_wait3A_335 : memref<1x128xi32, #tpu.memory_space<vmem>> -> memref<128xi32, #tpu.memory_space<vmem>>
        %dma_wait3A_337 = arith.constant 0 : i32
        %dma_wait3A_338 = arith.constant 0 : i32
        %dma_wait3A_339 = tpu.memref_slice %arg17[%dma_wait3A_337, %dma_wait3A_338] : memref<10240x16xf32, #tpu.memory_space<vmem_shared>> -> memref<10240x16xf32, #tpu.memory_space<vmem_shared>>
        tpu.wait_indirect_dma semaphore(%arg32 : memref<!tpu.dma_semaphore, #tpu.memory_space<semaphore_mem>>) src(%arg14 : memref<128x16xf32, #tpu.memory_space<vmem>>) dst(%dma_wait3A_339 : memref<10240x16xf32, #tpu.memory_space<vmem_shared>>)
      } else {
      }
      %add3A_185 = arith.constant 5 : i32
      %add3A_186 = arith.addi %mul3A_117, %add3A_185 : i32
      %dma_start3A_187 = arith.constant 0 : i32
      %dma_start3A_188 = tpu.memref_slice %arg7[%add3A_186, %dma_start3A_187] : memref<80x128xi32, #tpu.memory_space<vmem>> -> memref<1x128xi32, #tpu.memory_space<vmem>>
      %dma_start3A_189 = tpu.memref_squeeze %dma_start3A_188 : memref<1x128xi32, #tpu.memory_space<vmem>> -> memref<128xi32, #tpu.memory_space<vmem>>
      %dma_start3A_190 = arith.constant 0 : i32
      %dma_start3A_191 = arith.constant 0 : i32
      %dma_start3A_192 = tpu.memref_slice %arg18[%dma_start3A_190, %dma_start3A_191] : memref<10000x16xf32, #tpu.memory_space<vmem_shared>> -> memref<10000x16xf32, #tpu.memory_space<vmem_shared>>
      tpu.enqueue_indirect_dma source(%dma_start3A_192 : memref<10000x16xf32, #tpu.memory_space<vmem_shared>>) target(%arg14 : memref<128x16xf32, #tpu.memory_space<vmem>>) offsets(%dma_start3A_189 : memref<128xi32, #tpu.memory_space<vmem>>) semaphore(%arg24 : memref<!tpu.dma_semaphore, #tpu.memory_space<semaphore_mem>>)
      %gt3A_193 = arith.constant 0 : i32
      %gt3A_194 = arith.cmpi sgt, %scan3A_115, %gt3A_193 : i32
      %convert_element_type3A_195 = arith.extui %gt3A_194 : i1 to i32
      %cond3A_196 = arith.constant 0 : i32
      %cond3A_197 = arith.cmpi ne, %convert_element_type3A_195, %cond3A_196 : i32
      scf.if %cond3A_197 {
        %sub3A = arith.constant 8 : i32
        %sub3A_331 = arith.subi %mul3A_117, %sub3A : i32
        %add3A_332 = arith.constant 6 : i32
        %add3A_333 = arith.addi %sub3A_331, %add3A_332 : i32
        %dma_wait3A_334 = arith.constant 0 : i32
        %dma_wait3A_335 = tpu.memref_slice %arg8[%add3A_333, %dma_wait3A_334] : memref<80x128xi32, #tpu.memory_space<vmem>> -> memref<1x128xi32, #tpu.memory_space<vmem>>
        %dma_wait3A_336 = tpu.memref_squeeze %dma_wait3A_335 : memref<1x128xi32, #tpu.memory_space<vmem>> -> memref<128xi32, #tpu.memory_space<vmem>>
        %dma_wait3A_337 = arith.constant 0 : i32
        %dma_wait3A_338 = arith.constant 0 : i32
        %dma_wait3A_339 = tpu.memref_slice %arg17[%dma_wait3A_337, %dma_wait3A_338] : memref<10240x16xf32, #tpu.memory_space<vmem_shared>> -> memref<10240x16xf32, #tpu.memory_space<vmem_shared>>
        tpu.wait_indirect_dma semaphore(%arg33 : memref<!tpu.dma_semaphore, #tpu.memory_space<semaphore_mem>>) src(%arg15 : memref<128x16xf32, #tpu.memory_space<vmem>>) dst(%dma_wait3A_339 : memref<10240x16xf32, #tpu.memory_space<vmem_shared>>)
      } else {
      }
      %add3A_198 = arith.constant 6 : i32
      %add3A_199 = arith.addi %mul3A_117, %add3A_198 : i32
      %dma_start3A_200 = arith.constant 0 : i32
      %dma_start3A_201 = tpu.memref_slice %arg7[%add3A_199, %dma_start3A_200] : memref<80x128xi32, #tpu.memory_space<vmem>> -> memref<1x128xi32, #tpu.memory_space<vmem>>
      %dma_start3A_202 = tpu.memref_squeeze %dma_start3A_201 : memref<1x128xi32, #tpu.memory_space<vmem>> -> memref<128xi32, #tpu.memory_space<vmem>>
      %dma_start3A_203 = arith.constant 0 : i32
      %dma_start3A_204 = arith.constant 0 : i32
      %dma_start3A_205 = tpu.memref_slice %arg18[%dma_start3A_203, %dma_start3A_204] : memref<10000x16xf32, #tpu.memory_space<vmem_shared>> -> memref<10000x16xf32, #tpu.memory_space<vmem_shared>>
      tpu.enqueue_indirect_dma source(%dma_start3A_205 : memref<10000x16xf32, #tpu.memory_space<vmem_shared>>) target(%arg15 : memref<128x16xf32, #tpu.memory_space<vmem>>) offsets(%dma_start3A_202 : memref<128xi32, #tpu.memory_space<vmem>>) semaphore(%arg25 : memref<!tpu.dma_semaphore, #tpu.memory_space<semaphore_mem>>)
      %gt3A_206 = arith.constant 0 : i32
      %gt3A_207 = arith.cmpi sgt, %scan3A_115, %gt3A_206 : i32
      %convert_element_type3A_208 = arith.extui %gt3A_207 : i1 to i32
      %cond3A_209 = arith.constant 0 : i32
      %cond3A_210 = arith.cmpi ne, %convert_element_type3A_208, %cond3A_209 : i32
      scf.if %cond3A_210 {
        %sub3A = arith.constant 8 : i32
        %sub3A_331 = arith.subi %mul3A_117, %sub3A : i32
        %add3A_332 = arith.constant 7 : i32
        %add3A_333 = arith.addi %sub3A_331, %add3A_332 : i32
        %dma_wait3A_334 = arith.constant 0 : i32
        %dma_wait3A_335 = tpu.memref_slice %arg8[%add3A_333, %dma_wait3A_334] : memref<80x128xi32, #tpu.memory_space<vmem>> -> memref<1x128xi32, #tpu.memory_space<vmem>>
        %dma_wait3A_336 = tpu.memref_squeeze %dma_wait3A_335 : memref<1x128xi32, #tpu.memory_space<vmem>> -> memref<128xi32, #tpu.memory_space<vmem>>
        %dma_wait3A_337 = arith.constant 0 : i32
        %dma_wait3A_338 = arith.constant 0 : i32
        %dma_wait3A_339 = tpu.memref_slice %arg17[%dma_wait3A_337, %dma_wait3A_338] : memref<10240x16xf32, #tpu.memory_space<vmem_shared>> -> memref<10240x16xf32, #tpu.memory_space<vmem_shared>>
        tpu.wait_indirect_dma semaphore(%arg34 : memref<!tpu.dma_semaphore, #tpu.memory_space<semaphore_mem>>) src(%arg16 : memref<128x16xf32, #tpu.memory_space<vmem>>) dst(%dma_wait3A_339 : memref<10240x16xf32, #tpu.memory_space<vmem_shared>>)
      } else {
      }
      %add3A_211 = arith.constant 7 : i32
      %add3A_212 = arith.addi %mul3A_117, %add3A_211 : i32
      %dma_start3A_213 = arith.constant 0 : i32
      %dma_start3A_214 = tpu.memref_slice %arg7[%add3A_212, %dma_start3A_213] : memref<80x128xi32, #tpu.memory_space<vmem>> -> memref<1x128xi32, #tpu.memory_space<vmem>>
      %dma_start3A_215 = tpu.memref_squeeze %dma_start3A_214 : memref<1x128xi32, #tpu.memory_space<vmem>> -> memref<128xi32, #tpu.memory_space<vmem>>
      %dma_start3A_216 = arith.constant 0 : i32
      %dma_start3A_217 = arith.constant 0 : i32
      %dma_start3A_218 = tpu.memref_slice %arg18[%dma_start3A_216, %dma_start3A_217] : memref<10000x16xf32, #tpu.memory_space<vmem_shared>> -> memref<10000x16xf32, #tpu.memory_space<vmem_shared>>
      tpu.enqueue_indirect_dma source(%dma_start3A_218 : memref<10000x16xf32, #tpu.memory_space<vmem_shared>>) target(%arg16 : memref<128x16xf32, #tpu.memory_space<vmem>>) offsets(%dma_start3A_215 : memref<128xi32, #tpu.memory_space<vmem>>) semaphore(%arg26 : memref<!tpu.dma_semaphore, #tpu.memory_space<semaphore_mem>>)
      %dma_wait3A_219 = arith.constant 0 : i32
      %dma_wait3A_220 = tpu.memref_slice %arg7[%add3A_121, %dma_wait3A_219] : memref<80x128xi32, #tpu.memory_space<vmem>> -> memref<1x128xi32, #tpu.memory_space<vmem>>
      %dma_wait3A_221 = tpu.memref_squeeze %dma_wait3A_220 : memref<1x128xi32, #tpu.memory_space<vmem>> -> memref<128xi32, #tpu.memory_space<vmem>>
      %dma_wait3A_222 = arith.constant 0 : i32
      %dma_wait3A_223 = arith.constant 0 : i32
      %dma_wait3A_224 = tpu.memref_slice %arg18[%dma_wait3A_222, %dma_wait3A_223] : memref<10000x16xf32, #tpu.memory_space<vmem_shared>> -> memref<10000x16xf32, #tpu.memory_space<vmem_shared>>
      tpu.wait_indirect_dma semaphore(%arg19 : memref<!tpu.dma_semaphore, #tpu.memory_space<semaphore_mem>>) src(%dma_wait3A_224 : memref<10000x16xf32, #tpu.memory_space<vmem_shared>>) dst(%arg9 : memref<128x16xf32, #tpu.memory_space<vmem>>)
      %add3A_225 = arith.constant 0 : i32
      %add3A_226 = arith.addi %mul3A_117, %add3A_225 : i32
      %dma_start3A_227 = arith.constant 0 : i32
      %dma_start3A_228 = tpu.memref_slice %arg8[%add3A_226, %dma_start3A_227] : memref<80x128xi32, #tpu.memory_space<vmem>> -> memref<1x128xi32, #tpu.memory_space<vmem>>
      %dma_start3A_229 = tpu.memref_squeeze %dma_start3A_228 : memref<1x128xi32, #tpu.memory_space<vmem>> -> memref<128xi32, #tpu.memory_space<vmem>>
      %dma_start3A_230 = arith.constant 0 : i32
      %dma_start3A_231 = arith.constant 0 : i32
      %dma_start3A_232 = tpu.memref_slice %arg17[%dma_start3A_230, %dma_start3A_231] : memref<10240x16xf32, #tpu.memory_space<vmem_shared>> -> memref<10240x16xf32, #tpu.memory_space<vmem_shared>>
      tpu.enqueue_indirect_dma source(%arg9 : memref<128x16xf32, #tpu.memory_space<vmem>>) target(%dma_start3A_232 : memref<10240x16xf32, #tpu.memory_space<vmem_shared>>) offsets(%dma_start3A_229 : memref<128xi32, #tpu.memory_space<vmem>>) semaphore(%arg27 : memref<!tpu.dma_semaphore, #tpu.memory_space<semaphore_mem>>) {add = true}
      %dma_wait3A_233 = arith.constant 0 : i32
      %dma_wait3A_234 = tpu.memref_slice %arg7[%add3A_134, %dma_wait3A_233] : memref<80x128xi32, #tpu.memory_space<vmem>> -> memref<1x128xi32, #tpu.memory_space<vmem>>
      %dma_wait3A_235 = tpu.memref_squeeze %dma_wait3A_234 : memref<1x128xi32, #tpu.memory_space<vmem>> -> memref<128xi32, #tpu.memory_space<vmem>>
      %dma_wait3A_236 = arith.constant 0 : i32
      %dma_wait3A_237 = arith.constant 0 : i32
      %dma_wait3A_238 = tpu.memref_slice %arg18[%dma_wait3A_236, %dma_wait3A_237] : memref<10000x16xf32, #tpu.memory_space<vmem_shared>> -> memref<10000x16xf32, #tpu.memory_space<vmem_shared>>
      tpu.wait_indirect_dma semaphore(%arg20 : memref<!tpu.dma_semaphore, #tpu.memory_space<semaphore_mem>>) src(%dma_wait3A_238 : memref<10000x16xf32, #tpu.memory_space<vmem_shared>>) dst(%arg10 : memref<128x16xf32, #tpu.memory_space<vmem>>)
      %add3A_239 = arith.constant 1 : i32
      %add3A_240 = arith.addi %mul3A_117, %add3A_239 : i32
      %dma_start3A_241 = arith.constant 0 : i32
      %dma_start3A_242 = tpu.memref_slice %arg8[%add3A_240, %dma_start3A_241] : memref<80x128xi32, #tpu.memory_space<vmem>> -> memref<1x128xi32, #tpu.memory_space<vmem>>
      %dma_start3A_243 = tpu.memref_squeeze %dma_start3A_242 : memref<1x128xi32, #tpu.memory_space<vmem>> -> memref<128xi32, #tpu.memory_space<vmem>>
      %dma_start3A_244 = arith.constant 0 : i32
      %dma_start3A_245 = arith.constant 0 : i32
      %dma_start3A_246 = tpu.memref_slice %arg17[%dma_start3A_244, %dma_start3A_245] : memref<10240x16xf32, #tpu.memory_space<vmem_shared>> -> memref<10240x16xf32, #tpu.memory_space<vmem_shared>>
      tpu.enqueue_indirect_dma source(%arg10 : memref<128x16xf32, #tpu.memory_space<vmem>>) target(%dma_start3A_246 : memref<10240x16xf32, #tpu.memory_space<vmem_shared>>) offsets(%dma_start3A_243 : memref<128xi32, #tpu.memory_space<vmem>>) semaphore(%arg28 : memref<!tpu.dma_semaphore, #tpu.memory_space<semaphore_mem>>) {add = true}
      %dma_wait3A_247 = arith.constant 0 : i32
      %dma_wait3A_248 = tpu.memref_slice %arg7[%add3A_147, %dma_wait3A_247] : memref<80x128xi32, #tpu.memory_space<vmem>> -> memref<1x128xi32, #tpu.memory_space<vmem>>
      %dma_wait3A_249 = tpu.memref_squeeze %dma_wait3A_248 : memref<1x128xi32, #tpu.memory_space<vmem>> -> memref<128xi32, #tpu.memory_space<vmem>>
      %dma_wait3A_250 = arith.constant 0 : i32
      %dma_wait3A_251 = arith.constant 0 : i32
      %dma_wait3A_252 = tpu.memref_slice %arg18[%dma_wait3A_250, %dma_wait3A_251] : memref<10000x16xf32, #tpu.memory_space<vmem_shared>> -> memref<10000x16xf32, #tpu.memory_space<vmem_shared>>
      tpu.wait_indirect_dma semaphore(%arg21 : memref<!tpu.dma_semaphore, #tpu.memory_space<semaphore_mem>>) src(%dma_wait3A_252 : memref<10000x16xf32, #tpu.memory_space<vmem_shared>>) dst(%arg11 : memref<128x16xf32, #tpu.memory_space<vmem>>)
      %add3A_253 = arith.constant 2 : i32
      %add3A_254 = arith.addi %mul3A_117, %add3A_253 : i32
      %dma_start3A_255 = arith.constant 0 : i32
      %dma_start3A_256 = tpu.memref_slice %arg8[%add3A_254, %dma_start3A_255] : memref<80x128xi32, #tpu.memory_space<vmem>> -> memref<1x128xi32, #tpu.memory_space<vmem>>
      %dma_start3A_257 = tpu.memref_squeeze %dma_start3A_256 : memref<1x128xi32, #tpu.memory_space<vmem>> -> memref<128xi32, #tpu.memory_space<vmem>>
      %dma_start3A_258 = arith.constant 0 : i32
      %dma_start3A_259 = arith.constant 0 : i32
      %dma_start3A_260 = tpu.memref_slice %arg17[%dma_start3A_258, %dma_start3A_259] : memref<10240x16xf32, #tpu.memory_space<vmem_shared>> -> memref<10240x16xf32, #tpu.memory_space<vmem_shared>>
      tpu.enqueue_indirect_dma source(%arg11 : memref<128x16xf32, #tpu.memory_space<vmem>>) target(%dma_start3A_260 : memref<10240x16xf32, #tpu.memory_space<vmem_shared>>) offsets(%dma_start3A_257 : memref<128xi32, #tpu.memory_space<vmem>>) semaphore(%arg29 : memref<!tpu.dma_semaphore, #tpu.memory_space<semaphore_mem>>) {add = true}
      %dma_wait3A_261 = arith.constant 0 : i32
      %dma_wait3A_262 = tpu.memref_slice %arg7[%add3A_160, %dma_wait3A_261] : memref<80x128xi32, #tpu.memory_space<vmem>> -> memref<1x128xi32, #tpu.memory_space<vmem>>
      %dma_wait3A_263 = tpu.memref_squeeze %dma_wait3A_262 : memref<1x128xi32, #tpu.memory_space<vmem>> -> memref<128xi32, #tpu.memory_space<vmem>>
      %dma_wait3A_264 = arith.constant 0 : i32
      %dma_wait3A_265 = arith.constant 0 : i32
      %dma_wait3A_266 = tpu.memref_slice %arg18[%dma_wait3A_264, %dma_wait3A_265] : memref<10000x16xf32, #tpu.memory_space<vmem_shared>> -> memref<10000x16xf32, #tpu.memory_space<vmem_shared>>
      tpu.wait_indirect_dma semaphore(%arg22 : memref<!tpu.dma_semaphore, #tpu.memory_space<semaphore_mem>>) src(%dma_wait3A_266 : memref<10000x16xf32, #tpu.memory_space<vmem_shared>>) dst(%arg12 : memref<128x16xf32, #tpu.memory_space<vmem>>)
      %add3A_267 = arith.constant 3 : i32
      %add3A_268 = arith.addi %mul3A_117, %add3A_267 : i32
      %dma_start3A_269 = arith.constant 0 : i32
      %dma_start3A_270 = tpu.memref_slice %arg8[%add3A_268, %dma_start3A_269] : memref<80x128xi32, #tpu.memory_space<vmem>> -> memref<1x128xi32, #tpu.memory_space<vmem>>
      %dma_start3A_271 = tpu.memref_squeeze %dma_start3A_270 : memref<1x128xi32, #tpu.memory_space<vmem>> -> memref<128xi32, #tpu.memory_space<vmem>>
      %dma_start3A_272 = arith.constant 0 : i32
      %dma_start3A_273 = arith.constant 0 : i32
      %dma_start3A_274 = tpu.memref_slice %arg17[%dma_start3A_272, %dma_start3A_273] : memref<10240x16xf32, #tpu.memory_space<vmem_shared>> -> memref<10240x16xf32, #tpu.memory_space<vmem_shared>>
      tpu.enqueue_indirect_dma source(%arg12 : memref<128x16xf32, #tpu.memory_space<vmem>>) target(%dma_start3A_274 : memref<10240x16xf32, #tpu.memory_space<vmem_shared>>) offsets(%dma_start3A_271 : memref<128xi32, #tpu.memory_space<vmem>>) semaphore(%arg30 : memref<!tpu.dma_semaphore, #tpu.memory_space<semaphore_mem>>) {add = true}
      %dma_wait3A_275 = arith.constant 0 : i32
      %dma_wait3A_276 = tpu.memref_slice %arg7[%add3A_173, %dma_wait3A_275] : memref<80x128xi32, #tpu.memory_space<vmem>> -> memref<1x128xi32, #tpu.memory_space<vmem>>
      %dma_wait3A_277 = tpu.memref_squeeze %dma_wait3A_276 : memref<1x128xi32, #tpu.memory_space<vmem>> -> memref<128xi32, #tpu.memory_space<vmem>>
      %dma_wait3A_278 = arith.constant 0 : i32
      %dma_wait3A_279 = arith.constant 0 : i32
      %dma_wait3A_280 = tpu.memref_slice %arg18[%dma_wait3A_278, %dma_wait3A_279] : memref<10000x16xf32, #tpu.memory_space<vmem_shared>> -> memref<10000x16xf32, #tpu.memory_space<vmem_shared>>
      tpu.wait_indirect_dma semaphore(%arg23 : memref<!tpu.dma_semaphore, #tpu.memory_space<semaphore_mem>>) src(%dma_wait3A_280 : memref<10000x16xf32, #tpu.memory_space<vmem_shared>>) dst(%arg13 : memref<128x16xf32, #tpu.memory_space<vmem>>)
      %add3A_281 = arith.constant 4 : i32
      %add3A_282 = arith.addi %mul3A_117, %add3A_281 : i32
      %dma_start3A_283 = arith.constant 0 : i32
      %dma_start3A_284 = tpu.memref_slice %arg8[%add3A_282, %dma_start3A_283] : memref<80x128xi32, #tpu.memory_space<vmem>> -> memref<1x128xi32, #tpu.memory_space<vmem>>
      %dma_start3A_285 = tpu.memref_squeeze %dma_start3A_284 : memref<1x128xi32, #tpu.memory_space<vmem>> -> memref<128xi32, #tpu.memory_space<vmem>>
      %dma_start3A_286 = arith.constant 0 : i32
      %dma_start3A_287 = arith.constant 0 : i32
      %dma_start3A_288 = tpu.memref_slice %arg17[%dma_start3A_286, %dma_start3A_287] : memref<10240x16xf32, #tpu.memory_space<vmem_shared>> -> memref<10240x16xf32, #tpu.memory_space<vmem_shared>>
      tpu.enqueue_indirect_dma source(%arg13 : memref<128x16xf32, #tpu.memory_space<vmem>>) target(%dma_start3A_288 : memref<10240x16xf32, #tpu.memory_space<vmem_shared>>) offsets(%dma_start3A_285 : memref<128xi32, #tpu.memory_space<vmem>>) semaphore(%arg31 : memref<!tpu.dma_semaphore, #tpu.memory_space<semaphore_mem>>) {add = true}
      %dma_wait3A_289 = arith.constant 0 : i32
      %dma_wait3A_290 = tpu.memref_slice %arg7[%add3A_186, %dma_wait3A_289] : memref<80x128xi32, #tpu.memory_space<vmem>> -> memref<1x128xi32, #tpu.memory_space<vmem>>
      %dma_wait3A_291 = tpu.memref_squeeze %dma_wait3A_290 : memref<1x128xi32, #tpu.memory_space<vmem>> -> memref<128xi32, #tpu.memory_space<vmem>>
      %dma_wait3A_292 = arith.constant 0 : i32
      %dma_wait3A_293 = arith.constant 0 : i32
      %dma_wait3A_294 = tpu.memref_slice %arg18[%dma_wait3A_292, %dma_wait3A_293] : memref<10000x16xf32, #tpu.memory_space<vmem_shared>> -> memref<10000x16xf32, #tpu.memory_space<vmem_shared>>
      tpu.wait_indirect_dma semaphore(%arg24 : memref<!tpu.dma_semaphore, #tpu.memory_space<semaphore_mem>>) src(%dma_wait3A_294 : memref<10000x16xf32, #tpu.memory_space<vmem_shared>>) dst(%arg14 : memref<128x16xf32, #tpu.memory_space<vmem>>)
      %add3A_295 = arith.constant 5 : i32
      %add3A_296 = arith.addi %mul3A_117, %add3A_295 : i32
      %dma_start3A_297 = arith.constant 0 : i32
      %dma_start3A_298 = tpu.memref_slice %arg8[%add3A_296, %dma_start3A_297] : memref<80x128xi32, #tpu.memory_space<vmem>> -> memref<1x128xi32, #tpu.memory_space<vmem>>
      %dma_start3A_299 = tpu.memref_squeeze %dma_start3A_298 : memref<1x128xi32, #tpu.memory_space<vmem>> -> memref<128xi32, #tpu.memory_space<vmem>>
      %dma_start3A_300 = arith.constant 0 : i32
      %dma_start3A_301 = arith.constant 0 : i32
      %dma_start3A_302 = tpu.memref_slice %arg17[%dma_start3A_300, %dma_start3A_301] : memref<10240x16xf32, #tpu.memory_space<vmem_shared>> -> memref<10240x16xf32, #tpu.memory_space<vmem_shared>>
      tpu.enqueue_indirect_dma source(%arg14 : memref<128x16xf32, #tpu.memory_space<vmem>>) target(%dma_start3A_302 : memref<10240x16xf32, #tpu.memory_space<vmem_shared>>) offsets(%dma_start3A_299 : memref<128xi32, #tpu.memory_space<vmem>>) semaphore(%arg32 : memref<!tpu.dma_semaphore, #tpu.memory_space<semaphore_mem>>) {add = true}
      %dma_wait3A_303 = arith.constant 0 : i32
      %dma_wait3A_304 = tpu.memref_slice %arg7[%add3A_199, %dma_wait3A_303] : memref<80x128xi32, #tpu.memory_space<vmem>> -> memref<1x128xi32, #tpu.memory_space<vmem>>
      %dma_wait3A_305 = tpu.memref_squeeze %dma_wait3A_304 : memref<1x128xi32, #tpu.memory_space<vmem>> -> memref<128xi32, #tpu.memory_space<vmem>>
      %dma_wait3A_306 = arith.constant 0 : i32
      %dma_wait3A_307 = arith.constant 0 : i32
      %dma_wait3A_308 = tpu.memref_slice %arg18[%dma_wait3A_306, %dma_wait3A_307] : memref<10000x16xf32, #tpu.memory_space<vmem_shared>> -> memref<10000x16xf32, #tpu.memory_space<vmem_shared>>
      tpu.wait_indirect_dma semaphore(%arg25 : memref<!tpu.dma_semaphore, #tpu.memory_space<semaphore_mem>>) src(%dma_wait3A_308 : memref<10000x16xf32, #tpu.memory_space<vmem_shared>>) dst(%arg15 : memref<128x16xf32, #tpu.memory_space<vmem>>)
      %add3A_309 = arith.constant 6 : i32
      %add3A_310 = arith.addi %mul3A_117, %add3A_309 : i32
      %dma_start3A_311 = arith.constant 0 : i32
      %dma_start3A_312 = tpu.memref_slice %arg8[%add3A_310, %dma_start3A_311] : memref<80x128xi32, #tpu.memory_space<vmem>> -> memref<1x128xi32, #tpu.memory_space<vmem>>
      %dma_start3A_313 = tpu.memref_squeeze %dma_start3A_312 : memref<1x128xi32, #tpu.memory_space<vmem>> -> memref<128xi32, #tpu.memory_space<vmem>>
      %dma_start3A_314 = arith.constant 0 : i32
      %dma_start3A_315 = arith.constant 0 : i32
      %dma_start3A_316 = tpu.memref_slice %arg17[%dma_start3A_314, %dma_start3A_315] : memref<10240x16xf32, #tpu.memory_space<vmem_shared>> -> memref<10240x16xf32, #tpu.memory_space<vmem_shared>>
      tpu.enqueue_indirect_dma source(%arg15 : memref<128x16xf32, #tpu.memory_space<vmem>>) target(%dma_start3A_316 : memref<10240x16xf32, #tpu.memory_space<vmem_shared>>) offsets(%dma_start3A_313 : memref<128xi32, #tpu.memory_space<vmem>>) semaphore(%arg33 : memref<!tpu.dma_semaphore, #tpu.memory_space<semaphore_mem>>) {add = true}
      %dma_wait3A_317 = arith.constant 0 : i32
      %dma_wait3A_318 = tpu.memref_slice %arg7[%add3A_212, %dma_wait3A_317] : memref<80x128xi32, #tpu.memory_space<vmem>> -> memref<1x128xi32, #tpu.memory_space<vmem>>
      %dma_wait3A_319 = tpu.memref_squeeze %dma_wait3A_318 : memref<1x128xi32, #tpu.memory_space<vmem>> -> memref<128xi32, #tpu.memory_space<vmem>>
      %dma_wait3A_320 = arith.constant 0 : i32
      %dma_wait3A_321 = arith.constant 0 : i32
      %dma_wait3A_322 = tpu.memref_slice %arg18[%dma_wait3A_320, %dma_wait3A_321] : memref<10000x16xf32, #tpu.memory_space<vmem_shared>> -> memref<10000x16xf32, #tpu.memory_space<vmem_shared>>
      tpu.wait_indirect_dma semaphore(%arg26 : memref<!tpu.dma_semaphore, #tpu.memory_space<semaphore_mem>>) src(%dma_wait3A_322 : memref<10000x16xf32, #tpu.memory_space<vmem_shared>>) dst(%arg16 : memref<128x16xf32, #tpu.memory_space<vmem>>)
      %add3A_323 = arith.constant 7 : i32
      %add3A_324 = arith.addi %mul3A_117, %add3A_323 : i32
      %dma_start3A_325 = arith.constant 0 : i32
      %dma_start3A_326 = tpu.memref_slice %arg8[%add3A_324, %dma_start3A_325] : memref<80x128xi32, #tpu.memory_space<vmem>> -> memref<1x128xi32, #tpu.memory_space<vmem>>
      %dma_start3A_327 = tpu.memref_squeeze %dma_start3A_326 : memref<1x128xi32, #tpu.memory_space<vmem>> -> memref<128xi32, #tpu.memory_space<vmem>>
      %dma_start3A_328 = arith.constant 0 : i32
      %dma_start3A_329 = arith.constant 0 : i32
      %dma_start3A_330 = tpu.memref_slice %arg17[%dma_start3A_328, %dma_start3A_329] : memref<10240x16xf32, #tpu.memory_space<vmem_shared>> -> memref<10240x16xf32, #tpu.memory_space<vmem_shared>>
      tpu.enqueue_indirect_dma source(%arg16 : memref<128x16xf32, #tpu.memory_space<vmem>>) target(%dma_start3A_330 : memref<10240x16xf32, #tpu.memory_space<vmem_shared>>) offsets(%dma_start3A_327 : memref<128xi32, #tpu.memory_space<vmem>>) semaphore(%arg34 : memref<!tpu.dma_semaphore, #tpu.memory_space<semaphore_mem>>) {add = true}
    }
    %scan3A_53 = arith.constant 10 : i32
    %dma_wait3A_54 = arith.constant 72 : i32
    %dma_wait3A_55 = arith.constant 0 : i32
    %dma_wait3A_56 = tpu.memref_slice %arg8[%dma_wait3A_54, %dma_wait3A_55] : memref<80x128xi32, #tpu.memory_space<vmem>> -> memref<1x128xi32, #tpu.memory_space<vmem>>
    %dma_wait3A_57 = tpu.memref_squeeze %dma_wait3A_56 : memref<1x128xi32, #tpu.memory_space<vmem>> -> memref<128xi32, #tpu.memory_space<vmem>>
    %dma_wait3A_58 = arith.constant 0 : i32
    %dma_wait3A_59 = arith.constant 0 : i32
    %dma_wait3A_60 = tpu.memref_slice %arg17[%dma_wait3A_58, %dma_wait3A_59] : memref<10240x16xf32, #tpu.memory_space<vmem_shared>> -> memref<10240x16xf32, #tpu.memory_space<vmem_shared>>
    tpu.wait_indirect_dma semaphore(%arg27 : memref<!tpu.dma_semaphore, #tpu.memory_space<semaphore_mem>>) src(%arg9 : memref<128x16xf32, #tpu.memory_space<vmem>>) dst(%dma_wait3A_60 : memref<10240x16xf32, #tpu.memory_space<vmem_shared>>)
    %dma_wait3A_61 = arith.constant 73 : i32
    %dma_wait3A_62 = arith.constant 0 : i32
    %dma_wait3A_63 = tpu.memref_slice %arg8[%dma_wait3A_61, %dma_wait3A_62] : memref<80x128xi32, #tpu.memory_space<vmem>> -> memref<1x128xi32, #tpu.memory_space<vmem>>
    %dma_wait3A_64 = tpu.memref_squeeze %dma_wait3A_63 : memref<1x128xi32, #tpu.memory_space<vmem>> -> memref<128xi32, #tpu.memory_space<vmem>>
    %dma_wait3A_65 = arith.constant 0 : i32
    %dma_wait3A_66 = arith.constant 0 : i32
    %dma_wait3A_67 = tpu.memref_slice %arg17[%dma_wait3A_65, %dma_wait3A_66] : memref<10240x16xf32, #tpu.memory_space<vmem_shared>> -> memref<10240x16xf32, #tpu.memory_space<vmem_shared>>
    tpu.wait_indirect_dma semaphore(%arg28 : memref<!tpu.dma_semaphore, #tpu.memory_space<semaphore_mem>>) src(%arg10 : memref<128x16xf32, #tpu.memory_space<vmem>>) dst(%dma_wait3A_67 : memref<10240x16xf32, #tpu.memory_space<vmem_shared>>)
    %dma_wait3A_68 = arith.constant 74 : i32
    %dma_wait3A_69 = arith.constant 0 : i32
    %dma_wait3A_70 = tpu.memref_slice %arg8[%dma_wait3A_68, %dma_wait3A_69] : memref<80x128xi32, #tpu.memory_space<vmem>> -> memref<1x128xi32, #tpu.memory_space<vmem>>
    %dma_wait3A_71 = tpu.memref_squeeze %dma_wait3A_70 : memref<1x128xi32, #tpu.memory_space<vmem>> -> memref<128xi32, #tpu.memory_space<vmem>>
    %dma_wait3A_72 = arith.constant 0 : i32
    %dma_wait3A_73 = arith.constant 0 : i32
    %dma_wait3A_74 = tpu.memref_slice %arg17[%dma_wait3A_72, %dma_wait3A_73] : memref<10240x16xf32, #tpu.memory_space<vmem_shared>> -> memref<10240x16xf32, #tpu.memory_space<vmem_shared>>
    tpu.wait_indirect_dma semaphore(%arg29 : memref<!tpu.dma_semaphore, #tpu.memory_space<semaphore_mem>>) src(%arg11 : memref<128x16xf32, #tpu.memory_space<vmem>>) dst(%dma_wait3A_74 : memref<10240x16xf32, #tpu.memory_space<vmem_shared>>)
    %dma_wait3A_75 = arith.constant 75 : i32
    %dma_wait3A_76 = arith.constant 0 : i32
    %dma_wait3A_77 = tpu.memref_slice %arg8[%dma_wait3A_75, %dma_wait3A_76] : memref<80x128xi32, #tpu.memory_space<vmem>> -> memref<1x128xi32, #tpu.memory_space<vmem>>
    %dma_wait3A_78 = tpu.memref_squeeze %dma_wait3A_77 : memref<1x128xi32, #tpu.memory_space<vmem>> -> memref<128xi32, #tpu.memory_space<vmem>>
    %dma_wait3A_79 = arith.constant 0 : i32
    %dma_wait3A_80 = arith.constant 0 : i32
    %dma_wait3A_81 = tpu.memref_slice %arg17[%dma_wait3A_79, %dma_wait3A_80] : memref<10240x16xf32, #tpu.memory_space<vmem_shared>> -> memref<10240x16xf32, #tpu.memory_space<vmem_shared>>
    tpu.wait_indirect_dma semaphore(%arg30 : memref<!tpu.dma_semaphore, #tpu.memory_space<semaphore_mem>>) src(%arg12 : memref<128x16xf32, #tpu.memory_space<vmem>>) dst(%dma_wait3A_81 : memref<10240x16xf32, #tpu.memory_space<vmem_shared>>)
    %dma_wait3A_82 = arith.constant 76 : i32
    %dma_wait3A_83 = arith.constant 0 : i32
    %dma_wait3A_84 = tpu.memref_slice %arg8[%dma_wait3A_82, %dma_wait3A_83] : memref<80x128xi32, #tpu.memory_space<vmem>> -> memref<1x128xi32, #tpu.memory_space<vmem>>
    %dma_wait3A_85 = tpu.memref_squeeze %dma_wait3A_84 : memref<1x128xi32, #tpu.memory_space<vmem>> -> memref<128xi32, #tpu.memory_space<vmem>>
    %dma_wait3A_86 = arith.constant 0 : i32
    %dma_wait3A_87 = arith.constant 0 : i32
    %dma_wait3A_88 = tpu.memref_slice %arg17[%dma_wait3A_86, %dma_wait3A_87] : memref<10240x16xf32, #tpu.memory_space<vmem_shared>> -> memref<10240x16xf32, #tpu.memory_space<vmem_shared>>
    tpu.wait_indirect_dma semaphore(%arg31 : memref<!tpu.dma_semaphore, #tpu.memory_space<semaphore_mem>>) src(%arg13 : memref<128x16xf32, #tpu.memory_space<vmem>>) dst(%dma_wait3A_88 : memref<10240x16xf32, #tpu.memory_space<vmem_shared>>)
    %dma_wait3A_89 = arith.constant 77 : i32
    %dma_wait3A_90 = arith.constant 0 : i32
    %dma_wait3A_91 = tpu.memref_slice %arg8[%dma_wait3A_89, %dma_wait3A_90] : memref<80x128xi32, #tpu.memory_space<vmem>> -> memref<1x128xi32, #tpu.memory_space<vmem>>
    %dma_wait3A_92 = tpu.memref_squeeze %dma_wait3A_91 : memref<1x128xi32, #tpu.memory_space<vmem>> -> memref<128xi32, #tpu.memory_space<vmem>>
    %dma_wait3A_93 = arith.constant 0 : i32
    %dma_wait3A_94 = arith.constant 0 : i32
    %dma_wait3A_95 = tpu.memref_slice %arg17[%dma_wait3A_93, %dma_wait3A_94] : memref<10240x16xf32, #tpu.memory_space<vmem_shared>> -> memref<10240x16xf32, #tpu.memory_space<vmem_shared>>
    tpu.wait_indirect_dma semaphore(%arg32 : memref<!tpu.dma_semaphore, #tpu.memory_space<semaphore_mem>>) src(%arg14 : memref<128x16xf32, #tpu.memory_space<vmem>>) dst(%dma_wait3A_95 : memref<10240x16xf32, #tpu.memory_space<vmem_shared>>)
    %dma_wait3A_96 = arith.constant 78 : i32
    %dma_wait3A_97 = arith.constant 0 : i32
    %dma_wait3A_98 = tpu.memref_slice %arg8[%dma_wait3A_96, %dma_wait3A_97] : memref<80x128xi32, #tpu.memory_space<vmem>> -> memref<1x128xi32, #tpu.memory_space<vmem>>
    %dma_wait3A_99 = tpu.memref_squeeze %dma_wait3A_98 : memref<1x128xi32, #tpu.memory_space<vmem>> -> memref<128xi32, #tpu.memory_space<vmem>>
    %dma_wait3A_100 = arith.constant 0 : i32
    %dma_wait3A_101 = arith.constant 0 : i32
    %dma_wait3A_102 = tpu.memref_slice %arg17[%dma_wait3A_100, %dma_wait3A_101] : memref<10240x16xf32, #tpu.memory_space<vmem_shared>> -> memref<10240x16xf32, #tpu.memory_space<vmem_shared>>
    tpu.wait_indirect_dma semaphore(%arg33 : memref<!tpu.dma_semaphore, #tpu.memory_space<semaphore_mem>>) src(%arg15 : memref<128x16xf32, #tpu.memory_space<vmem>>) dst(%dma_wait3A_102 : memref<10240x16xf32, #tpu.memory_space<vmem_shared>>)
    %dma_wait3A_103 = arith.constant 79 : i32
    %dma_wait3A_104 = arith.constant 0 : i32
    %dma_wait3A_105 = tpu.memref_slice %arg8[%dma_wait3A_103, %dma_wait3A_104] : memref<80x128xi32, #tpu.memory_space<vmem>> -> memref<1x128xi32, #tpu.memory_space<vmem>>
    %dma_wait3A_106 = tpu.memref_squeeze %dma_wait3A_105 : memref<1x128xi32, #tpu.memory_space<vmem>> -> memref<128xi32, #tpu.memory_space<vmem>>
    %dma_wait3A_107 = arith.constant 0 : i32
    %dma_wait3A_108 = arith.constant 0 : i32
    %dma_wait3A_109 = tpu.memref_slice %arg17[%dma_wait3A_107, %dma_wait3A_108] : memref<10240x16xf32, #tpu.memory_space<vmem_shared>> -> memref<10240x16xf32, #tpu.memory_space<vmem_shared>>
    tpu.wait_indirect_dma semaphore(%arg34 : memref<!tpu.dma_semaphore, #tpu.memory_space<semaphore_mem>>) src(%arg16 : memref<128x16xf32, #tpu.memory_space<vmem>>) dst(%dma_wait3A_109 : memref<10240x16xf32, #tpu.memory_space<vmem_shared>>)
    %barrier3A_110 = arith.constant 0 : index
    tpu.barrier barrier_id(%barrier3A_110)
    %mul3A_111 = arith.constant 640 : i32
    %mul3A_112 = arith.muli %arg1, %mul3A_111 : i32
    %mul3A_113 = arith.constant 640 : i32
    %mul3A_114 = arith.muli %arg1, %mul3A_113 : i32
    "tpu.region"() ({
      %run_scoped3A = tpu.sem_alloc : memref<!tpu.dma_semaphore, #tpu.memory_space<semaphore_mem>>
      %dma_start3A_115 = arith.constant 0 : i32
      %dma_start3A_116 = tpu.memref_slice %arg6[%arg0, %mul3A_114, %dma_start3A_115] : memref<2x10240x16xf32, #tpu.memory_space<hbm>> -> memref<1x640x16xf32, #tpu.memory_space<hbm>>
      %dma_start3A_117 = tpu.memref_squeeze %dma_start3A_116 : memref<1x640x16xf32, #tpu.memory_space<hbm>> -> memref<640x16xf32, #tpu.memory_space<hbm>>
      %dma_start3A_118 = arith.constant 0 : i32
      %dma_start3A_119 = tpu.memref_slice %arg17[%mul3A_112, %dma_start3A_118] : memref<10240x16xf32, #tpu.memory_space<vmem_shared>> -> memref<640x16xf32, #tpu.memory_space<vmem_shared>>
      tpu.enqueue_dma source(%dma_start3A_119 : memref<640x16xf32, #tpu.memory_space<vmem_shared>>) target(%dma_start3A_117 : memref<640x16xf32, #tpu.memory_space<hbm>>) target_semaphore(%run_scoped3A : memref<!tpu.dma_semaphore, #tpu.memory_space<semaphore_mem>>)
      %dma_wait3A_120 = arith.constant 0 : i32
      %dma_wait3A_121 = tpu.memref_slice %arg6[%arg0, %mul3A_114, %dma_wait3A_120] : memref<2x10240x16xf32, #tpu.memory_space<hbm>> -> memref<1x640x16xf32, #tpu.memory_space<hbm>>
      %dma_wait3A_122 = tpu.memref_squeeze %dma_wait3A_121 : memref<1x640x16xf32, #tpu.memory_space<hbm>> -> memref<640x16xf32, #tpu.memory_space<hbm>>
      %dma_wait3A_123 = arith.constant 0 : i32
      %dma_wait3A_124 = tpu.memref_slice %arg17[%mul3A_112, %dma_wait3A_123] : memref<10240x16xf32, #tpu.memory_space<vmem_shared>> -> memref<640x16xf32, #tpu.memory_space<vmem_shared>>
      tpu.wait_dma2 semaphore(%run_scoped3A : memref<!tpu.dma_semaphore, #tpu.memory_space<semaphore_mem>>) src(%dma_wait3A_124 : memref<640x16xf32, #tpu.memory_space<vmem_shared>>) dst(%dma_wait3A_122 : memref<640x16xf32, #tpu.memory_space<hbm>>)
      tpu.yield
    }) : () -> ()
    return
  }
}

module attributes {stable_mosaic.version = 14 : i64} {
  func.func @_proj_body(%arg0: i32, %arg1: memref<10000x128xf32, #tpu.memory_space<vmem>>, %arg2: memref<128x16xf32, #tpu.memory_space<vmem>>, %arg3: memref<1250x128xf32, #tpu.memory_space<vmem>>) attributes {dimension_semantics = [#tpu.dimension_semantics<arbitrary>], iteration_bounds = array<i64: 1>, scalar_prefetch = 0 : i64, scratch_operands = 0 : i64, tpu.core_type = #tpu.core_type<tc>, window_params = [{pipeline_mode = #tpu.pipeline_mode<synchronous>, transform_indices = @transform_0, window_bounds = array<i64: 10000, 128>}, {pipeline_mode = #tpu.pipeline_mode<synchronous>, transform_indices = @transform_1, window_bounds = array<i64: 128, 16>}, {pipeline_mode = #tpu.pipeline_mode<synchronous>, transform_indices = @transform_2, window_bounds = array<i64: 1250, 128>}]} {
    %get3A = arith.constant 0 : index
    %get3A_0 = arith.constant 0 : index
    %get3A_1 = vector.load %arg2[%get3A, %get3A_0] : memref<128x16xf32, #tpu.memory_space<vmem>>, vector<128x16xf32>
    %get3A_2 = arith.constant 0 : index
    %get3A_3 = arith.constant 0 : index
    %get3A_4 = vector.load %arg1[%get3A_2, %get3A_3] : memref<10000x128xf32, #tpu.memory_space<vmem>>, vector<10000x128xf32>
    %reshape3A = vector.shape_cast %get3A_4 : vector<10000x128xf32> to vector<1250x8x128xf32>
    %slice3A = vector.extract_strided_slice %reshape3A {offsets = [0, 0, 0], sizes = [1250, 1, 128], strides = [1, 1, 1]} : vector<1250x8x128xf32> to vector<1250x1x128xf32>
    %squeeze3A = vector.shape_cast %slice3A : vector<1250x1x128xf32> to vector<1250x128xf32>
    %dot_general3A = arith.constant dense<0.000000e+00> : vector<1250x16xf32>
    %dot_general3A_5 = tpu.matmul %squeeze3A, %get3A_1, %dot_general3A {dimension_numbers = #tpu.dot_dimension_numbers<[1], [0], [0], [1], [0, 0, 1, 1], [], []>, precision = #tpu.contract_precision<fp32>, transpose_lhs_hint = false} : vector<1250x128xf32>, vector<128x16xf32>, vector<1250x16xf32> -> vector<1250x16xf32>
    %slice3A_6 = vector.extract_strided_slice %reshape3A {offsets = [0, 1, 0], sizes = [1250, 1, 128], strides = [1, 1, 1]} : vector<1250x8x128xf32> to vector<1250x1x128xf32>
    %squeeze3A_7 = vector.shape_cast %slice3A_6 : vector<1250x1x128xf32> to vector<1250x128xf32>
    %dot_general3A_8 = arith.constant dense<0.000000e+00> : vector<1250x16xf32>
    %dot_general3A_9 = tpu.matmul %squeeze3A_7, %get3A_1, %dot_general3A_8 {dimension_numbers = #tpu.dot_dimension_numbers<[1], [0], [0], [1], [0, 0, 1, 1], [], []>, precision = #tpu.contract_precision<fp32>, transpose_lhs_hint = false} : vector<1250x128xf32>, vector<128x16xf32>, vector<1250x16xf32> -> vector<1250x16xf32>
    %slice3A_10 = vector.extract_strided_slice %reshape3A {offsets = [0, 2, 0], sizes = [1250, 1, 128], strides = [1, 1, 1]} : vector<1250x8x128xf32> to vector<1250x1x128xf32>
    %squeeze3A_11 = vector.shape_cast %slice3A_10 : vector<1250x1x128xf32> to vector<1250x128xf32>
    %dot_general3A_12 = arith.constant dense<0.000000e+00> : vector<1250x16xf32>
    %dot_general3A_13 = tpu.matmul %squeeze3A_11, %get3A_1, %dot_general3A_12 {dimension_numbers = #tpu.dot_dimension_numbers<[1], [0], [0], [1], [0, 0, 1, 1], [], []>, precision = #tpu.contract_precision<fp32>, transpose_lhs_hint = false} : vector<1250x128xf32>, vector<128x16xf32>, vector<1250x16xf32> -> vector<1250x16xf32>
    %slice3A_14 = vector.extract_strided_slice %reshape3A {offsets = [0, 3, 0], sizes = [1250, 1, 128], strides = [1, 1, 1]} : vector<1250x8x128xf32> to vector<1250x1x128xf32>
    %squeeze3A_15 = vector.shape_cast %slice3A_14 : vector<1250x1x128xf32> to vector<1250x128xf32>
    %dot_general3A_16 = arith.constant dense<0.000000e+00> : vector<1250x16xf32>
    %dot_general3A_17 = tpu.matmul %squeeze3A_15, %get3A_1, %dot_general3A_16 {dimension_numbers = #tpu.dot_dimension_numbers<[1], [0], [0], [1], [0, 0, 1, 1], [], []>, precision = #tpu.contract_precision<fp32>, transpose_lhs_hint = false} : vector<1250x128xf32>, vector<128x16xf32>, vector<1250x16xf32> -> vector<1250x16xf32>
    %slice3A_18 = vector.extract_strided_slice %reshape3A {offsets = [0, 4, 0], sizes = [1250, 1, 128], strides = [1, 1, 1]} : vector<1250x8x128xf32> to vector<1250x1x128xf32>
    %squeeze3A_19 = vector.shape_cast %slice3A_18 : vector<1250x1x128xf32> to vector<1250x128xf32>
    %dot_general3A_20 = arith.constant dense<0.000000e+00> : vector<1250x16xf32>
    %dot_general3A_21 = tpu.matmul %squeeze3A_19, %get3A_1, %dot_general3A_20 {dimension_numbers = #tpu.dot_dimension_numbers<[1], [0], [0], [1], [0, 0, 1, 1], [], []>, precision = #tpu.contract_precision<fp32>, transpose_lhs_hint = false} : vector<1250x128xf32>, vector<128x16xf32>, vector<1250x16xf32> -> vector<1250x16xf32>
    %slice3A_22 = vector.extract_strided_slice %reshape3A {offsets = [0, 5, 0], sizes = [1250, 1, 128], strides = [1, 1, 1]} : vector<1250x8x128xf32> to vector<1250x1x128xf32>
    %squeeze3A_23 = vector.shape_cast %slice3A_22 : vector<1250x1x128xf32> to vector<1250x128xf32>
    %dot_general3A_24 = arith.constant dense<0.000000e+00> : vector<1250x16xf32>
    %dot_general3A_25 = tpu.matmul %squeeze3A_23, %get3A_1, %dot_general3A_24 {dimension_numbers = #tpu.dot_dimension_numbers<[1], [0], [0], [1], [0, 0, 1, 1], [], []>, precision = #tpu.contract_precision<fp32>, transpose_lhs_hint = false} : vector<1250x128xf32>, vector<128x16xf32>, vector<1250x16xf32> -> vector<1250x16xf32>
    %slice3A_26 = vector.extract_strided_slice %reshape3A {offsets = [0, 6, 0], sizes = [1250, 1, 128], strides = [1, 1, 1]} : vector<1250x8x128xf32> to vector<1250x1x128xf32>
    %squeeze3A_27 = vector.shape_cast %slice3A_26 : vector<1250x1x128xf32> to vector<1250x128xf32>
    %dot_general3A_28 = arith.constant dense<0.000000e+00> : vector<1250x16xf32>
    %dot_general3A_29 = tpu.matmul %squeeze3A_27, %get3A_1, %dot_general3A_28 {dimension_numbers = #tpu.dot_dimension_numbers<[1], [0], [0], [1], [0, 0, 1, 1], [], []>, precision = #tpu.contract_precision<fp32>, transpose_lhs_hint = false} : vector<1250x128xf32>, vector<128x16xf32>, vector<1250x16xf32> -> vector<1250x16xf32>
    %slice3A_30 = vector.extract_strided_slice %reshape3A {offsets = [0, 7, 0], sizes = [1250, 1, 128], strides = [1, 1, 1]} : vector<1250x8x128xf32> to vector<1250x1x128xf32>
    %squeeze3A_31 = vector.shape_cast %slice3A_30 : vector<1250x1x128xf32> to vector<1250x128xf32>
    %dot_general3A_32 = arith.constant dense<0.000000e+00> : vector<1250x16xf32>
    %dot_general3A_33 = tpu.matmul %squeeze3A_31, %get3A_1, %dot_general3A_32 {dimension_numbers = #tpu.dot_dimension_numbers<[1], [0], [0], [1], [0, 0, 1, 1], [], []>, precision = #tpu.contract_precision<fp32>, transpose_lhs_hint = false} : vector<1250x128xf32>, vector<128x16xf32>, vector<1250x16xf32> -> vector<1250x16xf32>
    %concatenate3A = tpu.concatenate %dot_general3A_5, %dot_general3A_9, %dot_general3A_13, %dot_general3A_17, %dot_general3A_21, %dot_general3A_25, %dot_general3A_29, %dot_general3A_33 in 1 : vector<1250x16xf32>, vector<1250x16xf32>, vector<1250x16xf32>, vector<1250x16xf32>, vector<1250x16xf32>, vector<1250x16xf32>, vector<1250x16xf32>, vector<1250x16xf32> -> vector<1250x128xf32>
    %swap3A = arith.constant 0 : index
    %swap3A_34 = arith.constant 0 : index
    %swap3A_35 = vector.load %arg3[%swap3A, %swap3A_34] : memref<1250x128xf32, #tpu.memory_space<vmem>>, vector<1250x128xf32>
    tpu.vector_store %arg3[%swap3A, %swap3A_34], %concatenate3A {strides = array<i32>} : memref<1250x128xf32, #tpu.memory_space<vmem>>, vector<1250x128xf32>,
    return
  }
  func.func @transform_0(%arg0: i32) -> (i32, i32) {
    %c0_i32 = arith.constant 0 : i32
    %c0_i32_0 = arith.constant 0 : i32
    %c0_i32_1 = arith.constant 0 : i32
    return %c0_i32, %c0_i32_0 : i32, i32
  }
  func.func @transform_1(%arg0: i32) -> (i32, i32) {
    %c0_i32 = arith.constant 0 : i32
    %c0_i32_0 = arith.constant 0 : i32
    %c0_i32_1 = arith.constant 0 : i32
    return %c0_i32, %c0_i32_0 : i32, i32
  }
  func.func @transform_2(%arg0: i32) -> (i32, i32) {
    %c0_i32 = arith.constant 0 : i32
    %c0_i32_0 = arith.constant 0 : i32
    %c0_i32_1 = arith.constant 0 : i32
    return %c0_i32, %c0_i32_0 : i32, i32
  }
}

module attributes {stable_mosaic.version = 14 : i64} {
  func.func @_mlp1_body(%arg0: i32, %arg1: memref<1250x128xf32, #tpu.memory_space<vmem>>, %arg2: memref<1x1280x128xf32, #tpu.memory_space<vmem>>, %arg3: memref<1x1280x128xf32, #tpu.memory_space<vmem>>, %arg4: memref<1x128xf32, #tpu.memory_space<vmem>>, %arg5: memref<128x128xf32, #tpu.memory_space<vmem>>, %arg6: memref<1x128xf32, #tpu.memory_space<vmem>>, %arg7: memref<1250x128xf32, #tpu.memory_space<vmem>>) attributes {dimension_semantics = [#tpu.dimension_semantics<arbitrary>], iteration_bounds = array<i64: 1>, scalar_prefetch = 0 : i64, scratch_operands = 0 : i64, tpu.core_type = #tpu.core_type<tc>, window_params = [{pipeline_mode = #tpu.pipeline_mode<synchronous>, transform_indices = @transform_0, window_bounds = array<i64: 1250, 128>}, {transform_indices = @transform_1, window_bounds = array<i64: 1, 1280, 128>}, {transform_indices = @transform_2, window_bounds = array<i64: 1, 1280, 128>}, {pipeline_mode = #tpu.pipeline_mode<synchronous>, transform_indices = @transform_3, window_bounds = array<i64: 1, 128>}, {pipeline_mode = #tpu.pipeline_mode<synchronous>, transform_indices = @transform_4, window_bounds = array<i64: 128, 128>}, {pipeline_mode = #tpu.pipeline_mode<synchronous>, transform_indices = @transform_5, window_bounds = array<i64: 1, 128>}, {pipeline_mode = #tpu.pipeline_mode<synchronous>, transform_indices = @transform_6, window_bounds = array<i64: 1250, 128>}]} {
    %get3A = arith.constant 0 : index
    %get3A_0 = arith.constant 0 : index
    %get3A_1 = vector.load %arg1[%get3A, %get3A_0] : memref<1250x128xf32, #tpu.memory_space<vmem>>, vector<1250x128xf32>
    %get3A_2 = arith.constant 0 : index
    %get3A_3 = arith.constant 0 : index
    %get3A_4 = arith.constant 0 : index
    %get3A_5 = vector.load %arg2[%get3A_2, %get3A_3, %get3A_4] : memref<1x1280x128xf32, #tpu.memory_space<vmem>>, vector<1x1250x128xf32>
    %get3A_6 = vector.shape_cast %get3A_5 : vector<1x1250x128xf32> to vector<1250x128xf32>
    %add3A = arith.addf %get3A_1, %get3A_6 : vector<1250x128xf32>
    %get3A_7 = arith.constant 0 : index
    %get3A_8 = arith.constant 0 : index
    %get3A_9 = arith.constant 0 : index
    %get3A_10 = vector.load %arg3[%get3A_7, %get3A_8, %get3A_9] : memref<1x1280x128xf32, #tpu.memory_space<vmem>>, vector<1x1250x128xf32>
    %get3A_11 = vector.shape_cast %get3A_10 : vector<1x1250x128xf32> to vector<1250x128xf32>
    %add3A_12 = arith.addf %add3A, %get3A_11 : vector<1250x128xf32>
    %get3A_13 = arith.constant 0 : index
    %get3A_14 = arith.constant 0 : index
    %get3A_15 = vector.load %arg4[%get3A_13, %get3A_14] : memref<1x128xf32, #tpu.memory_space<vmem>>, vector<1x128xf32>
    %add3A_16 = vector.broadcast %get3A_15 : vector<1x128xf32> to vector<1250x128xf32>
    %add3A_17 = arith.addf %add3A_12, %add3A_16 : vector<1250x128xf32>
    %max3A = arith.constant 0.000000e+00 : f32
    %max3A_18 = vector.broadcast %max3A : f32 to vector<1250x128xf32>
    %max3A_19 = arith.maximumf %add3A_17, %max3A_18 : vector<1250x128xf32>
    %get3A_20 = arith.constant 0 : index
    %get3A_21 = arith.constant 0 : index
    %get3A_22 = vector.load %arg5[%get3A_20, %get3A_21] : memref<128x128xf32, #tpu.memory_space<vmem>>, vector<128x128xf32>
    %dot_general3A = arith.constant dense<0.000000e+00> : vector<1250x128xf32>
    %dot_general3A_23 = tpu.matmul %max3A_19, %get3A_22, %dot_general3A {dimension_numbers = #tpu.dot_dimension_numbers<[1], [0], [0], [1], [0, 0, 1, 1], [], []>, precision = #tpu.contract_precision<fp32>, transpose_lhs_hint = false} : vector<1250x128xf32>, vector<128x128xf32>, vector<1250x128xf32> -> vector<1250x128xf32>
    %get3A_24 = arith.constant 0 : index
    %get3A_25 = arith.constant 0 : index
    %get3A_26 = vector.load %arg6[%get3A_24, %get3A_25] : memref<1x128xf32, #tpu.memory_space<vmem>>, vector<1x128xf32>
    %add3A_27 = vector.broadcast %get3A_26 : vector<1x128xf32> to vector<1250x128xf32>
    %add3A_28 = arith.addf %dot_general3A_23, %add3A_27 : vector<1250x128xf32>
    %max3A_29 = arith.constant 0.000000e+00 : f32
    %max3A_30 = vector.broadcast %max3A_29 : f32 to vector<1250x128xf32>
    %max3A_31 = arith.maximumf %add3A_28, %max3A_30 : vector<1250x128xf32>
    %swap3A = arith.constant 0 : index
    %swap3A_32 = arith.constant 0 : index
    %swap3A_33 = vector.load %arg7[%swap3A, %swap3A_32] : memref<1250x128xf32, #tpu.memory_space<vmem>>, vector<1250x128xf32>
    tpu.vector_store %arg7[%swap3A, %swap3A_32], %max3A_31 {strides = array<i32>} : memref<1250x128xf32, #tpu.memory_space<vmem>>, vector<1250x128xf32>,
    return
  }
  func.func @transform_0(%arg0: i32) -> (i32, i32) {
    %c0_i32 = arith.constant 0 : i32
    %c0_i32_0 = arith.constant 0 : i32
    %c0_i32_1 = arith.constant 0 : i32
    return %c0_i32, %c0_i32_0 : i32, i32
  }
  func.func @transform_1(%arg0: i32) -> (i32, i32, i32) {
    %c0_i32 = arith.constant 0 : i32
    %c0_i32_0 = arith.constant 0 : i32
    %c0_i32_1 = arith.constant 0 : i32
    %c0_i32_2 = arith.constant 0 : i32
    return %c0_i32, %c0_i32_0, %c0_i32_1 : i32, i32, i32
  }
  func.func @transform_2(%arg0: i32) -> (i32, i32, i32) {
    %c1_i32 = arith.constant 1 : i32
    %c0_i32 = arith.constant 0 : i32
    %c0_i32_0 = arith.constant 0 : i32
    %c0_i32_1 = arith.constant 0 : i32
    return %c1_i32, %c0_i32, %c0_i32_0 : i32, i32, i32
  }
  func.func @transform_3(%arg0: i32) -> (i32, i32) {
    %c0_i32 = arith.constant 0 : i32
    %c0_i32_0 = arith.constant 0 : i32
    %c0_i32_1 = arith.constant 0 : i32
    return %c0_i32, %c0_i32_0 : i32, i32
  }
  func.func @transform_4(%arg0: i32) -> (i32, i32) {
    %c0_i32 = arith.constant 0 : i32
    %c0_i32_0 = arith.constant 0 : i32
    %c0_i32_1 = arith.constant 0 : i32
    return %c0_i32, %c0_i32_0 : i32, i32
  }
  func.func @transform_5(%arg0: i32) -> (i32, i32) {
    %c0_i32 = arith.constant 0 : i32
    %c0_i32_0 = arith.constant 0 : i32
    %c0_i32_1 = arith.constant 0 : i32
    return %c0_i32, %c0_i32_0 : i32, i32
  }
  func.func @transform_6(%arg0: i32) -> (i32, i32) {
    %c0_i32 = arith.constant 0 : i32
    %c0_i32_0 = arith.constant 0 : i32
    %c0_i32_1 = arith.constant 0 : i32
    return %c0_i32, %c0_i32_0 : i32, i32
  }
}

module attributes {stable_mosaic.version = 14 : i64} {
  func.func @_mlp2_body(%arg0: i32, %arg1: memref<1250x128xf32, #tpu.memory_space<vmem>>, %arg2: memref<1x1280x128xf32, #tpu.memory_space<vmem>>, %arg3: memref<1x1280x128xf32, #tpu.memory_space<vmem>>, %arg4: memref<8x1250xi32, #tpu.memory_space<vmem>>, %arg5: memref<128x128xf32, #tpu.memory_space<vmem>>, %arg6: memref<1x128xf32, #tpu.memory_space<vmem>>, %arg7: memref<128x128xf32, #tpu.memory_space<vmem>>, %arg8: memref<1x128xf32, #tpu.memory_space<vmem>>, %arg9: memref<16x1xf32, #tpu.memory_space<vmem>>, %arg10: memref<1x1xf32, #tpu.memory_space<vmem>>, %arg11: memref<64x1xf32, #tpu.memory_space<vmem>>) attributes {dimension_semantics = [#tpu.dimension_semantics<arbitrary>], iteration_bounds = array<i64: 1>, scalar_prefetch = 0 : i64, scratch_operands = 0 : i64, tpu.core_type = #tpu.core_type<tc>, window_params = [{pipeline_mode = #tpu.pipeline_mode<synchronous>, transform_indices = @transform_0, window_bounds = array<i64: 1250, 128>}, {transform_indices = @transform_1, window_bounds = array<i64: 1, 1280, 128>}, {transform_indices = @transform_2, window_bounds = array<i64: 1, 1280, 128>}, {pipeline_mode = #tpu.pipeline_mode<synchronous>, transform_indices = @transform_3, window_bounds = array<i64: 8, 1250>}, {pipeline_mode = #tpu.pipeline_mode<synchronous>, transform_indices = @transform_4, window_bounds = array<i64: 128, 128>}, {pipeline_mode = #tpu.pipeline_mode<synchronous>, transform_indices = @transform_5, window_bounds = array<i64: 1, 128>}, {pipeline_mode = #tpu.pipeline_mode<synchronous>, transform_indices = @transform_6, window_bounds = array<i64: 128, 128>}, {pipeline_mode = #tpu.pipeline_mode<synchronous>, transform_indices = @transform_7, window_bounds = array<i64: 1, 128>}, {pipeline_mode = #tpu.pipeline_mode<synchronous>, transform_indices = @transform_8, window_bounds = array<i64: 16, 1>}, {pipeline_mode = #tpu.pipeline_mode<synchronous>, transform_indices = @transform_9, window_bounds = array<i64: 1, 1>}, {pipeline_mode = #tpu.pipeline_mode<synchronous>, transform_indices = @transform_10, window_bounds = array<i64: 64, 1>}]} {
    %get3A = arith.constant 0 : index
    %get3A_0 = arith.constant 0 : index
    %get3A_1 = vector.load %arg1[%get3A, %get3A_0] : memref<1250x128xf32, #tpu.memory_space<vmem>>, vector<1250x128xf32>
    %get3A_2 = arith.constant 0 : index
    %get3A_3 = arith.constant 0 : index
    %get3A_4 = arith.constant 0 : index
    %get3A_5 = vector.load %arg2[%get3A_2, %get3A_3, %get3A_4] : memref<1x1280x128xf32, #tpu.memory_space<vmem>>, vector<1x1250x128xf32>
    %get3A_6 = vector.shape_cast %get3A_5 : vector<1x1250x128xf32> to vector<1250x128xf32>
    %add3A = arith.addf %get3A_1, %get3A_6 : vector<1250x128xf32>
    %get3A_7 = arith.constant 0 : index
    %get3A_8 = arith.constant 0 : index
    %get3A_9 = arith.constant 0 : index
    %get3A_10 = vector.load %arg3[%get3A_7, %get3A_8, %get3A_9] : memref<1x1280x128xf32, #tpu.memory_space<vmem>>, vector<1x1250x128xf32>
    %get3A_11 = vector.shape_cast %get3A_10 : vector<1x1250x128xf32> to vector<1250x128xf32>
    %add3A_12 = arith.addf %add3A, %get3A_11 : vector<1250x128xf32>
    %get3A_13 = arith.constant 0 : index
    %get3A_14 = arith.constant 0 : index
    %get3A_15 = vector.load %arg5[%get3A_13, %get3A_14] : memref<128x128xf32, #tpu.memory_space<vmem>>, vector<128x128xf32>
    %dot_general3A = arith.constant dense<0.000000e+00> : vector<1250x128xf32>
    %dot_general3A_16 = tpu.matmul %add3A_12, %get3A_15, %dot_general3A {dimension_numbers = #tpu.dot_dimension_numbers<[1], [0], [0], [1], [0, 0, 1, 1], [], []>, precision = #tpu.contract_precision<fp32>, transpose_lhs_hint = false} : vector<1250x128xf32>, vector<128x128xf32>, vector<1250x128xf32> -> vector<1250x128xf32>
    %get3A_17 = arith.constant 0 : index
    %get3A_18 = arith.constant 0 : index
    %get3A_19 = vector.load %arg6[%get3A_17, %get3A_18] : memref<1x128xf32, #tpu.memory_space<vmem>>, vector<1x128xf32>
    %add3A_20 = vector.broadcast %get3A_19 : vector<1x128xf32> to vector<1250x128xf32>
    %add3A_21 = arith.addf %dot_general3A_16, %add3A_20 : vector<1250x128xf32>
    %max3A = arith.constant 0.000000e+00 : f32
    %max3A_22 = vector.broadcast %max3A : f32 to vector<1250x128xf32>
    %max3A_23 = arith.maximumf %add3A_21, %max3A_22 : vector<1250x128xf32>
    %get3A_24 = arith.constant 0 : index
    %get3A_25 = arith.constant 0 : index
    %get3A_26 = vector.load %arg7[%get3A_24, %get3A_25] : memref<128x128xf32, #tpu.memory_space<vmem>>, vector<128x128xf32>
    %dot_general3A_27 = arith.constant dense<0.000000e+00> : vector<1250x128xf32>
    %dot_general3A_28 = tpu.matmul %max3A_23, %get3A_26, %dot_general3A_27 {dimension_numbers = #tpu.dot_dimension_numbers<[1], [0], [0], [1], [0, 0, 1, 1], [], []>, precision = #tpu.contract_precision<fp32>, transpose_lhs_hint = false} : vector<1250x128xf32>, vector<128x128xf32>, vector<1250x128xf32> -> vector<1250x128xf32>
    %get3A_29 = arith.constant 0 : index
    %get3A_30 = arith.constant 0 : index
    %get3A_31 = vector.load %arg8[%get3A_29, %get3A_30] : memref<1x128xf32, #tpu.memory_space<vmem>>, vector<1x128xf32>
    %add3A_32 = vector.broadcast %get3A_31 : vector<1x128xf32> to vector<1250x128xf32>
    %add3A_33 = arith.addf %dot_general3A_28, %add3A_32 : vector<1250x128xf32>
    %iota3A = tpu.iota {dimensions = array<i32: 0>} : vector<64x1250xi32>
    %broadcast_in_dim3A = arith.constant 0.000000e+00 : f32
    %broadcast_in_dim3A_34 = vector.broadcast %broadcast_in_dim3A : f32 to vector<64x16xf32>
    %broadcast_in_dim3A_35 = arith.constant 0.000000e+00 : f32
    %broadcast_in_dim3A_36 = vector.broadcast %broadcast_in_dim3A_35 : f32 to vector<64x1xf32>
    %broadcast_in_dim3A_37 = arith.constant 1.000000e+00 : f32
    %broadcast_in_dim3A_38 = vector.broadcast %broadcast_in_dim3A_37 : f32 to vector<1250x1xf32>
    %get3A_39 = arith.constant 0 : index
    %get3A_40 = arith.constant 0 : index
    %get3A_41 = vector.load %arg4[%get3A_39, %get3A_40] : memref<8x1250xi32, #tpu.memory_space<vmem>>, vector<1x1250xi32>
    %eq3A = vector.broadcast %get3A_41 : vector<1x1250xi32> to vector<64x1250xi32>
    %eq3A_42 = arith.cmpi eq, %eq3A, %iota3A : vector<64x1250xi32>
    %convert_element_type3A = arith.extui %eq3A_42 : vector<64x1250xi1> to vector<64x1250xi32>
    %convert_element_type3A_43 = arith.sitofp %convert_element_type3A : vector<64x1250xi32> to vector<64x1250xf32>
    %slice3A = vector.extract_strided_slice %add3A_33 {offsets = [0, 0], sizes = [1250, 16], strides = [1, 1]} : vector<1250x128xf32> to vector<1250x16xf32>
    %dot_general3A_44 = arith.constant dense<0.000000e+00> : vector<64x16xf32>
    %dot_general3A_45 = tpu.matmul %convert_element_type3A_43, %slice3A, %dot_general3A_44 {dimension_numbers = #tpu.dot_dimension_numbers<[1], [0], [0], [1], [0, 0, 1, 1], [], []>, precision = #tpu.contract_precision<fp32>, transpose_lhs_hint = false} : vector<64x1250xf32>, vector<1250x16xf32>, vector<64x16xf32> -> vector<64x16xf32>
    %add3A_46 = arith.addf %broadcast_in_dim3A_34, %dot_general3A_45 : vector<64x16xf32>
    %dot_general3A_47 = arith.constant dense<0.000000e+00> : vector<64x1xf32>
    %dot_general3A_48 = tpu.matmul %convert_element_type3A_43, %broadcast_in_dim3A_38, %dot_general3A_47 {dimension_numbers = #tpu.dot_dimension_numbers<[1], [0], [0], [1], [0, 0, 1, 1], [], []>, precision = #tpu.contract_precision<fp32>, transpose_lhs_hint = false} : vector<64x1250xf32>, vector<1250x1xf32>, vector<64x1xf32> -> vector<64x1xf32>
    %add3A_49 = arith.addf %broadcast_in_dim3A_36, %dot_general3A_48 : vector<64x1xf32>
    %get3A_50 = arith.constant 1 : index
    %get3A_51 = arith.constant 0 : index
    %get3A_52 = vector.load %arg4[%get3A_50, %get3A_51] : memref<8x1250xi32, #tpu.memory_space<vmem>>, vector<1x1250xi32>
    %eq3A_53 = vector.broadcast %get3A_52 : vector<1x1250xi32> to vector<64x1250xi32>
    %eq3A_54 = arith.cmpi eq, %eq3A_53, %iota3A : vector<64x1250xi32>
    %convert_element_type3A_55 = arith.extui %eq3A_54 : vector<64x1250xi1> to vector<64x1250xi32>
    %convert_element_type3A_56 = arith.sitofp %convert_element_type3A_55 : vector<64x1250xi32> to vector<64x1250xf32>
    %slice3A_57 = vector.extract_strided_slice %add3A_33 {offsets = [0, 16], sizes = [1250, 16], strides = [1, 1]} : vector<1250x128xf32> to vector<1250x16xf32>
    %dot_general3A_58 = arith.constant dense<0.000000e+00> : vector<64x16xf32>
    %dot_general3A_59 = tpu.matmul %convert_element_type3A_56, %slice3A_57, %dot_general3A_58 {dimension_numbers = #tpu.dot_dimension_numbers<[1], [0], [0], [1], [0, 0, 1, 1], [], []>, precision = #tpu.contract_precision<fp32>, transpose_lhs_hint = false} : vector<64x1250xf32>, vector<1250x16xf32>, vector<64x16xf32> -> vector<64x16xf32>
    %add3A_60 = arith.addf %add3A_46, %dot_general3A_59 : vector<64x16xf32>
    %dot_general3A_61 = arith.constant dense<0.000000e+00> : vector<64x1xf32>
    %dot_general3A_62 = tpu.matmul %convert_element_type3A_56, %broadcast_in_dim3A_38, %dot_general3A_61 {dimension_numbers = #tpu.dot_dimension_numbers<[1], [0], [0], [1], [0, 0, 1, 1], [], []>, precision = #tpu.contract_precision<fp32>, transpose_lhs_hint = false} : vector<64x1250xf32>, vector<1250x1xf32>, vector<64x1xf32> -> vector<64x1xf32>
    %add3A_63 = arith.addf %add3A_49, %dot_general3A_62 : vector<64x1xf32>
    %get3A_64 = arith.constant 2 : index
    %get3A_65 = arith.constant 0 : index
    %get3A_66 = vector.load %arg4[%get3A_64, %get3A_65] : memref<8x1250xi32, #tpu.memory_space<vmem>>, vector<1x1250xi32>
    %eq3A_67 = vector.broadcast %get3A_66 : vector<1x1250xi32> to vector<64x1250xi32>
    %eq3A_68 = arith.cmpi eq, %eq3A_67, %iota3A : vector<64x1250xi32>
    %convert_element_type3A_69 = arith.extui %eq3A_68 : vector<64x1250xi1> to vector<64x1250xi32>
    %convert_element_type3A_70 = arith.sitofp %convert_element_type3A_69 : vector<64x1250xi32> to vector<64x1250xf32>
    %slice3A_71 = vector.extract_strided_slice %add3A_33 {offsets = [0, 32], sizes = [1250, 16], strides = [1, 1]} : vector<1250x128xf32> to vector<1250x16xf32>
    %dot_general3A_72 = arith.constant dense<0.000000e+00> : vector<64x16xf32>
    %dot_general3A_73 = tpu.matmul %convert_element_type3A_70, %slice3A_71, %dot_general3A_72 {dimension_numbers = #tpu.dot_dimension_numbers<[1], [0], [0], [1], [0, 0, 1, 1], [], []>, precision = #tpu.contract_precision<fp32>, transpose_lhs_hint = false} : vector<64x1250xf32>, vector<1250x16xf32>, vector<64x16xf32> -> vector<64x16xf32>
    %add3A_74 = arith.addf %add3A_60, %dot_general3A_73 : vector<64x16xf32>
    %dot_general3A_75 = arith.constant dense<0.000000e+00> : vector<64x1xf32>
    %dot_general3A_76 = tpu.matmul %convert_element_type3A_70, %broadcast_in_dim3A_38, %dot_general3A_75 {dimension_numbers = #tpu.dot_dimension_numbers<[1], [0], [0], [1], [0, 0, 1, 1], [], []>, precision = #tpu.contract_precision<fp32>, transpose_lhs_hint = false} : vector<64x1250xf32>, vector<1250x1xf32>, vector<64x1xf32> -> vector<64x1xf32>
    %add3A_77 = arith.addf %add3A_63, %dot_general3A_76 : vector<64x1xf32>
    %get3A_78 = arith.constant 3 : index
    %get3A_79 = arith.constant 0 : index
    %get3A_80 = vector.load %arg4[%get3A_78, %get3A_79] : memref<8x1250xi32, #tpu.memory_space<vmem>>, vector<1x1250xi32>
    %eq3A_81 = vector.broadcast %get3A_80 : vector<1x1250xi32> to vector<64x1250xi32>
    %eq3A_82 = arith.cmpi eq, %eq3A_81, %iota3A : vector<64x1250xi32>
    %convert_element_type3A_83 = arith.extui %eq3A_82 : vector<64x1250xi1> to vector<64x1250xi32>
    %convert_element_type3A_84 = arith.sitofp %convert_element_type3A_83 : vector<64x1250xi32> to vector<64x1250xf32>
    %slice3A_85 = vector.extract_strided_slice %add3A_33 {offsets = [0, 48], sizes = [1250, 16], strides = [1, 1]} : vector<1250x128xf32> to vector<1250x16xf32>
    %dot_general3A_86 = arith.constant dense<0.000000e+00> : vector<64x16xf32>
    %dot_general3A_87 = tpu.matmul %convert_element_type3A_84, %slice3A_85, %dot_general3A_86 {dimension_numbers = #tpu.dot_dimension_numbers<[1], [0], [0], [1], [0, 0, 1, 1], [], []>, precision = #tpu.contract_precision<fp32>, transpose_lhs_hint = false} : vector<64x1250xf32>, vector<1250x16xf32>, vector<64x16xf32> -> vector<64x16xf32>
    %add3A_88 = arith.addf %add3A_74, %dot_general3A_87 : vector<64x16xf32>
    %dot_general3A_89 = arith.constant dense<0.000000e+00> : vector<64x1xf32>
    %dot_general3A_90 = tpu.matmul %convert_element_type3A_84, %broadcast_in_dim3A_38, %dot_general3A_89 {dimension_numbers = #tpu.dot_dimension_numbers<[1], [0], [0], [1], [0, 0, 1, 1], [], []>, precision = #tpu.contract_precision<fp32>, transpose_lhs_hint = false} : vector<64x1250xf32>, vector<1250x1xf32>, vector<64x1xf32> -> vector<64x1xf32>
    %add3A_91 = arith.addf %add3A_77, %dot_general3A_90 : vector<64x1xf32>
    %get3A_92 = arith.constant 4 : index
    %get3A_93 = arith.constant 0 : index
    %get3A_94 = vector.load %arg4[%get3A_92, %get3A_93] : memref<8x1250xi32, #tpu.memory_space<vmem>>, vector<1x1250xi32>
    %eq3A_95 = vector.broadcast %get3A_94 : vector<1x1250xi32> to vector<64x1250xi32>
    %eq3A_96 = arith.cmpi eq, %eq3A_95, %iota3A : vector<64x1250xi32>
    %convert_element_type3A_97 = arith.extui %eq3A_96 : vector<64x1250xi1> to vector<64x1250xi32>
    %convert_element_type3A_98 = arith.sitofp %convert_element_type3A_97 : vector<64x1250xi32> to vector<64x1250xf32>
    %slice3A_99 = vector.extract_strided_slice %add3A_33 {offsets = [0, 64], sizes = [1250, 16], strides = [1, 1]} : vector<1250x128xf32> to vector<1250x16xf32>
    %dot_general3A_100 = arith.constant dense<0.000000e+00> : vector<64x16xf32>
    %dot_general3A_101 = tpu.matmul %convert_element_type3A_98, %slice3A_99, %dot_general3A_100 {dimension_numbers = #tpu.dot_dimension_numbers<[1], [0], [0], [1], [0, 0, 1, 1], [], []>, precision = #tpu.contract_precision<fp32>, transpose_lhs_hint = false} : vector<64x1250xf32>, vector<1250x16xf32>, vector<64x16xf32> -> vector<64x16xf32>
    %add3A_102 = arith.addf %add3A_88, %dot_general3A_101 : vector<64x16xf32>
    %dot_general3A_103 = arith.constant dense<0.000000e+00> : vector<64x1xf32>
    %dot_general3A_104 = tpu.matmul %convert_element_type3A_98, %broadcast_in_dim3A_38, %dot_general3A_103 {dimension_numbers = #tpu.dot_dimension_numbers<[1], [0], [0], [1], [0, 0, 1, 1], [], []>, precision = #tpu.contract_precision<fp32>, transpose_lhs_hint = false} : vector<64x1250xf32>, vector<1250x1xf32>, vector<64x1xf32> -> vector<64x1xf32>
    %add3A_105 = arith.addf %add3A_91, %dot_general3A_104 : vector<64x1xf32>
    %get3A_106 = arith.constant 5 : index
    %get3A_107 = arith.constant 0 : index
    %get3A_108 = vector.load %arg4[%get3A_106, %get3A_107] : memref<8x1250xi32, #tpu.memory_space<vmem>>, vector<1x1250xi32>
    %eq3A_109 = vector.broadcast %get3A_108 : vector<1x1250xi32> to vector<64x1250xi32>
    %eq3A_110 = arith.cmpi eq, %eq3A_109, %iota3A : vector<64x1250xi32>
    %convert_element_type3A_111 = arith.extui %eq3A_110 : vector<64x1250xi1> to vector<64x1250xi32>
    %convert_element_type3A_112 = arith.sitofp %convert_element_type3A_111 : vector<64x1250xi32> to vector<64x1250xf32>
    %slice3A_113 = vector.extract_strided_slice %add3A_33 {offsets = [0, 80], sizes = [1250, 16], strides = [1, 1]} : vector<1250x128xf32> to vector<1250x16xf32>
    %dot_general3A_114 = arith.constant dense<0.000000e+00> : vector<64x16xf32>
    %dot_general3A_115 = tpu.matmul %convert_element_type3A_112, %slice3A_113, %dot_general3A_114 {dimension_numbers = #tpu.dot_dimension_numbers<[1], [0], [0], [1], [0, 0, 1, 1], [], []>, precision = #tpu.contract_precision<fp32>, transpose_lhs_hint = false} : vector<64x1250xf32>, vector<1250x16xf32>, vector<64x16xf32> -> vector<64x16xf32>
    %add3A_116 = arith.addf %add3A_102, %dot_general3A_115 : vector<64x16xf32>
    %dot_general3A_117 = arith.constant dense<0.000000e+00> : vector<64x1xf32>
    %dot_general3A_118 = tpu.matmul %convert_element_type3A_112, %broadcast_in_dim3A_38, %dot_general3A_117 {dimension_numbers = #tpu.dot_dimension_numbers<[1], [0], [0], [1], [0, 0, 1, 1], [], []>, precision = #tpu.contract_precision<fp32>, transpose_lhs_hint = false} : vector<64x1250xf32>, vector<1250x1xf32>, vector<64x1xf32> -> vector<64x1xf32>
    %add3A_119 = arith.addf %add3A_105, %dot_general3A_118 : vector<64x1xf32>
    %get3A_120 = arith.constant 6 : index
    %get3A_121 = arith.constant 0 : index
    %get3A_122 = vector.load %arg4[%get3A_120, %get3A_121] : memref<8x1250xi32, #tpu.memory_space<vmem>>, vector<1x1250xi32>
    %eq3A_123 = vector.broadcast %get3A_122 : vector<1x1250xi32> to vector<64x1250xi32>
    %eq3A_124 = arith.cmpi eq, %eq3A_123, %iota3A : vector<64x1250xi32>
    %convert_element_type3A_125 = arith.extui %eq3A_124 : vector<64x1250xi1> to vector<64x1250xi32>
    %convert_element_type3A_126 = arith.sitofp %convert_element_type3A_125 : vector<64x1250xi32> to vector<64x1250xf32>
    %slice3A_127 = vector.extract_strided_slice %add3A_33 {offsets = [0, 96], sizes = [1250, 16], strides = [1, 1]} : vector<1250x128xf32> to vector<1250x16xf32>
    %dot_general3A_128 = arith.constant dense<0.000000e+00> : vector<64x16xf32>
    %dot_general3A_129 = tpu.matmul %convert_element_type3A_126, %slice3A_127, %dot_general3A_128 {dimension_numbers = #tpu.dot_dimension_numbers<[1], [0], [0], [1], [0, 0, 1, 1], [], []>, precision = #tpu.contract_precision<fp32>, transpose_lhs_hint = false} : vector<64x1250xf32>, vector<1250x16xf32>, vector<64x16xf32> -> vector<64x16xf32>
    %add3A_130 = arith.addf %add3A_116, %dot_general3A_129 : vector<64x16xf32>
    %dot_general3A_131 = arith.constant dense<0.000000e+00> : vector<64x1xf32>
    %dot_general3A_132 = tpu.matmul %convert_element_type3A_126, %broadcast_in_dim3A_38, %dot_general3A_131 {dimension_numbers = #tpu.dot_dimension_numbers<[1], [0], [0], [1], [0, 0, 1, 1], [], []>, precision = #tpu.contract_precision<fp32>, transpose_lhs_hint = false} : vector<64x1250xf32>, vector<1250x1xf32>, vector<64x1xf32> -> vector<64x1xf32>
    %add3A_133 = arith.addf %add3A_119, %dot_general3A_132 : vector<64x1xf32>
    %get3A_134 = arith.constant 7 : index
    %get3A_135 = arith.constant 0 : index
    %get3A_136 = vector.load %arg4[%get3A_134, %get3A_135] : memref<8x1250xi32, #tpu.memory_space<vmem>>, vector<1x1250xi32>
    %eq3A_137 = vector.broadcast %get3A_136 : vector<1x1250xi32> to vector<64x1250xi32>
    %eq3A_138 = arith.cmpi eq, %eq3A_137, %iota3A : vector<64x1250xi32>
    %convert_element_type3A_139 = arith.extui %eq3A_138 : vector<64x1250xi1> to vector<64x1250xi32>
    %convert_element_type3A_140 = arith.sitofp %convert_element_type3A_139 : vector<64x1250xi32> to vector<64x1250xf32>
    %slice3A_141 = vector.extract_strided_slice %add3A_33 {offsets = [0, 112], sizes = [1250, 16], strides = [1, 1]} : vector<1250x128xf32> to vector<1250x16xf32>
    %dot_general3A_142 = arith.constant dense<0.000000e+00> : vector<64x16xf32>
    %dot_general3A_143 = tpu.matmul %convert_element_type3A_140, %slice3A_141, %dot_general3A_142 {dimension_numbers = #tpu.dot_dimension_numbers<[1], [0], [0], [1], [0, 0, 1, 1], [], []>, precision = #tpu.contract_precision<fp32>, transpose_lhs_hint = false} : vector<64x1250xf32>, vector<1250x16xf32>, vector<64x16xf32> -> vector<64x16xf32>
    %add3A_144 = arith.addf %add3A_130, %dot_general3A_143 : vector<64x16xf32>
    %dot_general3A_145 = arith.constant dense<0.000000e+00> : vector<64x1xf32>
    %dot_general3A_146 = tpu.matmul %convert_element_type3A_140, %broadcast_in_dim3A_38, %dot_general3A_145 {dimension_numbers = #tpu.dot_dimension_numbers<[1], [0], [0], [1], [0, 0, 1, 1], [], []>, precision = #tpu.contract_precision<fp32>, transpose_lhs_hint = false} : vector<64x1250xf32>, vector<1250x1xf32>, vector<64x1xf32> -> vector<64x1xf32>
    %add3A_147 = arith.addf %add3A_133, %dot_general3A_146 : vector<64x1xf32>
    %get3A_148 = arith.constant 0 : index
    %get3A_149 = arith.constant 0 : index
    %get3A_150 = vector.load %arg9[%get3A_148, %get3A_149] : memref<16x1xf32, #tpu.memory_space<vmem>>, vector<16x1xf32>
    %dot_general3A_151 = arith.constant dense<0.000000e+00> : vector<64x1xf32>
    %dot_general3A_152 = tpu.matmul %add3A_144, %get3A_150, %dot_general3A_151 {dimension_numbers = #tpu.dot_dimension_numbers<[1], [0], [0], [1], [0, 0, 1, 1], [], []>, precision = #tpu.contract_precision<fp32>, transpose_lhs_hint = false} : vector<64x16xf32>, vector<16x1xf32>, vector<64x1xf32> -> vector<64x1xf32>
    %max3A_153 = arith.constant 1.000000e+00 : f32
    %max3A_154 = vector.broadcast %max3A_153 : f32 to vector<64x1xf32>
    %max3A_155 = arith.maximumf %add3A_147, %max3A_154 : vector<64x1xf32>
    %div3A = arith.divf %dot_general3A_152, %max3A_155 : vector<64x1xf32>
    %get3A_156 = arith.constant 0 : index
    %get3A_157 = arith.constant 0 : index
    %get3A_158 = vector.load %arg10[%get3A_156, %get3A_157] : memref<1x1xf32, #tpu.memory_space<vmem>>, vector<1x1xf32>
    %add3A_159 = vector.broadcast %get3A_158 : vector<1x1xf32> to vector<64x1xf32>
    %add3A_160 = arith.addf %div3A, %add3A_159 : vector<64x1xf32>
    %swap3A = arith.constant 0 : index
    %swap3A_161 = arith.constant 0 : index
    %swap3A_162 = vector.load %arg11[%swap3A, %swap3A_161] : memref<64x1xf32, #tpu.memory_space<vmem>>, vector<64x1xf32>
    tpu.vector_store %arg11[%swap3A, %swap3A_161], %add3A_160 {strides = array<i32>} : memref<64x1xf32, #tpu.memory_space<vmem>>, vector<64x1xf32>,
    return
  }
  func.func @transform_0(%arg0: i32) -> (i32, i32) {
    %c0_i32 = arith.constant 0 : i32
    %c0_i32_0 = arith.constant 0 : i32
    %c0_i32_1 = arith.constant 0 : i32
    return %c0_i32, %c0_i32_0 : i32, i32
  }
  func.func @transform_1(%arg0: i32) -> (i32, i32, i32) {
    %c0_i32 = arith.constant 0 : i32
    %c0_i32_0 = arith.constant 0 : i32
    %c0_i32_1 = arith.constant 0 : i32
    %c0_i32_2 = arith.constant 0 : i32
    return %c0_i32, %c0_i32_0, %c0_i32_1 : i32, i32, i32
  }
  func.func @transform_2(%arg0: i32) -> (i32, i32, i32) {
    %c1_i32 = arith.constant 1 : i32
    %c0_i32 = arith.constant 0 : i32
    %c0_i32_0 = arith.constant 0 : i32
    %c0_i32_1 = arith.constant 0 : i32
    return %c1_i32, %c0_i32, %c0_i32_0 : i32, i32, i32
  }
  func.func @transform_3(%arg0: i32) -> (i32, i32) {
    %c0_i32 = arith.constant 0 : i32
    %c0_i32_0 = arith.constant 0 : i32
    %c0_i32_1 = arith.constant 0 : i32
    return %c0_i32, %c0_i32_0 : i32, i32
  }
  func.func @transform_4(%arg0: i32) -> (i32, i32) {
    %c0_i32 = arith.constant 0 : i32
    %c0_i32_0 = arith.constant 0 : i32
    %c0_i32_1 = arith.constant 0 : i32
    return %c0_i32, %c0_i32_0 : i32, i32
  }
  func.func @transform_5(%arg0: i32) -> (i32, i32) {
    %c0_i32 = arith.constant 0 : i32
    %c0_i32_0 = arith.constant 0 : i32
    %c0_i32_1 = arith.constant 0 : i32
    return %c0_i32, %c0_i32_0 : i32, i32
  }
  func.func @transform_6(%arg0: i32) -> (i32, i32) {
    %c0_i32 = arith.constant 0 : i32
    %c0_i32_0 = arith.constant 0 : i32
    %c0_i32_1 = arith.constant 0 : i32
    return %c0_i32, %c0_i32_0 : i32, i32
  }
  func.func @transform_7(%arg0: i32) -> (i32, i32) {
    %c0_i32 = arith.constant 0 : i32
    %c0_i32_0 = arith.constant 0 : i32
    %c0_i32_1 = arith.constant 0 : i32
    return %c0_i32, %c0_i32_0 : i32, i32
  }
  func.func @transform_8(%arg0: i32) -> (i32, i32) {
    %c0_i32 = arith.constant 0 : i32
    %c0_i32_0 = arith.constant 0 : i32
    %c0_i32_1 = arith.constant 0 : i32
    return %c0_i32, %c0_i32_0 : i32, i32
  }
  func.func @transform_9(%arg0: i32) -> (i32, i32) {
    %c0_i32 = arith.constant 0 : i32
    %c0_i32_0 = arith.constant 0 : i32
    %c0_i32_1 = arith.constant 0 : i32
    return %c0_i32, %c0_i32_0 : i32, i32
  }
  func.func @transform_10(%arg0: i32) -> (i32, i32) {
    %c0_i32 = arith.constant 0 : i32
    %c0_i32_0 = arith.constant 0 : i32
    %c0_i32_1 = arith.constant 0 : i32
    return %c0_i32, %c0_i32_0 : i32, i32
  }
}

</mosaic_0001>

<sc_bundles>
// kernel: kernel.10.cloned.1.call-start
scs
__scs_entry_jumppad:
0x0: {  	(pc) =	sbr.rel $0x88, $3  }
0x1: {  	(tag) =	ssettag $0x0;
	lr =	simm.s32 $0x1  }
0x2: {  	[smem:$0x3F94] =	sst lr;
	_ =	strace $0xD0000000  }
0x3: {  	_ = 	snop  }
0x4: {  	_ = 	snop  }
0x5: {  	_ = 	snop  }
0x6: {  	_ = 	snop  }
0x7: {  	_ = 	snop  }
__scs_overlays_trampoline_lowered:
0x8: {  	[smem:$0x3FA3] =	sst s0  }
0x9: {  	[smem:$0x3FA4] =	sst s1  }
0xa: {  	[smem:$0x3FA5] =	sst s2  }
0xb: {  	[smem:$0x3FA6] =	sst s3  }
0xc: {  	[smem:$0x3FA7] =	sst s4  }
0xd: {  	[smem:$0x3FA8] =	sst s5  }
0xe: {  	[smem:$0x3FA9] =	sst s6  }
0xf: {  	[smem:$0x3FAA] =	sst s7  }
0x10: {  	[smem:$0x3FAB] =	sst s8  }
0x11: {  	[smem:$0x3FAC] =	sst s9;
	s0 =	simm.s32 @!p0 $0x0  }
0x12: {  	s1 =	sld [smem:$0x3F92];
	s0 =	simm.s32 @p0 $0x1  }
0x13: {  	[smem:$0x3FAD] =	sst s0;
	s0 =	simm.s32 @!p1 $0x0  }
0x14: {  	s2 =	sld [smem:$0x3F91];
	s0 =	simm.s32 @p1 $0x1  }
0x15: {  	[smem:$0x3FAE] =	sst s0;
	s0 =	simm.s32 @!p2 $0x0  }
0x16: {  	s3 =	sld [smem:$0x3FDB];
	s0 =	simm.s32 @p2 $0x1  }
0x17: {  	s4 =	simm.s32 $0x1BF5;
	[smem:$0x3FB0] =	sst s0  }
0x18: {  	s0 =	sld [smem:$0x3F93];
	_ =	swait.ge [sflag:s4], $0x0  }
0x19: {  	s7 =	sld [smem:$0x3F94]  }
0x1a: {  	s8 =	sadd.s32 $0xFFFFE003, lr  }
0x1b: {  	s9 =	sadd.s32 $0xFFFFFEF7, lr;
	s5 =	simm.s32 $0xFFFFFFFF;
	p2 =	slt.u32 s8, $0xFFFFF086  }
0x1c: {  	p1 =	slt.u32 s9, $0xF7A;
	s5 =	simm.s32 @!p2 $0x0  }
0x1d: {  	s5 =	simm.s32 @p1 $0x1;
	p0 =	seq.s32 s7, s2  }
0x1e: {  	s7 =	smul.u32 @!p0 $0xF7A, s2;
	p2 =	seq.s32 @!p0 s5, $0x0  }
0x1f: {  	s9 =	smul.u32 $0xF7A, s1;
	s8 =	simm.s32 @!p0 $0x1BF5;
	p2 =	por !p2, p0  }
0x20: {  	[sflag:s8] =	ssyncset.s32 @!p0 $0xFFFFF086;
	s6 =	sadd.s32 @!p0 s3, s7;
	s7 =	simm.s32 @!p0 $0x108  }
0x21: {  	s3 =	sadd.s32 s3, s9;
	s6 =	sadd.s32 @!p0 $0x88, s6;
	s7 =	simm.s32 @p2 $0x1082  }
0x22: {  	[simem:s7], [sflag:s8] =	dma.local @!p0 [hbm:s6], $0xF7A  }
0x23: {  	s9 =	sor.u32 $0xD0000000, s2;
	s6 =	simm.s32 $0x108;
	_ =	swait.ge @!p0 [sflag:s8], $0x0  }
0x24: {  	s3 =	sadd.s32 $0x88, s3;
	s6 =	simm.s32 @!p1 $0x1082;
	[sflag:s4] =	ssyncset.s32 $0xFFFFF086  }
0x25: {  	[simem:s6], [sflag:s4] =	dma.local [hbm:s3], $0xF7A  }
0x26: {  	[smem:$0x3F94] =	sst s1;
	(tag) =	ssettag s2;
	_ =	strace s9  }
0x27: {  	s1 =	sld [smem:$0x3FA4]  }
0x28: {  	s2 =	sld [smem:$0x3FA5]  }
0x29: {  	s4 =	sld [smem:$0x3FA7]  }
0x2a: {  	p0 =	seq.s32 s5, $0x0;
	s5 =	sld [smem:$0x3FA8]  }
0x2b: {  	s6 =	sld [smem:$0x3FA9]  }
0x2c: {  	s7 =	sld [smem:$0x3FAA]  }
0x2d: {  	s3 =	simm.s32 $0x108;
	s8 =	sld [smem:$0x3FAB]  }
0x2e: {  	s3 =	simm.s32 @!p0 $0x1082;
	s9 =	sld [smem:$0x3FAC]  }
0x2f: {  	lr =	sadd.s32 s0, s3;
	s0 =	sld [smem:$0x3FA3]  }
0x30: {  	s3 =	sld [smem:$0x3FA6]  }
0x31: {  	[smem:$0x3FAF] =	sst s10  }
0x32: {  	s10 =	sld [smem:$0x3FAD];
	_ =	sdelay $0x3  }
0x33: {  	p0 =	seq.s32 s10, $0x1;
	s10 =	sld [smem:$0x3FAF];
	_ =	sdelay $0x3  }
0x34: {  	[smem:$0x3FAF] =	sst s10  }
0x35: {  	s10 =	sld [smem:$0x3FAE];
	_ =	sdelay $0x3  }
0x36: {  	p1 =	seq.s32 s10, $0x1;
	s10 =	sld [smem:$0x3FAF];
	_ =	sdelay $0x3  }
0x37: {  	[smem:$0x3FAF] =	sst s10  }
0x38: {  	s10 =	sld [smem:$0x3FB0]  }
0x39: {  	_ = 	snop;
	(pc) =	sbr.ind lr, $3  }
0x3a: {  	_ = 	snop  }
0x3b: {  	_ = 	snop  }
0x3c: {  	p2 =	seq.s32 s10, $0x1;
	s10 =	sld [smem:$0x3FAF]  }
0x3d: {  	_ =	shalt  }
0x3e: {  	_ =	shalt  }
0x3f: {  	_ =	shalt  }
0x40: {  	_ =	shalt  }
0x41: {  	_ =	shalt  }
0x42: {  	_ =	shalt  }
0x43: {  	_ =	shalt  }
0x44: {  	_ =	shalt  }
0x45: {  	_ =	shalt  }
0x46: {  	_ =	shalt  }
0x47: {  	_ =	shalt  }
0x48: {  	_ =	shalt  }
0x49: {  	_ =	shalt  }
0x4a: {  	_ =	shalt  }
0x4b: {  	_ =	shalt  }
0x4c: {  	_ =	shalt  }
0x4d: {  	_ =	shalt  }
0x4e: {  	_ =	shalt  }
0x4f: {  	_ =	shalt  }
0x50: {  	_ =	shalt  }
0x51: {  	_ =	shalt  }
0x52: {  	_ =	shalt  }
0x53: {  	_ =	shalt  }
0x54: {  	_ =	shalt  }
0x55: {  	_ =	shalt  }
0x56: {  	_ =	shalt  }
0x57: {  	_ =	shalt  }
0x58: {  	_ =	shalt  }
0x59: {  	_ =	shalt  }
0x5a: {  	_ =	shalt  }
0x5b: {  	_ =	shalt  }
0x5c: {  	_ =	shalt  }
0x5d: {  	_ =	shalt  }
0x5e: {  	_ =	shalt  }
0x5f: {  	_ =	shalt  }
0x60: {  	_ =	shalt  }
0x61: {  	_ =	shalt  }
0x62: {  	_ =	shalt  }
0x63: {  	_ =	shalt  }
0x64: {  	_ =	shalt  }
0x65: {  	_ =	shalt  }
0x66: {  	_ =	shalt  }
0x67: {  	_ =	shalt  }
0x68: {  	_ =	shalt  }
0x69: {  	_ =	shalt  }
0x6a: {  	_ =	shalt  }
0x6b: {  	_ =	shalt  }
0x6c: {  	_ =	shalt  }
0x6d: {  	_ =	shalt  }
0x6e: {  	_ =	shalt  }
0x6f: {  	_ =	shalt  }
0x70: {  	_ =	shalt  }
0x71: {  	_ =	shalt  }
0x72: {  	_ =	shalt  }
0x73: {  	_ =	shalt  }
0x74: {  	_ =	shalt  }
0x75: {  	_ =	shalt  }
0x76: {  	_ =	shalt  }
0x77: {  	_ =	shalt  }
0x78: {  	_ =	shalt  }
0x79: {  	_ =	shalt  }
0x7a: {  	_ =	shalt  }
0x7b: {  	_ =	shalt  }
0x7c: {  	_ =	shalt  }
0x7d: {  	_ =	shalt  }
0x7e: {  	_ =	shalt  }
0x7f: {  	_ =	shalt  }
0x80: {  	_ =	shalt  }
0x81: {  	_ =	shalt  }
0x82: {  	_ =	shalt  }
0x83: {  	_ =	shalt  }
0x84: {  	_ =	shalt  }
0x85: {  	_ =	shalt  }
0x86: {  	_ =	shalt  }
0x87: {  	_ =	shalt  }
.Lfunc_end0:
.L_simem_size_0:
called_computation.1_lowered:
.L_overlay_start_0:
0x88: {  	s2 =	sld [smem:$0x3FD9]  }
0x89: {  	s3 =	sld [smem:$0x3FFE];
	_ =	sdelay $0x1  }
0x8a: {  	s1 =	srdreg.scid  }
0x8b: {  	s0 =	sand.u32 $0x1, s1  }
0x8c: {  	s16 =	sshll.u32 s0, $0xA;
	s2 =	sadd.s32 s3, s2  }
0x8d: {  	s2 =	sadd.s32 s2, s16  }
0x8e: {  	[smem:$0x3FBB] =	sst s2  }
0x8f: {  	_ = 	snop  }
0x90: {  	(tm) =	ssettm $0x1  }
0x91: {  	s17 =	sld [smem:$0x3FFB];
	_ =	sdelay $0x3  }
0x92: {  	_ =	strace s17  }
0x93: {  	s2 =	sld [smem:$0x3FFC];
	_ =	sdelay $0x3  }
0x94: {  	_ =	strace s2  }
0x95: {  	s2 =	sld [smem:$0x3FFD];
	_ =	sdelay $0x3  }
0x96: {  	_ =	strace s2  }
0x97: {  	_ =	strace $0x8FFFFFFF  }
0x98: {  	s18 =	sld [smem:$0x3FDB];
	_ =	sdelay $0x1  }
0x99: {  	s19 =	simm.s32 $_scs_section_size  }
0x9a: {  	s4 =	simm.s32 $_size__tile_overlayer_lowered;
	s5 =	simm.s32 $_tile_overlayer_lowered  }
0x9b: {  	s22 =	simm.s32 $0x1BFF;
	s21 =	sshll.u32 s5, $0x1;
	s2 =	sadd.s32 s19, s18  }
0x9c: {  	s6 =	simm.s32 $0x0;
	s20 =	sshll.u32 s4, $0x1;
	s4 =	sadd.s32 s21, s2  }
0x9d: {  	[timem:s6], [sflag:s22] =	dma.local [hbm:s4], s20  }
0x9e: {  	_ =	swait.ge [sflag:s22], s20  }
0x9f: {  	s3 =	ssub.s32 $0x0, s20;
	[sflag:s22] =	ssyncset.done $0x0  }
0xa0: {  	[sflag:s22] =	ssyncadd.s32 s3;
	_ =	sdelay $0x1  }
0xa1: {  	s23 =	simm.s32 $0x1B8B  }
0xa2: {  	_ =	swait.ge [sflag:s23], $0x1  }
0xa3: {  	[sflag:s23] =	ssyncset.done $0x0  }
0xa4: {  	s25 =	simm.s32 $0x1B8E;
	s24 =	sld [smem:$0x3FFE];
	[sflag:s23] =	ssyncadd.s32 $0xFFFFFFFF  }
0xa5: {  	s26 =	simm.s32 $execute0_lowered;
	[smem:$0x3FD2] =	sst s25  }
0xa6: {  	s4 =	sshll.u32 s26, $0x1;
	_ =	strace $0x80000049;
	[dreg:$0x1] =	wrdreg $0xFFFFFFFF  }
0xa7: {  	s28 =	simm.s32 $_size_execute0_lowered;
	s2 =	sadd.s32 s2, s4;
	[dreg:$0x0] =	wrdreg $0x0  }
0xa8: {  	s4 =	sshll.u32 s28, $0x1;
	[dreg:$0x2] =	wrdreg s2  }
0xa9: {  	[dreg:$0x3] =	wrdreg s4  }
0xaa: {  	[dreg:$0x4] =	wrdreg $0xC0  }
0xab: {  	_ =	task [dreg:s6], $0x5FFFF  }
0xac: {  	[dreg:$0x1] =	wrdreg $0xFFFFFFFF  }
0xad: {  	[dreg:$0x0] =	wrdreg $0x60  }
0xae: {  	[dreg:$0x2] =	wrdreg s24  }
0xaf: {  	[dreg:$0x3] =	wrdreg $0xB8000  }
0xb0: {  	[dreg:$0x4] =	wrdreg $0x90000  }
0xb1: {  	[dreg:$0x5] =	wrdreg $0x9  }
0xb2: {  	_ =	task.clear_ibuf [dreg:s6], $0x6FFFF;
	_ =	strace $0x90000049  }
0xb3: {  	s29 =	simm.s32 $0x9;
	_ =	strace $0x8000004B  }
0xb4: {  	_ =	swait.ge [sflag:s29], $0x1  }
0xb5: {  	[sflag:s29] =	ssyncadd.s32 $0xFFFFFFFF  }
0xb6: {  	_ =	strace $0x9000004B  }
0xb7: {  	_ =	sfence  }
0xb8: {  	s30 =	sld [smem:$0x0];
	_ =	sdelay $0x2  }
0xb9: {  	s31 =	sshll.u32 s1, $0xD;
	s1 =	sshrl.u32 s1, $0x2  }
0xba: {  	s3 =	sand.u32 $0x4000, s31;
	s1 =	sadd.s32 s1, s30  }
0xbb: {  	s0 =	sor.u32 s3, s0;
	s1 =	sshll.u32 s1, $0x11  }
0xbc: {  	s0 =	sor.u32 s1, s0  }
0xbd: {  	s0 =	sadd.s32 $0x8F2B, s0  }
0xbe: {  	[sflag:s0] =	ssyncadd.remote.s32 $0x1  }
0xbf: {  	_ =	sfence.sel $0xFFFF  }
0xc0: {  	[dreg:$0x0] =	wrdreg $0xFFFFFFFF;
	(pc) =	sbr.abs _section_cstart, $3  }
0xc1: {  	[dreg:$0x1] =	wrdreg $0xFFFFFFFF  }
0xc2: {  	_ =	task.clear_ibuf [dreg:s6], $0x2FFFF;
	_ =	strace $0x9FFFFFFF  }
0xc3: {  	(tm) =	ssettm $0x7FFFFFFF  }
tec
execute0_lowered:
.L_overlay_start_1:
0x0: {  	(tag) =	ssettag $0x1  }
0x1: {  	s4 =	rddreg [dreg:$0x0]  }
0x2: {  	s0 =	srdreg.scid;
	s2 =	rddreg [dreg:$0x1]  }
0x3: {  	s9 =	stileid.u32;
	s3 =	rddreg [dreg:$0x2]  }
0x4: {  	s7 =	simm.s32 $0x0;
	s24 =	simm.s32 $0x5000;
	s25 =	simm.s32 $0x5800  }
0x5: {  	s26 =	simm.s32 $0x6000;
	[smem:$0x7FF] =	sst s7;
	s10 =	sadd.s32 $0x1B200, s4  }
0x6: {  	s19 =	sshll.u32 s9, $0x6;
	_ =	strace $0x8000004A;
	[dreg:$0xb] =	wrdreg s10  }
0x7: {  	s28 =	simm.s32 $0x6800;
	s29 =	simm.s32 $0x7000;
	[dreg:$0xf] =	wrdreg s19  }
0x8: {  	s30 =	simm.s32 $0x7800;
	s31 =	simm.s32 $0x8000;
	[dreg:$0x4] =	wrdreg s24  }
0x9: {  	s13 =	simm.s32 $0xF;
	s5 =	smul.u32 $0x2710, s9;
	[dreg:$0x5] =	wrdreg s25  }
0xa: {  	s0 =	sand.u32 $0x1, s0;
	s6 =	smul.u32 $0x2800, s9;
	[dreg:$0x6] =	wrdreg s26  }
0xb: {  	s1 =	sshll.u32 s0, $0x4;
	s14 =	smul.u32 $0x28000, s0;
	[dreg:$0x7] =	wrdreg s28  }
0xc: {  	s0 =	ssub.s32 $0x2, s0;
	s20 =	sor.u32 $0x1C03, s19;
	[dreg:$0x8] =	wrdreg s29  }
0xd: {  	s23 =	sor.u32 $0x1C04, s19;
	s19 =	simm.s32 $0x3;
	[dreg:$0x9] =	wrdreg s30  }
0xe: {  	s24 =	simm.s32 $0x6;
	[dreg:$0xa] =	wrdreg s31;
	s25 =	simm.s32 $0x7  }
0xf: {  	s26 =	simm.s32 $0x8;
	s1 =	sor.u32 s9, s1;
	s8 =	sshrl.u32 s5, $0x3  }
0x10: {  	s15 =	sshrl.u32 s0, $0x1;
	s17 =	sadd.s32 s5, s2;
	[dreg:$0x10] =	wrdreg s20  }
0x11: {  	s21 =	sadd.s32 s6, s3;
	[dreg:$0x14] =	wrdreg s23;
	s20 =	simm.s32 $0x4  }
0x12: {  	s23 =	simm.s32 $0x5;
	s5 =	simm.s32 $0x11;
	s1 =	smul.u32 $0x500, s1  }
0x13: {  	s7 =	sadd.s32 s6, s14;
	s8 =	sadd.s32 s8, s4;
	s0 =	ssub.s32 s0, s15  }
0x14: {  	s22 =	sshrl.u32 s17, $0x3;
	s17 =	simm.s32 $0x1;
	s6 =	simm.s32 $0x0  }
0x15: {  	s7 =	sshrl.u32 s7, $0x3;
	s18 =	sadd.s32 $0x2200, s8;
	[dreg:$0x13] =	wrdreg s22  }
0x16: {  	s0 =	smax.u32 s0, $0x1;
	s1 =	sadd.s32 s1, s4;
	[dreg:$0xe] =	wrdreg s18  }
0x17: {  	s22 =	simm.s32 $0x8800;
	[dreg:$0x12] =	wrdreg s0;
	s16 =	sadd.s32 $0x11200, s1  }
0x18: {  	s4 =	sadd.s32 s7, s4;
	s1 =	sadd.s32 $0x7200, s1;
	[dreg:$0xc] =	wrdreg s16  }
0x19: {  	s18 =	simm.s32 $0x2;
	s4 =	sadd.s32 $0x1B800, s4;
	[dreg:$0xd] =	wrdreg s1  }
0x1a: {  	s0 =	simm.s32 $0xE;
	[dreg:$0x11] =	wrdreg s4;
	s16 =	sshrl.u32 s21, $0x3  }
0x1b: {  	s21 =	simm.s32 $0x80;
	s1 =	simm.s32 $0xD;
	s4 =	simm.s32 $0x10  }
.LBB2_1:
0x1c: {  	s8 =	rddreg [dreg:$0xc]  }
0x1d: {  	s28 =	rddreg [dreg:$0xd]  }
0x1e: {  	s29 =	rddreg [dreg:$0xe]  }
0x1f: {  	s7 =	simm.s32 $0x0;
	s30 =	rddreg [dreg:$0x10]  }
0x20: {  	[tilespmem:s7], [sflag:$0x1] =	stream.linear.gather [hbm4b:s8+s7], $0x2800, $0x38;
	[tilespmem:$0xDF10] =	vst v63  }
0x21: {  	s9 =	simm.s32 $0x2800;
	s31 =	rddreg [dreg:$0x13]  }
0x22: {  	[tilespmem:s9], [sflag:$0x2] =	stream.linear.gather [hbm4b:s28+s7], $0x2800, $0x38;
	[tilespmem:$0xDF10] =	vst v63  }
0x23: {  	[spmem:s31], [sflag:s30] =	dma.local [hbm:s29], $0x4E2  }
0x24: {  	s7 =	rddreg [dreg:$0xb]  }
0x25: {  	s8 =	rddreg [dreg:$0x14]  }
0x26: {  	[spmem:s16], [sflag:s8] =	dma.local [hbm:s7], $0x500  }
0x27: {  	_ =	swait.ge [sflag:s17], $0x2800  }
0x28: {  	[sflag:s17] =	ssyncset.done $0x0  }
0x29: {  	[sflag:s17] =	ssyncadd.s32 $0xFFFFD800  }
0x2a: {  	_ =	swait.ge [sflag:s18], $0x2800  }
0x2b: {  	[sflag:s18] =	ssyncset.done $0x0  }
0x2c: {  	[sflag:s18] =	ssyncadd.s32 $0xFFFFD800  }
0x2d: {  	_ =	swait.ge [sflag:s19], $0x4E2  }
0x2e: {  	[sflag:s19] =	ssyncset.done $0x0  }
0x2f: {  	[sflag:s19] =	ssyncadd.s32 $0xFFFFFB1E  }
0x30: {  	_ =	swait.ge [sflag:s20], $0x500  }
0x31: {  	[sflag:s20] =	ssyncset.done $0x0  }
0x32: {  	p0 =	por $0x0, $0x0;
	[sflag:s20] =	ssyncadd.s32 $0xFFFFFB00  }
0x33: {  	s7 =	simm.s32 @p0 $0x9;
	[bflag:$0x0] =	sbarrier.arrive $0xFFFF  }
0x34: {  	_ =	swait.ge @p0 [sflag:s7], $0x800  }
0x35: {  	s10 =	simm.s32 @p0 $0xA;
	s11 =	simm.s32 @p0 $0x80;
	[sflag:s7] =	ssyncset.done @p0 $0x0  }
0x36: {  	s8 =	simm.s32 @p0 $0x5000;
	[sflag:s7] =	ssyncadd.s32 @p0 $0xFFFFF800;
	s7 =	simm.s32 @p0 $0x0  }
0x37: {  	[tilespmem:s8], [sflag:$0x1] =	stream.indirect.gather @p0 [spmem:s2], $0x10, s7, s11, $0xb8;
	[tilespmem:$0xDF10] =	vst v63  }
0x38: {  	_ =	swait.ge @p0 [sflag:s10], $0x800  }
0x39: {  	s7 =	simm.s32 @p0 $0x80;
	[sflag:s10] =	ssyncset.done @p0 $0x0  }
0x3a: {  	s8 =	simm.s32 @p0 $0x5800;
	[sflag:s10] =	ssyncadd.s32 @p0 $0xFFFFF800;
	s10 =	simm.s32 @p0 $0xB  }
0x3b: {  	[tilespmem:s8], [sflag:$0x2] =	stream.indirect.gather @p0 [spmem:s2], $0x10, s7, s11, $0xb8;
	[tilespmem:$0xDF10] =	vst v63  }
0x3c: {  	_ =	swait.ge @p0 [sflag:s10], $0x800  }
0x3d: {  	s7 =	simm.s32 @p0 $0x100;
	[sflag:s10] =	ssyncset.done @p0 $0x0  }
0x3e: {  	s8 =	simm.s32 @p0 $0x6000;
	[sflag:s10] =	ssyncadd.s32 @p0 $0xFFFFF800;
	s10 =	simm.s32 @p0 $0xC  }
0x3f: {  	[tilespmem:s8], [sflag:$0x3] =	stream.indirect.gather @p0 [spmem:s2], $0x10, s7, s11, $0xb8;
	[tilespmem:$0xDF10] =	vst v63  }
0x40: {  	_ =	swait.ge @p0 [sflag:s10], $0x800  }
0x41: {  	s7 =	simm.s32 @p0 $0x180;
	[sflag:s10] =	ssyncset.done @p0 $0x0  }
0x42: {  	s8 =	simm.s32 @p0 $0x6800;
	[sflag:s10] =	ssyncadd.s32 @p0 $0xFFFFF800;
	s10 =	simm.s32 @p0 $0xD  }
0x43: {  	[tilespmem:s8], [sflag:$0x4] =	stream.indirect.gather @p0 [spmem:s2], $0x10, s7, s11, $0xb8;
	[tilespmem:$0xDF10] =	vst v63  }
0x44: {  	_ =	swait.ge @p0 [sflag:s10], $0x800  }
0x45: {  	s7 =	simm.s32 @p0 $0x200;
	[sflag:s10] =	ssyncset.done @p0 $0x0  }
0x46: {  	s8 =	simm.s32 @p0 $0x7000;
	[sflag:s10] =	ssyncadd.s32 @p0 $0xFFFFF800;
	s10 =	simm.s32 @p0 $0xE  }
0x47: {  	[tilespmem:s8], [sflag:$0x5] =	stream.indirect.gather @p0 [spmem:s2], $0x10, s7, s11, $0xb8;
	[tilespmem:$0xDF10] =	vst v63  }
0x48: {  	_ =	swait.ge @p0 [sflag:s10], $0x800  }
0x49: {  	s7 =	simm.s32 @p0 $0x280;
	[sflag:s10] =	ssyncset.done @p0 $0x0  }
0x4a: {  	s8 =	simm.s32 @p0 $0x7800;
	[sflag:s10] =	ssyncadd.s32 @p0 $0xFFFFF800;
	s10 =	simm.s32 @p0 $0xF  }
0x4b: {  	[tilespmem:s8], [sflag:$0x6] =	stream.indirect.gather @p0 [spmem:s2], $0x10, s7, s11, $0xb8;
	[tilespmem:$0xDF10] =	vst v63  }
0x4c: {  	_ =	swait.ge @p0 [sflag:s10], $0x800  }
0x4d: {  	s7 =	simm.s32 @p0 $0x300;
	[sflag:s10] =	ssyncset.done @p0 $0x0  }
0x4e: {  	s8 =	simm.s32 @p0 $0x8000;
	[sflag:s10] =	ssyncadd.s32 @p0 $0xFFFFF800;
	s10 =	simm.s32 @p0 $0x10  }
0x4f: {  	[tilespmem:s8], [sflag:$0x7] =	stream.indirect.gather @p0 [spmem:s2], $0x10, s7, s11, $0xb8;
	[tilespmem:$0xDF10] =	vst v63  }
0x50: {  	_ =	swait.ge @p0 [sflag:s10], $0x800  }
0x51: {  	s7 =	simm.s32 @!p0 $0x5000;
	[sflag:s10] =	ssyncset.done @p0 $0x0  }
0x52: {  	s8 =	simm.s32 @!p0 $0x0;
	[sflag:s10] =	ssyncadd.s32 @p0 $0xFFFFF800;
	s10 =	simm.s32 @!p0 $0x80  }
0x53: {  	[tilespmem:s7], [sflag:$0x1] =	stream.indirect.gather @!p0 [spmem:s2], $0x10, s8, s10, $0xb8;
	[tilespmem:$0xDF10] =	vst v63  }
0x54: {  	s7 =	simm.s32 @!p0 $0x5800  }
0x55: {  	[tilespmem:s7], [sflag:$0x2] =	stream.indirect.gather @!p0 [spmem:s2], $0x10, s10, s10, $0xb8;
	[tilespmem:$0xDF10] =	vst v63  }
0x56: {  	s8 =	simm.s32 @!p0 $0x6000;
	s7 =	simm.s32 @!p0 $0x100  }
0x57: {  	[tilespmem:s8], [sflag:$0x3] =	stream.indirect.gather @!p0 [spmem:s2], $0x10, s7, s10, $0xb8;
	[tilespmem:$0xDF10] =	vst v63  }
0x58: {  	s7 =	simm.s32 @!p0 $0x180;
	s8 =	simm.s32 @!p0 $0x6800  }
0x59: {  	[tilespmem:s8], [sflag:$0x4] =	stream.indirect.gather @!p0 [spmem:s2], $0x10, s7, s10, $0xb8;
	[tilespmem:$0xDF10] =	vst v63  }
0x5a: {  	s7 =	simm.s32 @!p0 $0x200;
	s8 =	simm.s32 @!p0 $0x7000  }
0x5b: {  	[tilespmem:s8], [sflag:$0x5] =	stream.indirect.gather @!p0 [spmem:s2], $0x10, s7, s10, $0xb8;
	[tilespmem:$0xDF10] =	vst v63  }
0x5c: {  	s7 =	simm.s32 @!p0 $0x280;
	s8 =	simm.s32 @!p0 $0x7800  }
0x5d: {  	[tilespmem:s8], [sflag:$0x6] =	stream.indirect.gather @!p0 [spmem:s2], $0x10, s7, s10, $0xb8;
	[tilespmem:$0xDF10] =	vst v63  }
0x5e: {  	s7 =	simm.s32 @!p0 $0x300;
	s8 =	simm.s32 @!p0 $0x8000  }
0x5f: {  	[tilespmem:s8], [sflag:$0x7] =	stream.indirect.gather @!p0 [spmem:s2], $0x10, s7, s10, $0xb8;
	[tilespmem:$0xDF10] =	vst v63  }
0x60: {  	s10 =	simm.s32 $0x380  }
0x61: {  	[tilespmem:s22], [sflag:$0x8] =	stream.indirect.gather [spmem:s2], $0x10, s10, s21, $0xb8;
	[tilespmem:$0xDF10] =	vst v63  }
0x62: {  	_ =	swait.ge [sflag:s17], $0x800  }
0x63: {  	[sflag:s17] =	ssyncset.done $0x0  }
0x64: {  	s12 =	simm.s32 $0x2800;
	s11 =	rddreg [dreg:$0x4];
	[sflag:s17] =	ssyncadd.s32 $0xFFFFF800  }
0x65: {  	[spmem:s3] =	stream.indirect.scatter.add.f32 [tilespmem:s11], [sflag:$0x9], $0x10, s12, s21, $0xb8;
	[tilespmem:$0xDF10] =	vst v63  }
0x66: {  	s7 =	simm.s32 @p0 $0x80;
	_ =	swait.ge [sflag:s18], $0x800  }
0x67: {  	s7 =	simm.s32 @!p0 $0x80;
	[sflag:s18] =	ssyncset.done $0x0  }
0x68: {  	s7 =	sadd.s32 $0x2800, s7;
	s14 =	rddreg [dreg:$0x5];
	[sflag:s18] =	ssyncadd.s32 $0xFFFFF800  }
0x69: {  	[spmem:s3] =	stream.indirect.scatter.add.f32 [tilespmem:s14], [sflag:$0xA], $0x10, s7, s21, $0xb8;
	[tilespmem:$0xDF10] =	vst v63  }
0x6a: {  	s7 =	simm.s32 @p0 $0x100;
	_ =	swait.ge [sflag:s19], $0x800  }
0x6b: {  	s7 =	simm.s32 @!p0 $0x100;
	[sflag:s19] =	ssyncset.done $0x0  }
0x6c: {  	s15 =	rddreg [dreg:$0x6];
	s7 =	sadd.s32 $0x2800, s7;
	[sflag:s19] =	ssyncadd.s32 $0xFFFFF800  }
0x6d: {  	[spmem:s3] =	stream.indirect.scatter.add.f32 [tilespmem:s15], [sflag:$0xB], $0x10, s7, s21, $0xb8;
	[tilespmem:$0xDF10] =	vst v63  }
0x6e: {  	s7 =	simm.s32 @p0 $0x180;
	_ =	swait.ge [sflag:s20], $0x800  }
0x6f: {  	s7 =	simm.s32 @!p0 $0x180;
	[sflag:s20] =	ssyncset.done $0x0  }
0x70: {  	s28 =	rddreg [dreg:$0x7];
	s7 =	sadd.s32 $0x2800, s7;
	[sflag:s20] =	ssyncadd.s32 $0xFFFFF800  }
0x71: {  	[spmem:s3] =	stream.indirect.scatter.add.f32 [tilespmem:s28], [sflag:$0xC], $0x10, s7, s21, $0xb8;
	[tilespmem:$0xDF10] =	vst v63  }
0x72: {  	s7 =	simm.s32 @p0 $0x200;
	_ =	swait.ge [sflag:s23], $0x800  }
0x73: {  	s7 =	simm.s32 @!p0 $0x200;
	[sflag:s23] =	ssyncset.done $0x0  }
0x74: {  	s29 =	rddreg [dreg:$0x8];
	s7 =	sadd.s32 $0x2800, s7;
	[sflag:s23] =	ssyncadd.s32 $0xFFFFF800  }
0x75: {  	[spmem:s3] =	stream.indirect.scatter.add.f32 [tilespmem:s29], [sflag:$0xD], $0x10, s7, s21, $0xb8;
	[tilespmem:$0xDF10] =	vst v63  }
0x76: {  	s7 =	simm.s32 @p0 $0x280;
	_ =	swait.ge [sflag:s24], $0x800  }
0x77: {  	s7 =	simm.s32 @!p0 $0x280;
	[sflag:s24] =	ssyncset.done $0x0  }
0x78: {  	s30 =	rddreg [dreg:$0x9];
	s7 =	sadd.s32 $0x2800, s7;
	[sflag:s24] =	ssyncadd.s32 $0xFFFFF800  }
0x79: {  	[spmem:s3] =	stream.indirect.scatter.add.f32 [tilespmem:s30], [sflag:$0xE], $0x10, s7, s21, $0xb8;
	[tilespmem:$0xDF10] =	vst v63  }
0x7a: {  	s7 =	simm.s32 $0x300;
	_ =	swait.ge [sflag:s25], $0x800  }
0x7b: {  	s8 =	simm.s32 $0x1000;
	s7 =	simm.s32 @!p0 $0x300;
	[sflag:s25] =	ssyncset.done $0x0  }
0x7c: {  	s31 =	rddreg [dreg:$0xa];
	s7 =	sadd.s32 $0x2800, s7;
	[sflag:s25] =	ssyncadd.s32 $0xFFFFF800  }
0x7d: {  	[spmem:s3] =	stream.indirect.scatter.add.f32 [tilespmem:s31], [sflag:$0xF], $0x10, s7, s21, $0xb8;
	[tilespmem:$0xDF10] =	vst v63  }
0x7e: {  	s10 =	simm.s32 $0x2000;
	s12 =	simm.s32 $0x2B80;
	_ =	swait.ge [sflag:s26], $0x800  }
0x7f: {  	p0 =	por $0x1, $0x1;
	s7 =	simm.s32 $0x700;
	[sflag:s26] =	ssyncset.done $0x0  }
.LBB2_2:
0x80: {  	s14 =	simm.s32 @p0 $0x9;
	[sflag:s26] =	ssyncadd.s32 $0xFFFFF800  }
0x81: {  	[spmem:s3] =	stream.indirect.scatter.add.f32 [tilespmem:s22], [sflag:$0x10], $0x10, s12, s21, $0xb8;
	[tilespmem:$0xDF10] =	vst v63  }
0x82: {  	_ =	swait.ge @p0 [sflag:s14], $0x800  }
0x83: {  	s15 =	simm.s32 @p0 $0x5000;
	s9 =	simm.s32 @p0 $0xA;
	[sflag:s14] =	ssyncset.done @p0 $0x0  }
0x84: {  	s12 =	simm.s32 @p0 $0x80;
	[sflag:s14] =	ssyncadd.s32 @p0 $0xFFFFF800;
	s14 =	sshra.s32 @p0 s8, $0x2  }
0x85: {  	[tilespmem:s15], [sflag:$0x1] =	stream.indirect.gather @p0 [spmem:s2], $0x10, s14, s12, $0xb8;
	[tilespmem:$0xDF10] =	vst v63  }
0x86: {  	_ =	swait.ge @p0 [sflag:s9], $0x800  }
0x87: {  	s31 =	simm.s32 @p0 $0xB;
	[sflag:s9] =	ssyncset.done @p0 $0x0  }
0x88: {  	s15 =	sadd.s32 @p0 $0x80, s14;
	[sflag:s9] =	ssyncadd.s32 @p0 $0xFFFFF800;
	s9 =	simm.s32 @p0 $0x5800  }
0x89: {  	[tilespmem:s9], [sflag:$0x2] =	stream.indirect.gather @p0 [spmem:s2], $0x10, s15, s12, $0xb8;
	[tilespmem:$0xDF10] =	vst v63  }
0x8a: {  	_ =	swait.ge @p0 [sflag:s31], $0x800  }
0x8b: {  	s28 =	sadd.s32 @p0 $0x100, s14;
	[sflag:s31] =	ssyncset.done @p0 $0x0  }
0x8c: {  	s15 =	simm.s32 @p0 $0x6000;
	[sflag:s31] =	ssyncadd.s32 @p0 $0xFFFFF800;
	s31 =	simm.s32 @p0 $0xC  }
0x8d: {  	[tilespmem:s15], [sflag:$0x3] =	stream.indirect.gather @p0 [spmem:s2], $0x10, s28, s12, $0xb8;
	[tilespmem:$0xDF10] =	vst v63  }
0x8e: {  	_ =	swait.ge @p0 [sflag:s31], $0x800  }
0x8f: {  	s29 =	sadd.s32 @p0 $0x180, s14;
	[sflag:s31] =	ssyncset.done @p0 $0x0  }
0x90: {  	s15 =	simm.s32 @p0 $0x6800;
	s28 =	simm.s32 @p0 $0xD;
	[sflag:s31] =	ssyncadd.s32 @p0 $0xFFFFF800  }
0x91: {  	[tilespmem:s15], [sflag:$0x4] =	stream.indirect.gather @p0 [spmem:s2], $0x10, s29, s12, $0xb8;
	[tilespmem:$0xDF10] =	vst v63  }
0x92: {  	_ =	swait.ge @p0 [sflag:s28], $0x800  }
0x93: {  	s30 =	sadd.s32 @p0 $0x200, s14;
	[sflag:s28] =	ssyncset.done @p0 $0x0  }
0x94: {  	s15 =	simm.s32 @p0 $0x7000;
	[sflag:s28] =	ssyncadd.s32 @p0 $0xFFFFF800;
	s28 =	simm.s32 @p0 $0xE  }
0x95: {  	[tilespmem:s15], [sflag:$0x5] =	stream.indirect.gather @p0 [spmem:s2], $0x10, s30, s12, $0xb8;
	[tilespmem:$0xDF10] =	vst v63  }
0x96: {  	_ =	swait.ge @p0 [sflag:s28], $0x800  }
0x97: {  	s9 =	sadd.s32 @p0 $0x280, s14;
	[sflag:s28] =	ssyncset.done @p0 $0x0  }
0x98: {  	s15 =	simm.s32 @p0 $0x7800;
	[sflag:s28] =	ssyncadd.s32 @p0 $0xFFFFF800;
	s28 =	simm.s32 @p0 $0xF  }
0x99: {  	[tilespmem:s15], [sflag:$0x6] =	stream.indirect.gather @p0 [spmem:s2], $0x10, s9, s12, $0xb8;
	[tilespmem:$0xDF10] =	vst v63  }
0x9a: {  	_ =	swait.ge @p0 [sflag:s28], $0x800  }
0x9b: {  	s14 =	sadd.s32 @p0 $0x300, s14;
	[sflag:s28] =	ssyncset.done @p0 $0x0  }
0x9c: {  	s9 =	simm.s32 @p0 $0x8000;
	s15 =	simm.s32 @p0 $0x10;
	[sflag:s28] =	ssyncadd.s32 @p0 $0xFFFFF800  }
0x9d: {  	[tilespmem:s9], [sflag:$0x7] =	stream.indirect.gather @p0 [spmem:s2], $0x10, s14, s12, $0xb8;
	[tilespmem:$0xDF10] =	vst v63  }
0x9e: {  	_ =	swait.ge @p0 [sflag:s15], $0x800  }
0x9f: {  	s9 =	simm.s32 @!p0 $0x5000;
	[sflag:s15] =	ssyncset.done @p0 $0x0  }
0xa0: {  	s12 =	sshra.s32 @!p0 s8, $0x2;
	s14 =	simm.s32 @!p0 $0x80;
	[sflag:s15] =	ssyncadd.s32 @p0 $0xFFFFF800  }
0xa1: {  	[tilespmem:s9], [sflag:$0x1] =	stream.indirect.gather @!p0 [spmem:s2], $0x10, s12, s14, $0xb8;
	[tilespmem:$0xDF10] =	vst v63  }
0xa2: {  	s9 =	simm.s32 @!p0 $0x5800  }
0xa3: {  	[tilespmem:s9], [sflag:$0x2] =	stream.indirect.gather @!p0 [spmem:s2], $0x10, s14, s14, $0xb8;
	[tilespmem:$0xDF10] =	vst v63  }
0xa4: {  	s12 =	simm.s32 @!p0 $0x6000;
	s9 =	simm.s32 @!p0 $0x100  }
0xa5: {  	[tilespmem:s12], [sflag:$0x3] =	stream.indirect.gather @!p0 [spmem:s2], $0x10, s9, s14, $0xb8;
	[tilespmem:$0xDF10] =	vst v63  }
0xa6: {  	s9 =	simm.s32 @!p0 $0x180;
	s12 =	simm.s32 @!p0 $0x6800  }
0xa7: {  	[tilespmem:s12], [sflag:$0x4] =	stream.indirect.gather @!p0 [spmem:s2], $0x10, s9, s14, $0xb8;
	[tilespmem:$0xDF10] =	vst v63  }
0xa8: {  	s9 =	simm.s32 @!p0 $0x200;
	s12 =	simm.s32 @!p0 $0x7000  }
0xa9: {  	[tilespmem:s12], [sflag:$0x5] =	stream.indirect.gather @!p0 [spmem:s2], $0x10, s9, s14, $0xb8;
	[tilespmem:$0xDF10] =	vst v63  }
0xaa: {  	s9 =	simm.s32 @!p0 $0x280;
	s12 =	simm.s32 @!p0 $0x7800  }
0xab: {  	[tilespmem:s12], [sflag:$0x6] =	stream.indirect.gather @!p0 [spmem:s2], $0x10, s9, s14, $0xb8;
	[tilespmem:$0xDF10] =	vst v63  }
0xac: {  	s15 =	simm.s32 @!p0 $0x8000;
	s9 =	simm.s32 @!p0 $0x300;
	s12 =	sshra.s32 s8, $0x2  }
0xad: {  	[tilespmem:s15], [sflag:$0x7] =	stream.indirect.gather @!p0 [spmem:s2], $0x10, s9, s14, $0xb8;
	[tilespmem:$0xDF10] =	vst v63  }
0xae: {  	s29 =	sadd.s32 $0x380, s12  }
0xaf: {  	[tilespmem:s22], [sflag:$0x8] =	stream.indirect.gather [spmem:s2], $0x10, s29, s21, $0xb8;
	[tilespmem:$0xDF10] =	vst v63  }
0xb0: {  	_ =	swait.ge [sflag:s17], $0x800  }
0xb1: {  	[sflag:s17] =	ssyncset.done $0x0  }
0xb2: {  	s31 =	sadd.s32 $0x2800, s12;
	s30 =	rddreg [dreg:$0x4];
	[sflag:s17] =	ssyncadd.s32 $0xFFFFF800  }
0xb3: {  	[spmem:s3] =	stream.indirect.scatter.add.f32 [tilespmem:s30], [sflag:$0x9], $0x10, s31, s21, $0xb8;
	[tilespmem:$0xDF10] =	vst v63  }
0xb4: {  	s9 =	sadd.s32 @p0 $0xFFFFFD80, s7;
	_ =	swait.ge [sflag:s18], $0x800  }
0xb5: {  	s9 =	simm.s32 @!p0 $0x80;
	[sflag:s18] =	ssyncset.done $0x0  }
0xb6: {  	s9 =	sadd.s32 $0x2800, s9;
	s14 =	rddreg [dreg:$0x5];
	[sflag:s18] =	ssyncadd.s32 $0xFFFFF800  }
0xb7: {  	[spmem:s3] =	stream.indirect.scatter.add.f32 [tilespmem:s14], [sflag:$0xA], $0x10, s9, s21, $0xb8;
	[tilespmem:$0xDF10] =	vst v63  }
0xb8: {  	s9 =	sadd.s32 @p0 $0xFFFFFE00, s7;
	_ =	swait.ge [sflag:s19], $0x800  }
0xb9: {  	s9 =	simm.s32 @!p0 $0x100;
	[sflag:s19] =	ssyncset.done $0x0  }
0xba: {  	s15 =	rddreg [dreg:$0x6];
	s9 =	sadd.s32 $0x2800, s9;
	[sflag:s19] =	ssyncadd.s32 $0xFFFFF800  }
0xbb: {  	[spmem:s3] =	stream.indirect.scatter.add.f32 [tilespmem:s15], [sflag:$0xB], $0x10, s9, s21, $0xb8;
	[tilespmem:$0xDF10] =	vst v63  }
0xbc: {  	s9 =	sadd.s32 @p0 $0xFFFFFE80, s7;
	_ =	swait.ge [sflag:s20], $0x800  }
0xbd: {  	s9 =	simm.s32 @!p0 $0x180;
	[sflag:s20] =	ssyncset.done $0x0  }
0xbe: {  	s28 =	rddreg [dreg:$0x7];
	s9 =	sadd.s32 $0x2800, s9;
	[sflag:s20] =	ssyncadd.s32 $0xFFFFF800  }
0xbf: {  	[spmem:s3] =	stream.indirect.scatter.add.f32 [tilespmem:s28], [sflag:$0xC], $0x10, s9, s21, $0xb8;
	[tilespmem:$0xDF10] =	vst v63  }
0xc0: {  	s9 =	sadd.s32 @p0 $0xFFFFFF00, s7;
	_ =	swait.ge [sflag:s23], $0x800  }
0xc1: {  	s11 =	smov.u32 s10;
	s9 =	simm.s32 @!p0 $0x200;
	[sflag:s23] =	ssyncset.done $0x0  }
0xc2: {  	s29 =	rddreg [dreg:$0x8];
	s9 =	sadd.s32 $0x2800, s9;
	[sflag:s23] =	ssyncadd.s32 $0xFFFFF800  }
0xc3: {  	[spmem:s3] =	stream.indirect.scatter.add.f32 [tilespmem:s29], [sflag:$0xD], $0x10, s9, s21, $0xb8;
	[tilespmem:$0xDF10] =	vst v63  }
0xc4: {  	s10 =	sadd.s32 $0x1000, s10;
	s9 =	sadd.s32 @p0 $0xFFFFFF80, s7;
	_ =	swait.ge [sflag:s24], $0x800  }
0xc5: {  	p1 =	sne.s32 s10, $0xA000;
	s9 =	simm.s32 @!p0 $0x280;
	[sflag:s24] =	ssyncset.done $0x0  }
0xc6: {  	s30 =	rddreg [dreg:$0x9];
	s9 =	sadd.s32 $0x2800, s9;
	[sflag:s24] =	ssyncadd.s32 $0xFFFFF800  }
0xc7: {  	[spmem:s3] =	stream.indirect.scatter.add.f32 [tilespmem:s30], [sflag:$0xE], $0x10, s9, s21, $0xb8;
	[tilespmem:$0xDF10] =	vst v63  }
0xc8: {  	s8 =	smov.u32 s11;
	s11 =	smov.u32 s7;
	_ =	swait.ge [sflag:s25], $0x800  }
.Ltmp0:
0xc9: {  	s11 =	simm.s32 @!p0 $0x300;
	[sflag:s25] =	ssyncset.done $0x0;
	(pc) =	sbr.rel @p1 .LBB2_2-.Ltmp0, $4  }
0xca: {  	s11 =	sadd.s32 $0x2800, s11;
	s31 =	rddreg [dreg:$0xa];
	[sflag:s25] =	ssyncadd.s32 $0xFFFFF800  }
0xcb: {  	[spmem:s3] =	stream.indirect.scatter.add.f32 [tilespmem:s31], [sflag:$0xF], $0x10, s11, s21, $0xb8;
	[tilespmem:$0xDF10] =	vst v63  }
0xcc: {  	s12 =	sadd.s32 $0x2B80, s12;
	_ =	swait.ge [sflag:s26], $0x800  }
0xcd: {  	s7 =	sadd.s32 $0x400, s7;
	p0 =	sne.s32 s8, $0x0;
	[sflag:s26] =	ssyncset.done $0x0  }
0xce: {  	s9 =	simm.s32 @p0 $0x9;
	[sflag:s26] =	ssyncadd.s32 $0xFFFFF800  }
0xcf: {  	[spmem:s3] =	stream.indirect.scatter.add.f32 [tilespmem:s22], [sflag:$0x10], $0x10, s12, s21, $0xb8;
	[tilespmem:$0xDF10] =	vst v63  }
0xd0: {  	_ =	swait.ge @p0 [sflag:s9], $0x800  }
0xd1: {  	s10 =	simm.s32 @p0 $0x5000;
	s11 =	simm.s32 @p0 $0xA;
	[sflag:s9] =	ssyncset.done @p0 $0x0  }
0xd2: {  	s12 =	simm.s32 @p0 $0x80;
	[sflag:s9] =	ssyncadd.s32 @p0 $0xFFFFF800;
	s9 =	sshra.s32 @p0 s8, $0x2  }
0xd3: {  	[tilespmem:s10], [sflag:$0x1] =	stream.indirect.gather @p0 [spmem:s2], $0x10, s9, s12, $0xb8;
	[tilespmem:$0xDF10] =	vst v63  }
0xd4: {  	_ =	swait.ge @p0 [sflag:s11], $0x800  }
0xd5: {  	[sflag:s11] =	ssyncset.done @p0 $0x0  }
0xd6: {  	s10 =	sadd.s32 @p0 $0x80, s9;
	[sflag:s11] =	ssyncadd.s32 @p0 $0xFFFFF800;
	s11 =	simm.s32 @p0 $0x5800  }
0xd7: {  	[tilespmem:s11], [sflag:$0x2] =	stream.indirect.gather @p0 [spmem:s2], $0x10, s10, s12, $0xb8;
	[tilespmem:$0xDF10] =	vst v63  }
0xd8: {  	s10 =	simm.s32 @p0 $0xB  }
0xd9: {  	_ =	swait.ge @p0 [sflag:s10], $0x800  }
0xda: {  	[sflag:s10] =	ssyncset.done @p0 $0x0  }
0xdb: {  	s11 =	sadd.s32 @p0 $0x100, s9;
	[sflag:s10] =	ssyncadd.s32 @p0 $0xFFFFF800;
	s10 =	simm.s32 @p0 $0x6000  }
0xdc: {  	[tilespmem:s10], [sflag:$0x3] =	stream.indirect.gather @p0 [spmem:s2], $0x10, s11, s12, $0xb8;
	[tilespmem:$0xDF10] =	vst v63  }
0xdd: {  	s10 =	simm.s32 @p0 $0xC  }
0xde: {  	_ =	swait.ge @p0 [sflag:s10], $0x800  }
0xdf: {  	[sflag:s10] =	ssyncset.done @p0 $0x0  }
0xe0: {  	s11 =	sadd.s32 @p0 $0x180, s9;
	[sflag:s10] =	ssyncadd.s32 @p0 $0xFFFFF800;
	s10 =	simm.s32 @p0 $0x6800  }
0xe1: {  	[tilespmem:s10], [sflag:$0x4] =	stream.indirect.gather @p0 [spmem:s2], $0x10, s11, s12, $0xb8;
	[tilespmem:$0xDF10] =	vst v63  }
0xe2: {  	s10 =	simm.s32 @p0 $0xD  }
0xe3: {  	_ =	swait.ge @p0 [sflag:s10], $0x800  }
0xe4: {  	[sflag:s10] =	ssyncset.done @p0 $0x0  }
0xe5: {  	s11 =	sadd.s32 @p0 $0x200, s9;
	[sflag:s10] =	ssyncadd.s32 @p0 $0xFFFFF800;
	s10 =	simm.s32 @p0 $0x7000  }
0xe6: {  	[tilespmem:s10], [sflag:$0x5] =	stream.indirect.gather @p0 [spmem:s2], $0x10, s11, s12, $0xb8;
	[tilespmem:$0xDF10] =	vst v63  }
0xe7: {  	s10 =	simm.s32 @p0 $0xE  }
0xe8: {  	_ =	swait.ge @p0 [sflag:s10], $0x800  }
0xe9: {  	[sflag:s10] =	ssyncset.done @p0 $0x0  }
0xea: {  	s11 =	sadd.s32 @p0 $0x280, s9;
	[sflag:s10] =	ssyncadd.s32 @p0 $0xFFFFF800;
	s10 =	simm.s32 @p0 $0x7800  }
0xeb: {  	[tilespmem:s10], [sflag:$0x6] =	stream.indirect.gather @p0 [spmem:s2], $0x10, s11, s12, $0xb8;
	[tilespmem:$0xDF10] =	vst v63  }
0xec: {  	s10 =	simm.s32 @p0 $0xF  }
0xed: {  	_ =	swait.ge @p0 [sflag:s10], $0x800  }
0xee: {  	[sflag:s10] =	ssyncset.done @p0 $0x0  }
0xef: {  	s9 =	sadd.s32 @p0 $0x300, s9;
	[sflag:s10] =	ssyncadd.s32 @p0 $0xFFFFF800;
	s10 =	simm.s32 @p0 $0x8000  }
0xf0: {  	[tilespmem:s10], [sflag:$0x7] =	stream.indirect.gather @p0 [spmem:s2], $0x10, s9, s12, $0xb8;
	[tilespmem:$0xDF10] =	vst v63  }
0xf1: {  	s9 =	simm.s32 @p0 $0x10  }
0xf2: {  	_ =	swait.ge @p0 [sflag:s9], $0x800  }
0xf3: {  	s11 =	simm.s32 @!p0 $0x80;
	[sflag:s9] =	ssyncset.done @p0 $0x0  }
0xf4: {  	s10 =	simm.s32 @!p0 $0x5000;
	[sflag:s9] =	ssyncadd.s32 @p0 $0xFFFFF800;
	s9 =	sshra.s32 @!p0 s8, $0x2  }
0xf5: {  	[tilespmem:s10], [sflag:$0x1] =	stream.indirect.gather @!p0 [spmem:s2], $0x10, s9, s11, $0xb8;
	[tilespmem:$0xDF10] =	vst v63  }
0xf6: {  	s9 =	simm.s32 @!p0 $0x5800  }
0xf7: {  	[tilespmem:s9], [sflag:$0x2] =	stream.indirect.gather @!p0 [spmem:s2], $0x10, s11, s11, $0xb8;
	[tilespmem:$0xDF10] =	vst v63  }
0xf8: {  	s10 =	simm.s32 @!p0 $0x6000;
	s9 =	simm.s32 @!p0 $0x100  }
0xf9: {  	[tilespmem:s10], [sflag:$0x3] =	stream.indirect.gather @!p0 [spmem:s2], $0x10, s9, s11, $0xb8;
	[tilespmem:$0xDF10] =	vst v63  }
0xfa: {  	s9 =	simm.s32 @!p0 $0x180;
	s10 =	simm.s32 @!p0 $0x6800  }
0xfb: {  	[tilespmem:s10], [sflag:$0x4] =	stream.indirect.gather @!p0 [spmem:s2], $0x10, s9, s11, $0xb8;
	[tilespmem:$0xDF10] =	vst v63  }
0xfc: {  	s9 =	simm.s32 @!p0 $0x200;
	s10 =	simm.s32 @!p0 $0x7000  }
0xfd: {  	[tilespmem:s10], [sflag:$0x5] =	stream.indirect.gather @!p0 [spmem:s2], $0x10, s9, s11, $0xb8;
	[tilespmem:$0xDF10] =	vst v63  }
0xfe: {  	s9 =	simm.s32 @!p0 $0x280;
	s10 =	simm.s32 @!p0 $0x7800  }
0xff: {  	[tilespmem:s10], [sflag:$0x6] =	stream.indirect.gather @!p0 [spmem:s2], $0x10, s9, s11, $0xb8;
	[tilespmem:$0xDF10] =	vst v63  }
0x100: {  	s8 =	sshra.s32 s8, $0x2;
	s9 =	simm.s32 @!p0 $0x300;
	s10 =	simm.s32 @!p0 $0x8000  }
0x101: {  	[tilespmem:s10], [sflag:$0x7] =	stream.indirect.gather @!p0 [spmem:s2], $0x10, s9, s11, $0xb8;
	[tilespmem:$0xDF10] =	vst v63  }
0x102: {  	s11 =	sadd.s32 $0x380, s8  }
0x103: {  	[tilespmem:s22], [sflag:$0x8] =	stream.indirect.gather [spmem:s2], $0x10, s11, s21, $0xb8;
	[tilespmem:$0xDF10] =	vst v63  }
0x104: {  	_ =	swait.ge [sflag:s17], $0x800  }
0x105: {  	[sflag:s17] =	ssyncset.done $0x0  }
0x106: {  	s14 =	sadd.s32 $0x2800, s8;
	s12 =	rddreg [dreg:$0x4];
	[sflag:s17] =	ssyncadd.s32 $0xFFFFF800  }
0x107: {  	[spmem:s3] =	stream.indirect.scatter.add.f32 [tilespmem:s12], [sflag:$0x9], $0x10, s14, s21, $0xb8;
	[tilespmem:$0xDF10] =	vst v63  }
0x108: {  	s9 =	sadd.s32 @p0 $0xFFFFFD80, s7;
	_ =	swait.ge [sflag:s18], $0x800  }
0x109: {  	s9 =	simm.s32 @!p0 $0x80;
	[sflag:s18] =	ssyncset.done $0x0  }
0x10a: {  	s9 =	sadd.s32 $0x2800, s9;
	s15 =	rddreg [dreg:$0x5];
	[sflag:s18] =	ssyncadd.s32 $0xFFFFF800  }
0x10b: {  	[spmem:s3] =	stream.indirect.scatter.add.f32 [tilespmem:s15], [sflag:$0xA], $0x10, s9, s21, $0xb8;
	[tilespmem:$0xDF10] =	vst v63  }
0x10c: {  	s9 =	sadd.s32 @p0 $0xFFFFFE00, s7;
	_ =	swait.ge [sflag:s19], $0x800  }
0x10d: {  	s9 =	simm.s32 @!p0 $0x100;
	[sflag:s19] =	ssyncset.done $0x0  }
0x10e: {  	s28 =	rddreg [dreg:$0x6];
	s9 =	sadd.s32 $0x2800, s9;
	[sflag:s19] =	ssyncadd.s32 $0xFFFFF800  }
0x10f: {  	[spmem:s3] =	stream.indirect.scatter.add.f32 [tilespmem:s28], [sflag:$0xB], $0x10, s9, s21, $0xb8;
	[tilespmem:$0xDF10] =	vst v63  }
0x110: {  	s9 =	sadd.s32 @p0 $0xFFFFFE80, s7;
	_ =	swait.ge [sflag:s20], $0x800  }
0x111: {  	s9 =	simm.s32 @!p0 $0x180;
	[sflag:s20] =	ssyncset.done $0x0  }
0x112: {  	s29 =	rddreg [dreg:$0x7];
	s9 =	sadd.s32 $0x2800, s9;
	[sflag:s20] =	ssyncadd.s32 $0xFFFFF800  }
0x113: {  	[spmem:s3] =	stream.indirect.scatter.add.f32 [tilespmem:s29], [sflag:$0xC], $0x10, s9, s21, $0xb8;
	[tilespmem:$0xDF10] =	vst v63  }
0x114: {  	s9 =	sadd.s32 @p0 $0xFFFFFF00, s7;
	_ =	swait.ge [sflag:s23], $0x800  }
0x115: {  	s9 =	simm.s32 @!p0 $0x200;
	[sflag:s23] =	ssyncset.done $0x0  }
0x116: {  	s30 =	rddreg [dreg:$0x8];
	s9 =	sadd.s32 $0x2800, s9;
	[sflag:s23] =	ssyncadd.s32 $0xFFFFF800  }
0x117: {  	[spmem:s3] =	stream.indirect.scatter.add.f32 [tilespmem:s30], [sflag:$0xD], $0x10, s9, s21, $0xb8;
	[tilespmem:$0xDF10] =	vst v63  }
0x118: {  	s9 =	sadd.s32 @p0 $0xFFFFFF80, s7;
	_ =	swait.ge [sflag:s24], $0x800  }
0x119: {  	s9 =	simm.s32 @!p0 $0x280;
	[sflag:s24] =	ssyncset.done $0x0  }
0x11a: {  	s31 =	rddreg [dreg:$0x9];
	s9 =	sadd.s32 $0x2800, s9;
	[sflag:s24] =	ssyncadd.s32 $0xFFFFF800  }
0x11b: {  	[spmem:s3] =	stream.indirect.scatter.add.f32 [tilespmem:s31], [sflag:$0xE], $0x10, s9, s21, $0xb8;
	[tilespmem:$0xDF10] =	vst v63  }
0x11c: {  	_ =	swait.ge [sflag:s25], $0x800  }
0x11d: {  	s7 =	simm.s32 @!p0 $0x300;
	[sflag:s25] =	ssyncset.done $0x0  }
0x11e: {  	s7 =	sadd.s32 $0x2800, s7;
	s10 =	rddreg [dreg:$0xa];
	[sflag:s25] =	ssyncadd.s32 $0xFFFFF800  }
0x11f: {  	[spmem:s3] =	stream.indirect.scatter.add.f32 [tilespmem:s10], [sflag:$0xF], $0x10, s7, s21, $0xb8;
	[tilespmem:$0xDF10] =	vst v63  }
0x120: {  	_ =	swait.ge [sflag:s26], $0x800  }
0x121: {  	[sflag:s26] =	ssyncset.done $0x0  }
0x122: {  	s11 =	sadd.s32 $0x2B80, s8;
	s12 =	simm.s32 $0x9;
	[sflag:s26] =	ssyncadd.s32 $0xFFFFF800  }
0x123: {  	[spmem:s3] =	stream.indirect.scatter.add.f32 [tilespmem:s22], [sflag:$0x10], $0x10, s11, s21, $0xb8;
	[tilespmem:$0xDF10] =	vst v63  }
0x124: {  	_ =	swait.ge [sflag:s12], $0x800  }
0x125: {  	[sflag:s12] =	ssyncset.done $0x0  }
0x126: {  	s14 =	simm.s32 $0xA;
	[sflag:s12] =	ssyncadd.s32 $0xFFFFF800  }
0x127: {  	_ =	swait.ge [sflag:s14], $0x800  }
0x128: {  	[sflag:s14] =	ssyncset.done $0x0  }
0x129: {  	s15 =	simm.s32 $0xB;
	[sflag:s14] =	ssyncadd.s32 $0xFFFFF800  }
0x12a: {  	_ =	swait.ge [sflag:s15], $0x800  }
0x12b: {  	[sflag:s15] =	ssyncset.done $0x0  }
0x12c: {  	s28 =	simm.s32 $0xC;
	[sflag:s15] =	ssyncadd.s32 $0xFFFFF800  }
0x12d: {  	_ =	swait.ge [sflag:s28], $0x800  }
0x12e: {  	[sflag:s28] =	ssyncset.done $0x0  }
0x12f: {  	[sflag:s28] =	ssyncadd.s32 $0xFFFFF800  }
0x130: {  	_ =	swait.ge [sflag:s1], $0x800  }
0x131: {  	[sflag:s1] =	ssyncset.done $0x0  }
0x132: {  	[sflag:s1] =	ssyncadd.s32 $0xFFFFF800  }
0x133: {  	_ =	swait.ge [sflag:s0], $0x800  }
0x134: {  	[sflag:s0] =	ssyncset.done $0x0  }
0x135: {  	[sflag:s0] =	ssyncadd.s32 $0xFFFFF800  }
0x136: {  	_ =	swait.ge [sflag:s13], $0x800  }
0x137: {  	[sflag:s13] =	ssyncset.done $0x0  }
0x138: {  	[sflag:s13] =	ssyncadd.s32 $0xFFFFF800  }
0x139: {  	_ =	swait.ge [sflag:s4], $0x800  }
0x13a: {  	[sflag:s4] =	ssyncset.done $0x0  }
0x13b: {  	[sflag:s4] =	ssyncadd.s32 $0xFFFFF800  }
0x13c: {  	[bflag:$0x0] =	sbarrier.arrive $0xFFFF  }
0x13d: {  	s29 =	rddreg [dreg:$0xf]  }
0x13e: {  	s30 =	rddreg [dreg:$0x11];
	s7 =	sor.u32 $0x1C11, s29  }
0x13f: {  	[hbm:s30], [sflag:s7] =	dma.local [spmem:s16], $0x500  }
0x140: {  	_ =	swait.ge [sflag:s5], $0x500  }
0x141: {  	s6 =	sadd.s32 $0x1, s6;
	s31 =	rddreg [dreg:$0x12]  }
0x142: {  	p0 =	sne.s32 s6, s31  }
.Ltmp1:
0x143: {  	_ = 	snop;
	(pc) =	sbr.rel @p0 .LBB2_1-.Ltmp1, $3  }
0x144: {  	_ =	sdelay $0x1  }
0x145: {  	[sflag:s5] =	ssyncset.done $0x0  }
0x146: {  	[sflag:s5] =	ssyncadd.s32 $0xFFFFFB00  }
0x147: {  	_ =	sfence.sel $0x180000  }
0x148: {  	[bflag:$0x0] =	sbarrier.arrive $0xFFFF  }
0x149: {  	_ =	strace $0x9000004A  }
0x14a: {  	s0 =	stileid.u32;
	[bflag:$0x2] =	sbarrier.arrive $0xFFFF  }
0x14b: {  	p0 =	sne.s32 s0, $0x0;
	s0 =	rddreg [dreg:$0x3]  }
0x14c: {  	s0 =	sadd.s32 @!p0 $0x100000, s0  }
0x14d: {  	[sflag:s0] =	ssyncadd.tile.s32 @!p0 $0x1;
	_ =	shalt  }
.Lfunc_end2:
_tile_overlayer_lowered:
.L_overlay_start_2:
0x14e: {  	(tag) =	ssettag $0x2  }
0x14f: {  	s0 =	rddreg [dreg:$0x0];
	s2 =	stileid.u32  }
0x150: {  	s1 =	rddreg [dreg:$0x1];
	p0 =	sne.s32 s2, $0x0  }
0x151: {  	s3 =	rddreg [dreg:$0x2];
	[bflag:$0x3] =	sbarrier.arrive $0xFFFF;
	s2 =	simm.s32 @!p0 $0x1C11  }
0x152: {  	[timem:s3], [sflag:s2] =	dma.local @!p0 [hbm:s0], s1  }
0x153: {  	s0 =	simm.s32 @!p0 $0x11  }
0x154: {  	_ =	swait.ge @!p0 [sflag:s0], s1  }
0x155: {  	s1 =	ssub.s32 @!p0 $0x0, s1;
	[sflag:s0] =	ssyncset.done @!p0 $0x0  }
0x156: {  	[sflag:s0] =	ssyncadd.s32 @!p0 s1  }
0x157: {  	[bflag:$0x3] =	sbarrier.arrive $0xFFFF  }
0x158: {  	_ =	shalt  }

// kernel: kernel.7.cloned.1.call-start
scs
__scs_entry_jumppad:
0x0: {  	(pc) =	sbr.rel $0x88, $3  }
0x1: {  	(tag) =	ssettag $0x0;
	lr =	simm.s32 $0x1  }
0x2: {  	[smem:$0x3F94] =	sst lr;
	_ =	strace $0xD0000000  }
0x3: {  	_ = 	snop  }
0x4: {  	_ = 	snop  }
0x5: {  	_ = 	snop  }
0x6: {  	_ = 	snop  }
0x7: {  	_ = 	snop  }
__scs_overlays_trampoline_lowered:
0x8: {  	[smem:$0x3FA3] =	sst s0  }
0x9: {  	[smem:$0x3FA4] =	sst s1  }
0xa: {  	[smem:$0x3FA5] =	sst s2  }
0xb: {  	[smem:$0x3FA6] =	sst s3  }
0xc: {  	[smem:$0x3FA7] =	sst s4  }
0xd: {  	[smem:$0x3FA8] =	sst s5  }
0xe: {  	[smem:$0x3FA9] =	sst s6  }
0xf: {  	[smem:$0x3FAA] =	sst s7  }
0x10: {  	[smem:$0x3FAB] =	sst s8  }
0x11: {  	[smem:$0x3FAC] =	sst s9;
	s0 =	simm.s32 @!p0 $0x0  }
0x12: {  	s1 =	sld [smem:$0x3F92];
	s0 =	simm.s32 @p0 $0x1  }
0x13: {  	[smem:$0x3FAD] =	sst s0;
	s0 =	simm.s32 @!p1 $0x0  }
0x14: {  	s2 =	sld [smem:$0x3F91];
	s0 =	simm.s32 @p1 $0x1  }
0x15: {  	[smem:$0x3FAE] =	sst s0;
	s0 =	simm.s32 @!p2 $0x0  }
0x16: {  	s3 =	sld [smem:$0x3FDB];
	s0 =	simm.s32 @p2 $0x1  }
0x17: {  	s4 =	simm.s32 $0x1BF5;
	[smem:$0x3FB0] =	sst s0  }
0x18: {  	s0 =	sld [smem:$0x3F93];
	_ =	swait.ge [sflag:s4], $0x0  }
0x19: {  	s7 =	sld [smem:$0x3F94]  }
0x1a: {  	s8 =	sadd.s32 $0xFFFFE003, lr  }
0x1b: {  	s9 =	sadd.s32 $0xFFFFFEF7, lr;
	s5 =	simm.s32 $0xFFFFFFFF;
	p2 =	slt.u32 s8, $0xFFFFF086  }
0x1c: {  	p1 =	slt.u32 s9, $0xF7A;
	s5 =	simm.s32 @!p2 $0x0  }
0x1d: {  	s5 =	simm.s32 @p1 $0x1;
	p0 =	seq.s32 s7, s2  }
0x1e: {  	s7 =	smul.u32 @!p0 $0xF7A, s2;
	p2 =	seq.s32 @!p0 s5, $0x0  }
0x1f: {  	s9 =	smul.u32 $0xF7A, s1;
	s8 =	simm.s32 @!p0 $0x1BF5;
	p2 =	por !p2, p0  }
0x20: {  	[sflag:s8] =	ssyncset.s32 @!p0 $0xFFFFF086;
	s6 =	sadd.s32 @!p0 s3, s7;
	s7 =	simm.s32 @!p0 $0x108  }
0x21: {  	s3 =	sadd.s32 s3, s9;
	s6 =	sadd.s32 @!p0 $0x88, s6;
	s7 =	simm.s32 @p2 $0x1082  }
0x22: {  	[simem:s7], [sflag:s8] =	dma.local @!p0 [hbm:s6], $0xF7A  }
0x23: {  	s9 =	sor.u32 $0xD0000000, s2;
	s6 =	simm.s32 $0x108;
	_ =	swait.ge @!p0 [sflag:s8], $0x0  }
0x24: {  	s3 =	sadd.s32 $0x88, s3;
	s6 =	simm.s32 @!p1 $0x1082;
	[sflag:s4] =	ssyncset.s32 $0xFFFFF086  }
0x25: {  	[simem:s6], [sflag:s4] =	dma.local [hbm:s3], $0xF7A  }
0x26: {  	[smem:$0x3F94] =	sst s1;
	(tag) =	ssettag s2;
	_ =	strace s9  }
0x27: {  	s1 =	sld [smem:$0x3FA4]  }
0x28: {  	s2 =	sld [smem:$0x3FA5]  }
0x29: {  	s4 =	sld [smem:$0x3FA7]  }
0x2a: {  	p0 =	seq.s32 s5, $0x0;
	s5 =	sld [smem:$0x3FA8]  }
0x2b: {  	s6 =	sld [smem:$0x3FA9]  }
0x2c: {  	s7 =	sld [smem:$0x3FAA]  }
0x2d: {  	s3 =	simm.s32 $0x108;
	s8 =	sld [smem:$0x3FAB]  }
0x2e: {  	s3 =	simm.s32 @!p0 $0x1082;
	s9 =	sld [smem:$0x3FAC]  }
0x2f: {  	lr =	sadd.s32 s0, s3;
	s0 =	sld [smem:$0x3FA3]  }
0x30: {  	s3 =	sld [smem:$0x3FA6]  }
0x31: {  	[smem:$0x3FAF] =	sst s10  }
0x32: {  	s10 =	sld [smem:$0x3FAD];
	_ =	sdelay $0x3  }
0x33: {  	p0 =	seq.s32 s10, $0x1;
	s10 =	sld [smem:$0x3FAF];
	_ =	sdelay $0x3  }
0x34: {  	[smem:$0x3FAF] =	sst s10  }
0x35: {  	s10 =	sld [smem:$0x3FAE];
	_ =	sdelay $0x3  }
0x36: {  	p1 =	seq.s32 s10, $0x1;
	s10 =	sld [smem:$0x3FAF];
	_ =	sdelay $0x3  }
0x37: {  	[smem:$0x3FAF] =	sst s10  }
0x38: {  	s10 =	sld [smem:$0x3FB0]  }
0x39: {  	_ = 	snop;
	(pc) =	sbr.ind lr, $3  }
0x3a: {  	_ = 	snop  }
0x3b: {  	_ = 	snop  }
0x3c: {  	p2 =	seq.s32 s10, $0x1;
	s10 =	sld [smem:$0x3FAF]  }
0x3d: {  	_ =	shalt  }
0x3e: {  	_ =	shalt  }
0x3f: {  	_ =	shalt  }
0x40: {  	_ =	shalt  }
0x41: {  	_ =	shalt  }
0x42: {  	_ =	shalt  }
0x43: {  	_ =	shalt  }
0x44: {  	_ =	shalt  }
0x45: {  	_ =	shalt  }
0x46: {  	_ =	shalt  }
0x47: {  	_ =	shalt  }
0x48: {  	_ =	shalt  }
0x49: {  	_ =	shalt  }
0x4a: {  	_ =	shalt  }
0x4b: {  	_ =	shalt  }
0x4c: {  	_ =	shalt  }
0x4d: {  	_ =	shalt  }
0x4e: {  	_ =	shalt  }
0x4f: {  	_ =	shalt  }
0x50: {  	_ =	shalt  }
0x51: {  	_ =	shalt  }
0x52: {  	_ =	shalt  }
0x53: {  	_ =	shalt  }
0x54: {  	_ =	shalt  }
0x55: {  	_ =	shalt  }
0x56: {  	_ =	shalt  }
0x57: {  	_ =	shalt  }
0x58: {  	_ =	shalt  }
0x59: {  	_ =	shalt  }
0x5a: {  	_ =	shalt  }
0x5b: {  	_ =	shalt  }
0x5c: {  	_ =	shalt  }
0x5d: {  	_ =	shalt  }
0x5e: {  	_ =	shalt  }
0x5f: {  	_ =	shalt  }
0x60: {  	_ =	shalt  }
0x61: {  	_ =	shalt  }
0x62: {  	_ =	shalt  }
0x63: {  	_ =	shalt  }
0x64: {  	_ =	shalt  }
0x65: {  	_ =	shalt  }
0x66: {  	_ =	shalt  }
0x67: {  	_ =	shalt  }
0x68: {  	_ =	shalt  }
0x69: {  	_ =	shalt  }
0x6a: {  	_ =	shalt  }
0x6b: {  	_ =	shalt  }
0x6c: {  	_ =	shalt  }
0x6d: {  	_ =	shalt  }
0x6e: {  	_ =	shalt  }
0x6f: {  	_ =	shalt  }
0x70: {  	_ =	shalt  }
0x71: {  	_ =	shalt  }
0x72: {  	_ =	shalt  }
0x73: {  	_ =	shalt  }
0x74: {  	_ =	shalt  }
0x75: {  	_ =	shalt  }
0x76: {  	_ =	shalt  }
0x77: {  	_ =	shalt  }
0x78: {  	_ =	shalt  }
0x79: {  	_ =	shalt  }
0x7a: {  	_ =	shalt  }
0x7b: {  	_ =	shalt  }
0x7c: {  	_ =	shalt  }
0x7d: {  	_ =	shalt  }
0x7e: {  	_ =	shalt  }
0x7f: {  	_ =	shalt  }
0x80: {  	_ =	shalt  }
0x81: {  	_ =	shalt  }
0x82: {  	_ =	shalt  }
0x83: {  	_ =	shalt  }
0x84: {  	_ =	shalt  }
0x85: {  	_ =	shalt  }
0x86: {  	_ =	shalt  }
0x87: {  	_ =	shalt  }
.Lfunc_end0:
.L_simem_size_0:
called_computation_lowered:
.L_overlay_start_0:
0x88: {  	s2 =	sld [smem:$0x3FD9]  }
0x89: {  	s3 =	sld [smem:$0x3FFE];
	_ =	sdelay $0x1  }
0x8a: {  	s1 =	srdreg.scid  }
0x8b: {  	s0 =	sand.u32 $0x1, s1  }
0x8c: {  	s16 =	sshll.u32 s0, $0xA;
	s2 =	sadd.s32 s3, s2  }
0x8d: {  	s2 =	sadd.s32 s2, s16  }
0x8e: {  	[smem:$0x3FBB] =	sst s2  }
0x8f: {  	_ = 	snop  }
0x90: {  	(tm) =	ssettm $0x1  }
0x91: {  	s17 =	sld [smem:$0x3FFB];
	_ =	sdelay $0x3  }
0x92: {  	_ =	strace s17  }
0x93: {  	s2 =	sld [smem:$0x3FFC];
	_ =	sdelay $0x3  }
0x94: {  	_ =	strace s2  }
0x95: {  	s2 =	sld [smem:$0x3FFD];
	_ =	sdelay $0x3  }
0x96: {  	_ =	strace s2  }
0x97: {  	_ =	strace $0x8FFFFFFF  }
0x98: {  	s18 =	sld [smem:$0x3FDB];
	_ =	sdelay $0x1  }
0x99: {  	s19 =	simm.s32 $_scs_section_size  }
0x9a: {  	s4 =	simm.s32 $_size__tile_overlayer_lowered;
	s5 =	simm.s32 $_tile_overlayer_lowered  }
0x9b: {  	s22 =	simm.s32 $0x1BFF;
	s21 =	sshll.u32 s5, $0x1;
	s2 =	sadd.s32 s19, s18  }
0x9c: {  	s6 =	simm.s32 $0x0;
	s20 =	sshll.u32 s4, $0x1;
	s4 =	sadd.s32 s21, s2  }
0x9d: {  	[timem:s6], [sflag:s22] =	dma.local [hbm:s4], s20  }
0x9e: {  	_ =	swait.ge [sflag:s22], s20  }
0x9f: {  	s3 =	ssub.s32 $0x0, s20;
	[sflag:s22] =	ssyncset.done $0x0  }
0xa0: {  	[sflag:s22] =	ssyncadd.s32 s3;
	_ =	sdelay $0x1  }
0xa1: {  	s23 =	simm.s32 $0x1B8B  }
0xa2: {  	_ =	swait.ge [sflag:s23], $0x1  }
0xa3: {  	[sflag:s23] =	ssyncset.done $0x0  }
0xa4: {  	s25 =	simm.s32 $0x1B8E;
	s24 =	sld [smem:$0x3FFE];
	[sflag:s23] =	ssyncadd.s32 $0xFFFFFFFF  }
0xa5: {  	s26 =	simm.s32 $execute0_lowered;
	[smem:$0x3FD2] =	sst s25  }
0xa6: {  	s4 =	sshll.u32 s26, $0x1;
	_ =	strace $0x80000046;
	[dreg:$0x1] =	wrdreg $0xFFFFFFFF  }
0xa7: {  	s28 =	simm.s32 $_size_execute0_lowered;
	s2 =	sadd.s32 s2, s4;
	[dreg:$0x0] =	wrdreg $0x0  }
0xa8: {  	s4 =	sshll.u32 s28, $0x1;
	[dreg:$0x2] =	wrdreg s2  }
0xa9: {  	[dreg:$0x3] =	wrdreg s4  }
0xaa: {  	[dreg:$0x4] =	wrdreg $0xC0  }
0xab: {  	_ =	task [dreg:s6], $0x5FFFF  }
0xac: {  	[dreg:$0x1] =	wrdreg $0xFFFFFFFF  }
0xad: {  	[dreg:$0x0] =	wrdreg $0x60  }
0xae: {  	[dreg:$0x2] =	wrdreg s24  }
0xaf: {  	[dreg:$0x3] =	wrdreg $0xB8000  }
0xb0: {  	[dreg:$0x4] =	wrdreg $0x90000  }
0xb1: {  	[dreg:$0x5] =	wrdreg $0x9  }
0xb2: {  	_ =	task.clear_ibuf [dreg:s6], $0x6FFFF;
	_ =	strace $0x90000046  }
0xb3: {  	s29 =	simm.s32 $0x9;
	_ =	strace $0x80000048  }
0xb4: {  	_ =	swait.ge [sflag:s29], $0x1  }
0xb5: {  	[sflag:s29] =	ssyncadd.s32 $0xFFFFFFFF  }
0xb6: {  	_ =	strace $0x90000048  }
0xb7: {  	_ =	sfence  }
0xb8: {  	s30 =	sld [smem:$0x0];
	_ =	sdelay $0x2  }
0xb9: {  	s31 =	sshll.u32 s1, $0xD;
	s1 =	sshrl.u32 s1, $0x2  }
0xba: {  	s3 =	sand.u32 $0x4000, s31;
	s1 =	sadd.s32 s1, s30  }
0xbb: {  	s0 =	sor.u32 s3, s0;
	s1 =	sshll.u32 s1, $0x11  }
0xbc: {  	s0 =	sor.u32 s1, s0  }
0xbd: {  	s0 =	sadd.s32 $0x8F2B, s0  }
0xbe: {  	[sflag:s0] =	ssyncadd.remote.s32 $0x1  }
0xbf: {  	_ =	sfence.sel $0xFFFF  }
0xc0: {  	[dreg:$0x0] =	wrdreg $0xFFFFFFFF;
	(pc) =	sbr.abs _section_cstart, $3  }
0xc1: {  	[dreg:$0x1] =	wrdreg $0xFFFFFFFF  }
0xc2: {  	_ =	task.clear_ibuf [dreg:s6], $0x2FFFF;
	_ =	strace $0x9FFFFFFF  }
0xc3: {  	(tm) =	ssettm $0x7FFFFFFF  }
tec
execute0_lowered:
.L_overlay_start_1:
0x0: {  	(tag) =	ssettag $0x1  }
0x1: {  	s4 =	rddreg [dreg:$0x0]  }
0x2: {  	s0 =	srdreg.scid;
	s2 =	rddreg [dreg:$0x1]  }
0x3: {  	s9 =	stileid.u32;
	s3 =	rddreg [dreg:$0x2]  }
0x4: {  	s7 =	simm.s32 $0x0;
	s24 =	simm.s32 $0x5000;
	s25 =	simm.s32 $0x5800  }
0x5: {  	s26 =	simm.s32 $0x6000;
	[smem:$0x7FF] =	sst s7;
	s10 =	sadd.s32 $0x1B200, s4  }
0x6: {  	s19 =	sshll.u32 s9, $0x6;
	_ =	strace $0x80000047;
	[dreg:$0xb] =	wrdreg s10  }
0x7: {  	s28 =	simm.s32 $0x6800;
	s29 =	simm.s32 $0x7000;
	[dreg:$0xf] =	wrdreg s19  }
0x8: {  	s30 =	simm.s32 $0x7800;
	s31 =	simm.s32 $0x8000;
	[dreg:$0x4] =	wrdreg s24  }
0x9: {  	s13 =	simm.s32 $0xF;
	s5 =	smul.u32 $0x2710, s9;
	[dreg:$0x5] =	wrdreg s25  }
0xa: {  	s0 =	sand.u32 $0x1, s0;
	s6 =	smul.u32 $0x2800, s9;
	[dreg:$0x6] =	wrdreg s26  }
0xb: {  	s1 =	sshll.u32 s0, $0x4;
	s14 =	smul.u32 $0x28000, s0;
	[dreg:$0x7] =	wrdreg s28  }
0xc: {  	s0 =	ssub.s32 $0x2, s0;
	s20 =	sor.u32 $0x1C03, s19;
	[dreg:$0x8] =	wrdreg s29  }
0xd: {  	s23 =	sor.u32 $0x1C04, s19;
	s19 =	simm.s32 $0x3;
	[dreg:$0x9] =	wrdreg s30  }
0xe: {  	s24 =	simm.s32 $0x6;
	[dreg:$0xa] =	wrdreg s31;
	s25 =	simm.s32 $0x7  }
0xf: {  	s26 =	simm.s32 $0x8;
	s1 =	sor.u32 s9, s1;
	s8 =	sshrl.u32 s5, $0x3  }
0x10: {  	s15 =	sshrl.u32 s0, $0x1;
	s17 =	sadd.s32 s5, s2;
	[dreg:$0x10] =	wrdreg s20  }
0x11: {  	s21 =	sadd.s32 s6, s3;
	[dreg:$0x14] =	wrdreg s23;
	s20 =	simm.s32 $0x4  }
0x12: {  	s23 =	simm.s32 $0x5;
	s5 =	simm.s32 $0x11;
	s1 =	smul.u32 $0x500, s1  }
0x13: {  	s7 =	sadd.s32 s6, s14;
	s8 =	sadd.s32 s8, s4;
	s0 =	ssub.s32 s0, s15  }
0x14: {  	s22 =	sshrl.u32 s17, $0x3;
	s17 =	simm.s32 $0x1;
	s6 =	simm.s32 $0x0  }
0x15: {  	s7 =	sshrl.u32 s7, $0x3;
	s18 =	sadd.s32 $0x2200, s8;
	[dreg:$0x13] =	wrdreg s22  }
0x16: {  	s0 =	smax.u32 s0, $0x1;
	s1 =	sadd.s32 s1, s4;
	[dreg:$0xe] =	wrdreg s18  }
0x17: {  	s22 =	simm.s32 $0x8800;
	[dreg:$0x12] =	wrdreg s0;
	s16 =	sadd.s32 $0x11200, s1  }
0x18: {  	s4 =	sadd.s32 s7, s4;
	s1 =	sadd.s32 $0x7200, s1;
	[dreg:$0xc] =	wrdreg s16  }
0x19: {  	s18 =	simm.s32 $0x2;
	s4 =	sadd.s32 $0x1B800, s4;
	[dreg:$0xd] =	wrdreg s1  }
0x1a: {  	s0 =	simm.s32 $0xE;
	[dreg:$0x11] =	wrdreg s4;
	s16 =	sshrl.u32 s21, $0x3  }
0x1b: {  	s21 =	simm.s32 $0x80;
	s1 =	simm.s32 $0xD;
	s4 =	simm.s32 $0x10  }
.LBB2_1:
0x1c: {  	s8 =	rddreg [dreg:$0xc]  }
0x1d: {  	s28 =	rddreg [dreg:$0xd]  }
0x1e: {  	s29 =	rddreg [dreg:$0xe]  }
0x1f: {  	s7 =	simm.s32 $0x0;
	s30 =	rddreg [dreg:$0x10]  }
0x20: {  	[tilespmem:s7], [sflag:$0x1] =	stream.linear.gather [hbm4b:s8+s7], $0x2800, $0x38;
	[tilespmem:$0xDF10] =	vst v63  }
0x21: {  	s9 =	simm.s32 $0x2800;
	s31 =	rddreg [dreg:$0x13]  }
0x22: {  	[tilespmem:s9], [sflag:$0x2] =	stream.linear.gather [hbm4b:s28+s7], $0x2800, $0x38;
	[tilespmem:$0xDF10] =	vst v63  }
0x23: {  	[spmem:s31], [sflag:s30] =	dma.local [hbm:s29], $0x4E2  }
0x24: {  	s7 =	rddreg [dreg:$0xb]  }
0x25: {  	s8 =	rddreg [dreg:$0x14]  }
0x26: {  	[spmem:s16], [sflag:s8] =	dma.local [hbm:s7], $0x500  }
0x27: {  	_ =	swait.ge [sflag:s17], $0x2800  }
0x28: {  	[sflag:s17] =	ssyncset.done $0x0  }
0x29: {  	[sflag:s17] =	ssyncadd.s32 $0xFFFFD800  }
0x2a: {  	_ =	swait.ge [sflag:s18], $0x2800  }
0x2b: {  	[sflag:s18] =	ssyncset.done $0x0  }
0x2c: {  	[sflag:s18] =	ssyncadd.s32 $0xFFFFD800  }
0x2d: {  	_ =	swait.ge [sflag:s19], $0x4E2  }
0x2e: {  	[sflag:s19] =	ssyncset.done $0x0  }
0x2f: {  	[sflag:s19] =	ssyncadd.s32 $0xFFFFFB1E  }
0x30: {  	_ =	swait.ge [sflag:s20], $0x500  }
0x31: {  	[sflag:s20] =	ssyncset.done $0x0  }
0x32: {  	p0 =	por $0x0, $0x0;
	[sflag:s20] =	ssyncadd.s32 $0xFFFFFB00  }
0x33: {  	s7 =	simm.s32 @p0 $0x9;
	[bflag:$0x0] =	sbarrier.arrive $0xFFFF  }
0x34: {  	_ =	swait.ge @p0 [sflag:s7], $0x800  }
0x35: {  	s10 =	simm.s32 @p0 $0xA;
	s11 =	simm.s32 @p0 $0x80;
	[sflag:s7] =	ssyncset.done @p0 $0x0  }
0x36: {  	s8 =	simm.s32 @p0 $0x5000;
	[sflag:s7] =	ssyncadd.s32 @p0 $0xFFFFF800;
	s7 =	simm.s32 @p0 $0x0  }
0x37: {  	[tilespmem:s8], [sflag:$0x1] =	stream.indirect.gather @p0 [spmem:s2], $0x10, s7, s11, $0xb8;
	[tilespmem:$0xDF10] =	vst v63  }
0x38: {  	_ =	swait.ge @p0 [sflag:s10], $0x800  }
0x39: {  	s7 =	simm.s32 @p0 $0x80;
	[sflag:s10] =	ssyncset.done @p0 $0x0  }
0x3a: {  	s8 =	simm.s32 @p0 $0x5800;
	[sflag:s10] =	ssyncadd.s32 @p0 $0xFFFFF800;
	s10 =	simm.s32 @p0 $0xB  }
0x3b: {  	[tilespmem:s8], [sflag:$0x2] =	stream.indirect.gather @p0 [spmem:s2], $0x10, s7, s11, $0xb8;
	[tilespmem:$0xDF10] =	vst v63  }
0x3c: {  	_ =	swait.ge @p0 [sflag:s10], $0x800  }
0x3d: {  	s7 =	simm.s32 @p0 $0x100;
	[sflag:s10] =	ssyncset.done @p0 $0x0  }
0x3e: {  	s8 =	simm.s32 @p0 $0x6000;
	[sflag:s10] =	ssyncadd.s32 @p0 $0xFFFFF800;
	s10 =	simm.s32 @p0 $0xC  }
0x3f: {  	[tilespmem:s8], [sflag:$0x3] =	stream.indirect.gather @p0 [spmem:s2], $0x10, s7, s11, $0xb8;
	[tilespmem:$0xDF10] =	vst v63  }
0x40: {  	_ =	swait.ge @p0 [sflag:s10], $0x800  }
0x41: {  	s7 =	simm.s32 @p0 $0x180;
	[sflag:s10] =	ssyncset.done @p0 $0x0  }
0x42: {  	s8 =	simm.s32 @p0 $0x6800;
	[sflag:s10] =	ssyncadd.s32 @p0 $0xFFFFF800;
	s10 =	simm.s32 @p0 $0xD  }
0x43: {  	[tilespmem:s8], [sflag:$0x4] =	stream.indirect.gather @p0 [spmem:s2], $0x10, s7, s11, $0xb8;
	[tilespmem:$0xDF10] =	vst v63  }
0x44: {  	_ =	swait.ge @p0 [sflag:s10], $0x800  }
0x45: {  	s7 =	simm.s32 @p0 $0x200;
	[sflag:s10] =	ssyncset.done @p0 $0x0  }
0x46: {  	s8 =	simm.s32 @p0 $0x7000;
	[sflag:s10] =	ssyncadd.s32 @p0 $0xFFFFF800;
	s10 =	simm.s32 @p0 $0xE  }
0x47: {  	[tilespmem:s8], [sflag:$0x5] =	stream.indirect.gather @p0 [spmem:s2], $0x10, s7, s11, $0xb8;
	[tilespmem:$0xDF10] =	vst v63  }
0x48: {  	_ =	swait.ge @p0 [sflag:s10], $0x800  }
0x49: {  	s7 =	simm.s32 @p0 $0x280;
	[sflag:s10] =	ssyncset.done @p0 $0x0  }
0x4a: {  	s8 =	simm.s32 @p0 $0x7800;
	[sflag:s10] =	ssyncadd.s32 @p0 $0xFFFFF800;
	s10 =	simm.s32 @p0 $0xF  }
0x4b: {  	[tilespmem:s8], [sflag:$0x6] =	stream.indirect.gather @p0 [spmem:s2], $0x10, s7, s11, $0xb8;
	[tilespmem:$0xDF10] =	vst v63  }
0x4c: {  	_ =	swait.ge @p0 [sflag:s10], $0x800  }
0x4d: {  	s7 =	simm.s32 @p0 $0x300;
	[sflag:s10] =	ssyncset.done @p0 $0x0  }
0x4e: {  	s8 =	simm.s32 @p0 $0x8000;
	[sflag:s10] =	ssyncadd.s32 @p0 $0xFFFFF800;
	s10 =	simm.s32 @p0 $0x10  }
0x4f: {  	[tilespmem:s8], [sflag:$0x7] =	stream.indirect.gather @p0 [spmem:s2], $0x10, s7, s11, $0xb8;
	[tilespmem:$0xDF10] =	vst v63  }
0x50: {  	_ =	swait.ge @p0 [sflag:s10], $0x800  }
0x51: {  	s7 =	simm.s32 @!p0 $0x5000;
	[sflag:s10] =	ssyncset.done @p0 $0x0  }
0x52: {  	s8 =	simm.s32 @!p0 $0x0;
	[sflag:s10] =	ssyncadd.s32 @p0 $0xFFFFF800;
	s10 =	simm.s32 @!p0 $0x80  }
0x53: {  	[tilespmem:s7], [sflag:$0x1] =	stream.indirect.gather @!p0 [spmem:s2], $0x10, s8, s10, $0xb8;
	[tilespmem:$0xDF10] =	vst v63  }
0x54: {  	s7 =	simm.s32 @!p0 $0x5800  }
0x55: {  	[tilespmem:s7], [sflag:$0x2] =	stream.indirect.gather @!p0 [spmem:s2], $0x10, s10, s10, $0xb8;
	[tilespmem:$0xDF10] =	vst v63  }
0x56: {  	s8 =	simm.s32 @!p0 $0x6000;
	s7 =	simm.s32 @!p0 $0x100  }
0x57: {  	[tilespmem:s8], [sflag:$0x3] =	stream.indirect.gather @!p0 [spmem:s2], $0x10, s7, s10, $0xb8;
	[tilespmem:$0xDF10] =	vst v63  }
0x58: {  	s7 =	simm.s32 @!p0 $0x180;
	s8 =	simm.s32 @!p0 $0x6800  }
0x59: {  	[tilespmem:s8], [sflag:$0x4] =	stream.indirect.gather @!p0 [spmem:s2], $0x10, s7, s10, $0xb8;
	[tilespmem:$0xDF10] =	vst v63  }
0x5a: {  	s7 =	simm.s32 @!p0 $0x200;
	s8 =	simm.s32 @!p0 $0x7000  }
0x5b: {  	[tilespmem:s8], [sflag:$0x5] =	stream.indirect.gather @!p0 [spmem:s2], $0x10, s7, s10, $0xb8;
	[tilespmem:$0xDF10] =	vst v63  }
0x5c: {  	s7 =	simm.s32 @!p0 $0x280;
	s8 =	simm.s32 @!p0 $0x7800  }
0x5d: {  	[tilespmem:s8], [sflag:$0x6] =	stream.indirect.gather @!p0 [spmem:s2], $0x10, s7, s10, $0xb8;
	[tilespmem:$0xDF10] =	vst v63  }
0x5e: {  	s7 =	simm.s32 @!p0 $0x300;
	s8 =	simm.s32 @!p0 $0x8000  }
0x5f: {  	[tilespmem:s8], [sflag:$0x7] =	stream.indirect.gather @!p0 [spmem:s2], $0x10, s7, s10, $0xb8;
	[tilespmem:$0xDF10] =	vst v63  }
0x60: {  	s10 =	simm.s32 $0x380  }
0x61: {  	[tilespmem:s22], [sflag:$0x8] =	stream.indirect.gather [spmem:s2], $0x10, s10, s21, $0xb8;
	[tilespmem:$0xDF10] =	vst v63  }
0x62: {  	_ =	swait.ge [sflag:s17], $0x800  }
0x63: {  	[sflag:s17] =	ssyncset.done $0x0  }
0x64: {  	s12 =	simm.s32 $0x2800;
	s11 =	rddreg [dreg:$0x4];
	[sflag:s17] =	ssyncadd.s32 $0xFFFFF800  }
0x65: {  	[spmem:s3] =	stream.indirect.scatter.add.f32 [tilespmem:s11], [sflag:$0x9], $0x10, s12, s21, $0xb8;
	[tilespmem:$0xDF10] =	vst v63  }
0x66: {  	s7 =	simm.s32 @p0 $0x80;
	_ =	swait.ge [sflag:s18], $0x800  }
0x67: {  	s7 =	simm.s32 @!p0 $0x80;
	[sflag:s18] =	ssyncset.done $0x0  }
0x68: {  	s7 =	sadd.s32 $0x2800, s7;
	s14 =	rddreg [dreg:$0x5];
	[sflag:s18] =	ssyncadd.s32 $0xFFFFF800  }
0x69: {  	[spmem:s3] =	stream.indirect.scatter.add.f32 [tilespmem:s14], [sflag:$0xA], $0x10, s7, s21, $0xb8;
	[tilespmem:$0xDF10] =	vst v63  }
0x6a: {  	s7 =	simm.s32 @p0 $0x100;
	_ =	swait.ge [sflag:s19], $0x800  }
0x6b: {  	s7 =	simm.s32 @!p0 $0x100;
	[sflag:s19] =	ssyncset.done $0x0  }
0x6c: {  	s15 =	rddreg [dreg:$0x6];
	s7 =	sadd.s32 $0x2800, s7;
	[sflag:s19] =	ssyncadd.s32 $0xFFFFF800  }
0x6d: {  	[spmem:s3] =	stream.indirect.scatter.add.f32 [tilespmem:s15], [sflag:$0xB], $0x10, s7, s21, $0xb8;
	[tilespmem:$0xDF10] =	vst v63  }
0x6e: {  	s7 =	simm.s32 @p0 $0x180;
	_ =	swait.ge [sflag:s20], $0x800  }
0x6f: {  	s7 =	simm.s32 @!p0 $0x180;
	[sflag:s20] =	ssyncset.done $0x0  }
0x70: {  	s28 =	rddreg [dreg:$0x7];
	s7 =	sadd.s32 $0x2800, s7;
	[sflag:s20] =	ssyncadd.s32 $0xFFFFF800  }
0x71: {  	[spmem:s3] =	stream.indirect.scatter.add.f32 [tilespmem:s28], [sflag:$0xC], $0x10, s7, s21, $0xb8;
	[tilespmem:$0xDF10] =	vst v63  }
0x72: {  	s7 =	simm.s32 @p0 $0x200;
	_ =	swait.ge [sflag:s23], $0x800  }
0x73: {  	s7 =	simm.s32 @!p0 $0x200;
	[sflag:s23] =	ssyncset.done $0x0  }
0x74: {  	s29 =	rddreg [dreg:$0x8];
	s7 =	sadd.s32 $0x2800, s7;
	[sflag:s23] =	ssyncadd.s32 $0xFFFFF800  }
0x75: {  	[spmem:s3] =	stream.indirect.scatter.add.f32 [tilespmem:s29], [sflag:$0xD], $0x10, s7, s21, $0xb8;
	[tilespmem:$0xDF10] =	vst v63  }
0x76: {  	s7 =	simm.s32 @p0 $0x280;
	_ =	swait.ge [sflag:s24], $0x800  }
0x77: {  	s7 =	simm.s32 @!p0 $0x280;
	[sflag:s24] =	ssyncset.done $0x0  }
0x78: {  	s30 =	rddreg [dreg:$0x9];
	s7 =	sadd.s32 $0x2800, s7;
	[sflag:s24] =	ssyncadd.s32 $0xFFFFF800  }
0x79: {  	[spmem:s3] =	stream.indirect.scatter.add.f32 [tilespmem:s30], [sflag:$0xE], $0x10, s7, s21, $0xb8;
	[tilespmem:$0xDF10] =	vst v63  }
0x7a: {  	s7 =	simm.s32 $0x300;
	_ =	swait.ge [sflag:s25], $0x800  }
0x7b: {  	s8 =	simm.s32 $0x1000;
	s7 =	simm.s32 @!p0 $0x300;
	[sflag:s25] =	ssyncset.done $0x0  }
0x7c: {  	s31 =	rddreg [dreg:$0xa];
	s7 =	sadd.s32 $0x2800, s7;
	[sflag:s25] =	ssyncadd.s32 $0xFFFFF800  }
0x7d: {  	[spmem:s3] =	stream.indirect.scatter.add.f32 [tilespmem:s31], [sflag:$0xF], $0x10, s7, s21, $0xb8;
	[tilespmem:$0xDF10] =	vst v63  }
0x7e: {  	s10 =	simm.s32 $0x2000;
	s12 =	simm.s32 $0x2B80;
	_ =	swait.ge [sflag:s26], $0x800  }
0x7f: {  	p0 =	por $0x1, $0x1;
	s7 =	simm.s32 $0x700;
	[sflag:s26] =	ssyncset.done $0x0  }
.LBB2_2:
0x80: {  	s14 =	simm.s32 @p0 $0x9;
	[sflag:s26] =	ssyncadd.s32 $0xFFFFF800  }
0x81: {  	[spmem:s3] =	stream.indirect.scatter.add.f32 [tilespmem:s22], [sflag:$0x10], $0x10, s12, s21, $0xb8;
	[tilespmem:$0xDF10] =	vst v63  }
0x82: {  	_ =	swait.ge @p0 [sflag:s14], $0x800  }
0x83: {  	s15 =	simm.s32 @p0 $0x5000;
	s9 =	simm.s32 @p0 $0xA;
	[sflag:s14] =	ssyncset.done @p0 $0x0  }
0x84: {  	s12 =	simm.s32 @p0 $0x80;
	[sflag:s14] =	ssyncadd.s32 @p0 $0xFFFFF800;
	s14 =	sshra.s32 @p0 s8, $0x2  }
0x85: {  	[tilespmem:s15], [sflag:$0x1] =	stream.indirect.gather @p0 [spmem:s2], $0x10, s14, s12, $0xb8;
	[tilespmem:$0xDF10] =	vst v63  }
0x86: {  	_ =	swait.ge @p0 [sflag:s9], $0x800  }
0x87: {  	s31 =	simm.s32 @p0 $0xB;
	[sflag:s9] =	ssyncset.done @p0 $0x0  }
0x88: {  	s15 =	sadd.s32 @p0 $0x80, s14;
	[sflag:s9] =	ssyncadd.s32 @p0 $0xFFFFF800;
	s9 =	simm.s32 @p0 $0x5800  }
0x89: {  	[tilespmem:s9], [sflag:$0x2] =	stream.indirect.gather @p0 [spmem:s2], $0x10, s15, s12, $0xb8;
	[tilespmem:$0xDF10] =	vst v63  }
0x8a: {  	_ =	swait.ge @p0 [sflag:s31], $0x800  }
0x8b: {  	s28 =	sadd.s32 @p0 $0x100, s14;
	[sflag:s31] =	ssyncset.done @p0 $0x0  }
0x8c: {  	s15 =	simm.s32 @p0 $0x6000;
	[sflag:s31] =	ssyncadd.s32 @p0 $0xFFFFF800;
	s31 =	simm.s32 @p0 $0xC  }
0x8d: {  	[tilespmem:s15], [sflag:$0x3] =	stream.indirect.gather @p0 [spmem:s2], $0x10, s28, s12, $0xb8;
	[tilespmem:$0xDF10] =	vst v63  }
0x8e: {  	_ =	swait.ge @p0 [sflag:s31], $0x800  }
0x8f: {  	s29 =	sadd.s32 @p0 $0x180, s14;
	[sflag:s31] =	ssyncset.done @p0 $0x0  }
0x90: {  	s15 =	simm.s32 @p0 $0x6800;
	s28 =	simm.s32 @p0 $0xD;
	[sflag:s31] =	ssyncadd.s32 @p0 $0xFFFFF800  }
0x91: {  	[tilespmem:s15], [sflag:$0x4] =	stream.indirect.gather @p0 [spmem:s2], $0x10, s29, s12, $0xb8;
	[tilespmem:$0xDF10] =	vst v63  }
0x92: {  	_ =	swait.ge @p0 [sflag:s28], $0x800  }
0x93: {  	s30 =	sadd.s32 @p0 $0x200, s14;
	[sflag:s28] =	ssyncset.done @p0 $0x0  }
0x94: {  	s15 =	simm.s32 @p0 $0x7000;
	[sflag:s28] =	ssyncadd.s32 @p0 $0xFFFFF800;
	s28 =	simm.s32 @p0 $0xE  }
0x95: {  	[tilespmem:s15], [sflag:$0x5] =	stream.indirect.gather @p0 [spmem:s2], $0x10, s30, s12, $0xb8;
	[tilespmem:$0xDF10] =	vst v63  }
0x96: {  	_ =	swait.ge @p0 [sflag:s28], $0x800  }
0x97: {  	s9 =	sadd.s32 @p0 $0x280, s14;
	[sflag:s28] =	ssyncset.done @p0 $0x0  }
0x98: {  	s15 =	simm.s32 @p0 $0x7800;
	[sflag:s28] =	ssyncadd.s32 @p0 $0xFFFFF800;
	s28 =	simm.s32 @p0 $0xF  }
0x99: {  	[tilespmem:s15], [sflag:$0x6] =	stream.indirect.gather @p0 [spmem:s2], $0x10, s9, s12, $0xb8;
	[tilespmem:$0xDF10] =	vst v63  }
0x9a: {  	_ =	swait.ge @p0 [sflag:s28], $0x800  }
0x9b: {  	s14 =	sadd.s32 @p0 $0x300, s14;
	[sflag:s28] =	ssyncset.done @p0 $0x0  }
0x9c: {  	s9 =	simm.s32 @p0 $0x8000;
	s15 =	simm.s32 @p0 $0x10;
	[sflag:s28] =	ssyncadd.s32 @p0 $0xFFFFF800  }
0x9d: {  	[tilespmem:s9], [sflag:$0x7] =	stream.indirect.gather @p0 [spmem:s2], $0x10, s14, s12, $0xb8;
	[tilespmem:$0xDF10] =	vst v63  }
0x9e: {  	_ =	swait.ge @p0 [sflag:s15], $0x800  }
0x9f: {  	s9 =	simm.s32 @!p0 $0x5000;
	[sflag:s15] =	ssyncset.done @p0 $0x0  }
0xa0: {  	s12 =	sshra.s32 @!p0 s8, $0x2;
	s14 =	simm.s32 @!p0 $0x80;
	[sflag:s15] =	ssyncadd.s32 @p0 $0xFFFFF800  }
0xa1: {  	[tilespmem:s9], [sflag:$0x1] =	stream.indirect.gather @!p0 [spmem:s2], $0x10, s12, s14, $0xb8;
	[tilespmem:$0xDF10] =	vst v63  }
0xa2: {  	s9 =	simm.s32 @!p0 $0x5800  }
0xa3: {  	[tilespmem:s9], [sflag:$0x2] =	stream.indirect.gather @!p0 [spmem:s2], $0x10, s14, s14, $0xb8;
	[tilespmem:$0xDF10] =	vst v63  }
0xa4: {  	s12 =	simm.s32 @!p0 $0x6000;
	s9 =	simm.s32 @!p0 $0x100  }
0xa5: {  	[tilespmem:s12], [sflag:$0x3] =	stream.indirect.gather @!p0 [spmem:s2], $0x10, s9, s14, $0xb8;
	[tilespmem:$0xDF10] =	vst v63  }
0xa6: {  	s9 =	simm.s32 @!p0 $0x180;
	s12 =	simm.s32 @!p0 $0x6800  }
0xa7: {  	[tilespmem:s12], [sflag:$0x4] =	stream.indirect.gather @!p0 [spmem:s2], $0x10, s9, s14, $0xb8;
	[tilespmem:$0xDF10] =	vst v63  }
0xa8: {  	s9 =	simm.s32 @!p0 $0x200;
	s12 =	simm.s32 @!p0 $0x7000  }
0xa9: {  	[tilespmem:s12], [sflag:$0x5] =	stream.indirect.gather @!p0 [spmem:s2], $0x10, s9, s14, $0xb8;
	[tilespmem:$0xDF10] =	vst v63  }
0xaa: {  	s9 =	simm.s32 @!p0 $0x280;
	s12 =	simm.s32 @!p0 $0x7800  }
0xab: {  	[tilespmem:s12], [sflag:$0x6] =	stream.indirect.gather @!p0 [spmem:s2], $0x10, s9, s14, $0xb8;
	[tilespmem:$0xDF10] =	vst v63  }
0xac: {  	s15 =	simm.s32 @!p0 $0x8000;
	s9 =	simm.s32 @!p0 $0x300;
	s12 =	sshra.s32 s8, $0x2  }
0xad: {  	[tilespmem:s15], [sflag:$0x7] =	stream.indirect.gather @!p0 [spmem:s2], $0x10, s9, s14, $0xb8;
	[tilespmem:$0xDF10] =	vst v63  }
0xae: {  	s29 =	sadd.s32 $0x380, s12  }
0xaf: {  	[tilespmem:s22], [sflag:$0x8] =	stream.indirect.gather [spmem:s2], $0x10, s29, s21, $0xb8;
	[tilespmem:$0xDF10] =	vst v63  }
0xb0: {  	_ =	swait.ge [sflag:s17], $0x800  }
0xb1: {  	[sflag:s17] =	ssyncset.done $0x0  }
0xb2: {  	s31 =	sadd.s32 $0x2800, s12;
	s30 =	rddreg [dreg:$0x4];
	[sflag:s17] =	ssyncadd.s32 $0xFFFFF800  }
0xb3: {  	[spmem:s3] =	stream.indirect.scatter.add.f32 [tilespmem:s30], [sflag:$0x9], $0x10, s31, s21, $0xb8;
	[tilespmem:$0xDF10] =	vst v63  }
0xb4: {  	s9 =	sadd.s32 @p0 $0xFFFFFD80, s7;
	_ =	swait.ge [sflag:s18], $0x800  }
0xb5: {  	s9 =	simm.s32 @!p0 $0x80;
	[sflag:s18] =	ssyncset.done $0x0  }
0xb6: {  	s9 =	sadd.s32 $0x2800, s9;
	s14 =	rddreg [dreg:$0x5];
	[sflag:s18] =	ssyncadd.s32 $0xFFFFF800  }
0xb7: {  	[spmem:s3] =	stream.indirect.scatter.add.f32 [tilespmem:s14], [sflag:$0xA], $0x10, s9, s21, $0xb8;
	[tilespmem:$0xDF10] =	vst v63  }
0xb8: {  	s9 =	sadd.s32 @p0 $0xFFFFFE00, s7;
	_ =	swait.ge [sflag:s19], $0x800  }
0xb9: {  	s9 =	simm.s32 @!p0 $0x100;
	[sflag:s19] =	ssyncset.done $0x0  }
0xba: {  	s15 =	rddreg [dreg:$0x6];
	s9 =	sadd.s32 $0x2800, s9;
	[sflag:s19] =	ssyncadd.s32 $0xFFFFF800  }
0xbb: {  	[spmem:s3] =	stream.indirect.scatter.add.f32 [tilespmem:s15], [sflag:$0xB], $0x10, s9, s21, $0xb8;
	[tilespmem:$0xDF10] =	vst v63  }
0xbc: {  	s9 =	sadd.s32 @p0 $0xFFFFFE80, s7;
	_ =	swait.ge [sflag:s20], $0x800  }
0xbd: {  	s9 =	simm.s32 @!p0 $0x180;
	[sflag:s20] =	ssyncset.done $0x0  }
0xbe: {  	s28 =	rddreg [dreg:$0x7];
	s9 =	sadd.s32 $0x2800, s9;
	[sflag:s20] =	ssyncadd.s32 $0xFFFFF800  }
0xbf: {  	[spmem:s3] =	stream.indirect.scatter.add.f32 [tilespmem:s28], [sflag:$0xC], $0x10, s9, s21, $0xb8;
	[tilespmem:$0xDF10] =	vst v63  }
0xc0: {  	s9 =	sadd.s32 @p0 $0xFFFFFF00, s7;
	_ =	swait.ge [sflag:s23], $0x800  }
0xc1: {  	s11 =	smov.u32 s10;
	s9 =	simm.s32 @!p0 $0x200;
	[sflag:s23] =	ssyncset.done $0x0  }
0xc2: {  	s29 =	rddreg [dreg:$0x8];
	s9 =	sadd.s32 $0x2800, s9;
	[sflag:s23] =	ssyncadd.s32 $0xFFFFF800  }
0xc3: {  	[spmem:s3] =	stream.indirect.scatter.add.f32 [tilespmem:s29], [sflag:$0xD], $0x10, s9, s21, $0xb8;
	[tilespmem:$0xDF10] =	vst v63  }
0xc4: {  	s10 =	sadd.s32 $0x1000, s10;
	s9 =	sadd.s32 @p0 $0xFFFFFF80, s7;
	_ =	swait.ge [sflag:s24], $0x800  }
0xc5: {  	p1 =	sne.s32 s10, $0xA000;
	s9 =	simm.s32 @!p0 $0x280;
	[sflag:s24] =	ssyncset.done $0x0  }
0xc6: {  	s30 =	rddreg [dreg:$0x9];
	s9 =	sadd.s32 $0x2800, s9;
	[sflag:s24] =	ssyncadd.s32 $0xFFFFF800  }
0xc7: {  	[spmem:s3] =	stream.indirect.scatter.add.f32 [tilespmem:s30], [sflag:$0xE], $0x10, s9, s21, $0xb8;
	[tilespmem:$0xDF10] =	vst v63  }
0xc8: {  	s8 =	smov.u32 s11;
	s11 =	smov.u32 s7;
	_ =	swait.ge [sflag:s25], $0x800  }
.Ltmp0:
0xc9: {  	s11 =	simm.s32 @!p0 $0x300;
	[sflag:s25] =	ssyncset.done $0x0;
	(pc) =	sbr.rel @p1 .LBB2_2-.Ltmp0, $4  }
0xca: {  	s11 =	sadd.s32 $0x2800, s11;
	s31 =	rddreg [dreg:$0xa];
	[sflag:s25] =	ssyncadd.s32 $0xFFFFF800  }
0xcb: {  	[spmem:s3] =	stream.indirect.scatter.add.f32 [tilespmem:s31], [sflag:$0xF], $0x10, s11, s21, $0xb8;
	[tilespmem:$0xDF10] =	vst v63  }
0xcc: {  	s12 =	sadd.s32 $0x2B80, s12;
	_ =	swait.ge [sflag:s26], $0x800  }
0xcd: {  	s7 =	sadd.s32 $0x400, s7;
	p0 =	sne.s32 s8, $0x0;
	[sflag:s26] =	ssyncset.done $0x0  }
0xce: {  	s9 =	simm.s32 @p0 $0x9;
	[sflag:s26] =	ssyncadd.s32 $0xFFFFF800  }
0xcf: {  	[spmem:s3] =	stream.indirect.scatter.add.f32 [tilespmem:s22], [sflag:$0x10], $0x10, s12, s21, $0xb8;
	[tilespmem:$0xDF10] =	vst v63  }
0xd0: {  	_ =	swait.ge @p0 [sflag:s9], $0x800  }
0xd1: {  	s10 =	simm.s32 @p0 $0x5000;
	s11 =	simm.s32 @p0 $0xA;
	[sflag:s9] =	ssyncset.done @p0 $0x0  }
0xd2: {  	s12 =	simm.s32 @p0 $0x80;
	[sflag:s9] =	ssyncadd.s32 @p0 $0xFFFFF800;
	s9 =	sshra.s32 @p0 s8, $0x2  }
0xd3: {  	[tilespmem:s10], [sflag:$0x1] =	stream.indirect.gather @p0 [spmem:s2], $0x10, s9, s12, $0xb8;
	[tilespmem:$0xDF10] =	vst v63  }
0xd4: {  	_ =	swait.ge @p0 [sflag:s11], $0x800  }
0xd5: {  	[sflag:s11] =	ssyncset.done @p0 $0x0  }
0xd6: {  	s10 =	sadd.s32 @p0 $0x80, s9;
	[sflag:s11] =	ssyncadd.s32 @p0 $0xFFFFF800;
	s11 =	simm.s32 @p0 $0x5800  }
0xd7: {  	[tilespmem:s11], [sflag:$0x2] =	stream.indirect.gather @p0 [spmem:s2], $0x10, s10, s12, $0xb8;
	[tilespmem:$0xDF10] =	vst v63  }
0xd8: {  	s10 =	simm.s32 @p0 $0xB  }
0xd9: {  	_ =	swait.ge @p0 [sflag:s10], $0x800  }
0xda: {  	[sflag:s10] =	ssyncset.done @p0 $0x0  }
0xdb: {  	s11 =	sadd.s32 @p0 $0x100, s9;
	[sflag:s10] =	ssyncadd.s32 @p0 $0xFFFFF800;
	s10 =	simm.s32 @p0 $0x6000  }
0xdc: {  	[tilespmem:s10], [sflag:$0x3] =	stream.indirect.gather @p0 [spmem:s2], $0x10, s11, s12, $0xb8;
	[tilespmem:$0xDF10] =	vst v63  }
0xdd: {  	s10 =	simm.s32 @p0 $0xC  }
0xde: {  	_ =	swait.ge @p0 [sflag:s10], $0x800  }
0xdf: {  	[sflag:s10] =	ssyncset.done @p0 $0x0  }
0xe0: {  	s11 =	sadd.s32 @p0 $0x180, s9;
	[sflag:s10] =	ssyncadd.s32 @p0 $0xFFFFF800;
	s10 =	simm.s32 @p0 $0x6800  }
0xe1: {  	[tilespmem:s10], [sflag:$0x4] =	stream.indirect.gather @p0 [spmem:s2], $0x10, s11, s12, $0xb8;
	[tilespmem:$0xDF10] =	vst v63  }
0xe2: {  	s10 =	simm.s32 @p0 $0xD  }
0xe3: {  	_ =	swait.ge @p0 [sflag:s10], $0x800  }
0xe4: {  	[sflag:s10] =	ssyncset.done @p0 $0x0  }
0xe5: {  	s11 =	sadd.s32 @p0 $0x200, s9;
	[sflag:s10] =	ssyncadd.s32 @p0 $0xFFFFF800;
	s10 =	simm.s32 @p0 $0x7000  }
0xe6: {  	[tilespmem:s10], [sflag:$0x5] =	stream.indirect.gather @p0 [spmem:s2], $0x10, s11, s12, $0xb8;
	[tilespmem:$0xDF10] =	vst v63  }
0xe7: {  	s10 =	simm.s32 @p0 $0xE  }
0xe8: {  	_ =	swait.ge @p0 [sflag:s10], $0x800  }
0xe9: {  	[sflag:s10] =	ssyncset.done @p0 $0x0  }
0xea: {  	s11 =	sadd.s32 @p0 $0x280, s9;
	[sflag:s10] =	ssyncadd.s32 @p0 $0xFFFFF800;
	s10 =	simm.s32 @p0 $0x7800  }
0xeb: {  	[tilespmem:s10], [sflag:$0x6] =	stream.indirect.gather @p0 [spmem:s2], $0x10, s11, s12, $0xb8;
	[tilespmem:$0xDF10] =	vst v63  }
0xec: {  	s10 =	simm.s32 @p0 $0xF  }
0xed: {  	_ =	swait.ge @p0 [sflag:s10], $0x800  }
0xee: {  	[sflag:s10] =	ssyncset.done @p0 $0x0  }
0xef: {  	s9 =	sadd.s32 @p0 $0x300, s9;
	[sflag:s10] =	ssyncadd.s32 @p0 $0xFFFFF800;
	s10 =	simm.s32 @p0 $0x8000  }
0xf0: {  	[tilespmem:s10], [sflag:$0x7] =	stream.indirect.gather @p0 [spmem:s2], $0x10, s9, s12, $0xb8;
	[tilespmem:$0xDF10] =	vst v63  }
0xf1: {  	s9 =	simm.s32 @p0 $0x10  }
0xf2: {  	_ =	swait.ge @p0 [sflag:s9], $0x800  }
0xf3: {  	s11 =	simm.s32 @!p0 $0x80;
	[sflag:s9] =	ssyncset.done @p0 $0x0  }
0xf4: {  	s10 =	simm.s32 @!p0 $0x5000;
	[sflag:s9] =	ssyncadd.s32 @p0 $0xFFFFF800;
	s9 =	sshra.s32 @!p0 s8, $0x2  }
0xf5: {  	[tilespmem:s10], [sflag:$0x1] =	stream.indirect.gather @!p0 [spmem:s2], $0x10, s9, s11, $0xb8;
	[tilespmem:$0xDF10] =	vst v63  }
0xf6: {  	s9 =	simm.s32 @!p0 $0x5800  }
0xf7: {  	[tilespmem:s9], [sflag:$0x2] =	stream.indirect.gather @!p0 [spmem:s2], $0x10, s11, s11, $0xb8;
	[tilespmem:$0xDF10] =	vst v63  }
0xf8: {  	s10 =	simm.s32 @!p0 $0x6000;
	s9 =	simm.s32 @!p0 $0x100  }
0xf9: {  	[tilespmem:s10], [sflag:$0x3] =	stream.indirect.gather @!p0 [spmem:s2], $0x10, s9, s11, $0xb8;
	[tilespmem:$0xDF10] =	vst v63  }
0xfa: {  	s9 =	simm.s32 @!p0 $0x180;
	s10 =	simm.s32 @!p0 $0x6800  }
0xfb: {  	[tilespmem:s10], [sflag:$0x4] =	stream.indirect.gather @!p0 [spmem:s2], $0x10, s9, s11, $0xb8;
	[tilespmem:$0xDF10] =	vst v63  }
0xfc: {  	s9 =	simm.s32 @!p0 $0x200;
	s10 =	simm.s32 @!p0 $0x7000  }
0xfd: {  	[tilespmem:s10], [sflag:$0x5] =	stream.indirect.gather @!p0 [spmem:s2], $0x10, s9, s11, $0xb8;
	[tilespmem:$0xDF10] =	vst v63  }
0xfe: {  	s9 =	simm.s32 @!p0 $0x280;
	s10 =	simm.s32 @!p0 $0x7800  }
0xff: {  	[tilespmem:s10], [sflag:$0x6] =	stream.indirect.gather @!p0 [spmem:s2], $0x10, s9, s11, $0xb8;
	[tilespmem:$0xDF10] =	vst v63  }
0x100: {  	s8 =	sshra.s32 s8, $0x2;
	s9 =	simm.s32 @!p0 $0x300;
	s10 =	simm.s32 @!p0 $0x8000  }
0x101: {  	[tilespmem:s10], [sflag:$0x7] =	stream.indirect.gather @!p0 [spmem:s2], $0x10, s9, s11, $0xb8;
	[tilespmem:$0xDF10] =	vst v63  }
0x102: {  	s11 =	sadd.s32 $0x380, s8  }
0x103: {  	[tilespmem:s22], [sflag:$0x8] =	stream.indirect.gather [spmem:s2], $0x10, s11, s21, $0xb8;
	[tilespmem:$0xDF10] =	vst v63  }
0x104: {  	_ =	swait.ge [sflag:s17], $0x800  }
0x105: {  	[sflag:s17] =	ssyncset.done $0x0  }
0x106: {  	s14 =	sadd.s32 $0x2800, s8;
	s12 =	rddreg [dreg:$0x4];
	[sflag:s17] =	ssyncadd.s32 $0xFFFFF800  }
0x107: {  	[spmem:s3] =	stream.indirect.scatter.add.f32 [tilespmem:s12], [sflag:$0x9], $0x10, s14, s21, $0xb8;
	[tilespmem:$0xDF10] =	vst v63  }
0x108: {  	s9 =	sadd.s32 @p0 $0xFFFFFD80, s7;
	_ =	swait.ge [sflag:s18], $0x800  }
0x109: {  	s9 =	simm.s32 @!p0 $0x80;
	[sflag:s18] =	ssyncset.done $0x0  }
0x10a: {  	s9 =	sadd.s32 $0x2800, s9;
	s15 =	rddreg [dreg:$0x5];
	[sflag:s18] =	ssyncadd.s32 $0xFFFFF800  }
0x10b: {  	[spmem:s3] =	stream.indirect.scatter.add.f32 [tilespmem:s15], [sflag:$0xA], $0x10, s9, s21, $0xb8;
	[tilespmem:$0xDF10] =	vst v63  }
0x10c: {  	s9 =	sadd.s32 @p0 $0xFFFFFE00, s7;
	_ =	swait.ge [sflag:s19], $0x800  }
0x10d: {  	s9 =	simm.s32 @!p0 $0x100;
	[sflag:s19] =	ssyncset.done $0x0  }
0x10e: {  	s28 =	rddreg [dreg:$0x6];
	s9 =	sadd.s32 $0x2800, s9;
	[sflag:s19] =	ssyncadd.s32 $0xFFFFF800  }
0x10f: {  	[spmem:s3] =	stream.indirect.scatter.add.f32 [tilespmem:s28], [sflag:$0xB], $0x10, s9, s21, $0xb8;
	[tilespmem:$0xDF10] =	vst v63  }
0x110: {  	s9 =	sadd.s32 @p0 $0xFFFFFE80, s7;
	_ =	swait.ge [sflag:s20], $0x800  }
0x111: {  	s9 =	simm.s32 @!p0 $0x180;
	[sflag:s20] =	ssyncset.done $0x0  }
0x112: {  	s29 =	rddreg [dreg:$0x7];
	s9 =	sadd.s32 $0x2800, s9;
	[sflag:s20] =	ssyncadd.s32 $0xFFFFF800  }
0x113: {  	[spmem:s3] =	stream.indirect.scatter.add.f32 [tilespmem:s29], [sflag:$0xC], $0x10, s9, s21, $0xb8;
	[tilespmem:$0xDF10] =	vst v63  }
0x114: {  	s9 =	sadd.s32 @p0 $0xFFFFFF00, s7;
	_ =	swait.ge [sflag:s23], $0x800  }
0x115: {  	s9 =	simm.s32 @!p0 $0x200;
	[sflag:s23] =	ssyncset.done $0x0  }
0x116: {  	s30 =	rddreg [dreg:$0x8];
	s9 =	sadd.s32 $0x2800, s9;
	[sflag:s23] =	ssyncadd.s32 $0xFFFFF800  }
0x117: {  	[spmem:s3] =	stream.indirect.scatter.add.f32 [tilespmem:s30], [sflag:$0xD], $0x10, s9, s21, $0xb8;
	[tilespmem:$0xDF10] =	vst v63  }
0x118: {  	s9 =	sadd.s32 @p0 $0xFFFFFF80, s7;
	_ =	swait.ge [sflag:s24], $0x800  }
0x119: {  	s9 =	simm.s32 @!p0 $0x280;
	[sflag:s24] =	ssyncset.done $0x0  }
0x11a: {  	s31 =	rddreg [dreg:$0x9];
	s9 =	sadd.s32 $0x2800, s9;
	[sflag:s24] =	ssyncadd.s32 $0xFFFFF800  }
0x11b: {  	[spmem:s3] =	stream.indirect.scatter.add.f32 [tilespmem:s31], [sflag:$0xE], $0x10, s9, s21, $0xb8;
	[tilespmem:$0xDF10] =	vst v63  }
0x11c: {  	_ =	swait.ge [sflag:s25], $0x800  }
0x11d: {  	s7 =	simm.s32 @!p0 $0x300;
	[sflag:s25] =	ssyncset.done $0x0  }
0x11e: {  	s7 =	sadd.s32 $0x2800, s7;
	s10 =	rddreg [dreg:$0xa];
	[sflag:s25] =	ssyncadd.s32 $0xFFFFF800  }
0x11f: {  	[spmem:s3] =	stream.indirect.scatter.add.f32 [tilespmem:s10], [sflag:$0xF], $0x10, s7, s21, $0xb8;
	[tilespmem:$0xDF10] =	vst v63  }
0x120: {  	_ =	swait.ge [sflag:s26], $0x800  }
0x121: {  	[sflag:s26] =	ssyncset.done $0x0  }
0x122: {  	s11 =	sadd.s32 $0x2B80, s8;
	s12 =	simm.s32 $0x9;
	[sflag:s26] =	ssyncadd.s32 $0xFFFFF800  }
0x123: {  	[spmem:s3] =	stream.indirect.scatter.add.f32 [tilespmem:s22], [sflag:$0x10], $0x10, s11, s21, $0xb8;
	[tilespmem:$0xDF10] =	vst v63  }
0x124: {  	_ =	swait.ge [sflag:s12], $0x800  }
0x125: {  	[sflag:s12] =	ssyncset.done $0x0  }
0x126: {  	s14 =	simm.s32 $0xA;
	[sflag:s12] =	ssyncadd.s32 $0xFFFFF800  }
0x127: {  	_ =	swait.ge [sflag:s14], $0x800  }
0x128: {  	[sflag:s14] =	ssyncset.done $0x0  }
0x129: {  	s15 =	simm.s32 $0xB;
	[sflag:s14] =	ssyncadd.s32 $0xFFFFF800  }
0x12a: {  	_ =	swait.ge [sflag:s15], $0x800  }
0x12b: {  	[sflag:s15] =	ssyncset.done $0x0  }
0x12c: {  	s28 =	simm.s32 $0xC;
	[sflag:s15] =	ssyncadd.s32 $0xFFFFF800  }
0x12d: {  	_ =	swait.ge [sflag:s28], $0x800  }
0x12e: {  	[sflag:s28] =	ssyncset.done $0x0  }
0x12f: {  	[sflag:s28] =	ssyncadd.s32 $0xFFFFF800  }
0x130: {  	_ =	swait.ge [sflag:s1], $0x800  }
0x131: {  	[sflag:s1] =	ssyncset.done $0x0  }
0x132: {  	[sflag:s1] =	ssyncadd.s32 $0xFFFFF800  }
0x133: {  	_ =	swait.ge [sflag:s0], $0x800  }
0x134: {  	[sflag:s0] =	ssyncset.done $0x0  }
0x135: {  	[sflag:s0] =	ssyncadd.s32 $0xFFFFF800  }
0x136: {  	_ =	swait.ge [sflag:s13], $0x800  }
0x137: {  	[sflag:s13] =	ssyncset.done $0x0  }
0x138: {  	[sflag:s13] =	ssyncadd.s32 $0xFFFFF800  }
0x139: {  	_ =	swait.ge [sflag:s4], $0x800  }
0x13a: {  	[sflag:s4] =	ssyncset.done $0x0  }
0x13b: {  	[sflag:s4] =	ssyncadd.s32 $0xFFFFF800  }
0x13c: {  	[bflag:$0x0] =	sbarrier.arrive $0xFFFF  }
0x13d: {  	s29 =	rddreg [dreg:$0xf]  }
0x13e: {  	s30 =	rddreg [dreg:$0x11];
	s7 =	sor.u32 $0x1C11, s29  }
0x13f: {  	[hbm:s30], [sflag:s7] =	dma.local [spmem:s16], $0x500  }
0x140: {  	_ =	swait.ge [sflag:s5], $0x500  }
0x141: {  	s6 =	sadd.s32 $0x1, s6;
	s31 =	rddreg [dreg:$0x12]  }
0x142: {  	p0 =	sne.s32 s6, s31  }
.Ltmp1:
0x143: {  	_ = 	snop;
	(pc) =	sbr.rel @p0 .LBB2_1-.Ltmp1, $3  }
0x144: {  	_ =	sdelay $0x1  }
0x145: {  	[sflag:s5] =	ssyncset.done $0x0  }
0x146: {  	[sflag:s5] =	ssyncadd.s32 $0xFFFFFB00  }
0x147: {  	_ =	sfence.sel $0x180000  }
0x148: {  	[bflag:$0x0] =	sbarrier.arrive $0xFFFF  }
0x149: {  	_ =	strace $0x90000047  }
0x14a: {  	s0 =	stileid.u32;
	[bflag:$0x2] =	sbarrier.arrive $0xFFFF  }
0x14b: {  	p0 =	sne.s32 s0, $0x0;
	s0 =	rddreg [dreg:$0x3]  }
0x14c: {  	s0 =	sadd.s32 @!p0 $0x100000, s0  }
0x14d: {  	[sflag:s0] =	ssyncadd.tile.s32 @!p0 $0x1;
	_ =	shalt  }
.Lfunc_end2:
_tile_overlayer_lowered:
.L_overlay_start_2:
0x14e: {  	(tag) =	ssettag $0x2  }
0x14f: {  	s0 =	rddreg [dreg:$0x0];
	s2 =	stileid.u32  }
0x150: {  	s1 =	rddreg [dreg:$0x1];
	p0 =	sne.s32 s2, $0x0  }
0x151: {  	s3 =	rddreg [dreg:$0x2];
	[bflag:$0x3] =	sbarrier.arrive $0xFFFF;
	s2 =	simm.s32 @!p0 $0x1C11  }
0x152: {  	[timem:s3], [sflag:s2] =	dma.local @!p0 [hbm:s0], s1  }
0x153: {  	s0 =	simm.s32 @!p0 $0x11  }
0x154: {  	_ =	swait.ge @!p0 [sflag:s0], s1  }
0x155: {  	s1 =	ssub.s32 @!p0 $0x0, s1;
	[sflag:s0] =	ssyncset.done @!p0 $0x0  }
0x156: {  	[sflag:s0] =	ssyncadd.s32 @!p0 s1  }
0x157: {  	[bflag:$0x3] =	sbarrier.arrive $0xFFFF  }
0x158: {  	_ =	shalt  }

</sc_bundles>
